<compile_context>
chip_gen: v7x
topology: tpu7x:2x2x1
jax: 0.10.2.dev20260603
libtpu: 0.0.44.dev20260713+nightly
codegen_flags: <defaults>
</compile_context>

<pallas_src>
import dataclasses
import functools

import jax
import jax.numpy as jnp
from jax import lax
from jax.experimental import pallas as pl
from jax.experimental.pallas import tpu as pltpu
from jax.experimental.pallas import tpu_sc as plsc

N = 10000
D = 256
H = 128
E = 160000
SCALE = 1.8

NC = 2
NS = 16
W = 128
CHW = 40

NPAD = 10496
STRIPE = NPAD // NS

EPAD = 163840
ED_W = EPAD // (NC * NS * W)
EP_W = EPAD // (NS * W)

_mesh = plsc.VectorSubcoreMesh(core_axis_name="c", subcore_axis_name="s")




_deg2_cp = pltpu.CompilerParams()
if "needs_layout_passes" in pltpu.CompilerParams.__dataclass_fields__:
    _deg2_cp = dataclasses.replace(_deg2_cp, needs_layout_passes=False)


@functools.partial(
    pl.kernel,
    out_type=jax.ShapeDtypeStruct((NC * NS * NPAD,), jnp.float32),
    mesh=_mesh,
    compiler_params=_deg2_cp,
    scratch_types=[
        pltpu.VMEM((ED_W * W,), jnp.int32),
        pltpu.VMEM((NPAD,), jnp.float32),
    ],
)
def _sc_deg2(dst_hbm, z1_hbm, out_hbm, idx_v, hist_v):
    c = lax.axis_index("c")
    s = lax.axis_index("s")
    w = c * NS + s
    pltpu.sync_copy(dst_hbm.at[pl.ds(w * (ED_W * W), ED_W * W)], idx_v)
    pltpu.sync_copy(z1_hbm, hist_v)
    one = jnp.ones((16,), jnp.float32)

    @pl.loop(0, ED_W * W // 16)
    def _(i):
        plsc.addupdate_scatter(hist_v, [idx_v[pl.ds(i * 16, 16)]], one)

    pltpu.sync_copy(hist_v, out_hbm.at[pl.ds(w * NPAD, NPAD)])




@functools.partial(
    pl.kernel,
    out_type=[jax.ShapeDtypeStruct((NPAD, H), jnp.float32)] * 2,
    mesh=_mesh,
    scratch_types=[
        pltpu.VMEM((CHW, W), jnp.int32),
        pltpu.VMEM((CHW, W), jnp.int32),
        pltpu.VMEM((W, H), jnp.float32),
        pltpu.VMEM((W, H), jnp.float32),
        pltpu.VMEM_SHARED((NPAD, H), jnp.float32),
        pltpu.SemaphoreType.DMA,
        pltpu.SemaphoreType.DMA,
        pltpu.SemaphoreType.DMA,
        pltpu.SemaphoreType.DMA,
    ],
)
def _sc_prop(src_hbm, dst_hbm, t0, t1, z_hbm, o0, o1,
             idxs_v, idxd_v, upd_a, upd_b, acc_s,
             sem_ga, sem_gb, sem_sa, sem_sb):
    c = lax.axis_index("c")
    s = lax.axis_index("s")

    def one_pass(table, out):
        pltpu.sync_copy(z_hbm.at[pl.ds(s * STRIPE, STRIPE)],
                        acc_s.at[pl.ds(s * STRIPE, STRIPE)])
        plsc.subcore_barrier()

        for ch in range(EP_W // CHW):
            pltpu.sync_copy(src_hbm.at[s, pl.ds(ch * CHW, CHW)], idxs_v)
            pltpu.sync_copy(dst_hbm.at[s, pl.ds(ch * CHW, CHW)], idxd_v)

            pltpu.async_copy(table.at[idxs_v.at[0]], upd_a, sem_ga)

            @pl.loop(0, CHW // 2)
            def _(j):
                k = 2 * j
                pltpu.make_async_copy(
                    table.at[idxs_v.at[k]], upd_a, sem_ga).wait()
                pltpu.async_copy(upd_a, acc_s.at[idxd_v.at[k]], sem_sa,
                                 add=True)

                @pl.when(j > 0)
                def _():
                    pltpu.make_async_copy(
                        upd_b, acc_s.at[idxd_v.at[k - 1]], sem_sb).wait()

                pltpu.async_copy(table.at[idxs_v.at[k + 1]], upd_b, sem_gb)
                pltpu.make_async_copy(
                    table.at[idxs_v.at[k + 1]], upd_b, sem_gb).wait()
                pltpu.async_copy(upd_b, acc_s.at[idxd_v.at[k + 1]], sem_sb,
                                 add=True)
                pltpu.make_async_copy(
                    upd_a, acc_s.at[idxd_v.at[k]], sem_sa).wait()

                @pl.when(k + 2 < CHW)
                def _():
                    pltpu.async_copy(
                        table.at[idxs_v.at[k + 2]], upd_a, sem_ga)

            pltpu.make_async_copy(
                upd_b, acc_s.at[idxd_v.at[CHW - 1]], sem_sb).wait()

        plsc.subcore_barrier()
        pltpu.sync_copy(acc_s.at[pl.ds(s * STRIPE, STRIPE)],
                        out.at[pl.ds(s * STRIPE, STRIPE)])
        plsc.subcore_barrier()

    @pl.when(c == 0)
    def _():
        one_pass(t0, o0)

    @pl.when(c == 1)
    def _():
        one_pass(t1, o1)




def _dinv_block(degp_ref):
    deg = 1.0 + jnp.sum(degp_ref[...], axis=1, keepdims=True)
    return lax.rsqrt(deg)


def _tc_mats_body(x_ref, w1_ref, b1_ref, w2_ref, b2_ref, degp_ref,
                  u1a_ref, u1b_ref, u2a_ref, u2b_ref):
    dinv = _dinv_block(degp_ref)
    dn = (((1,), (1,)), ((), ()))
    y1 = lax.dot_general(x_ref[...], w1_ref[...], dn,
                         preferred_element_type=jnp.float32) + b1_ref[...]
    u1 = dinv * y1
    y2 = lax.dot_general(x_ref[...], w2_ref[...], dn,
                         preferred_element_type=jnp.float32) + b2_ref[...]
    nrm = jnp.sqrt(jnp.sum(y2 * y2, axis=1, keepdims=True))
    u2 = dinv * (SCALE / jnp.maximum(nrm, 1e-12)) * y2
    u1a_ref[...] = u1[:, :H]
    u1b_ref[...] = u1[:, H:]
    u2a_ref[...] = u2[:, :H]
    u2b_ref[...] = u2[:, H:]


def _tc_fin_body(degp_ref, ua_ref, ub_ref, aa_ref, ab_ref, o_ref):
    dinv = _dinv_block(degp_ref)
    o_ref[...] = dinv * jnp.concatenate(
        [aa_ref[...] + ua_ref[...], ab_ref[...] + ub_ref[...]], axis=1)


RB = 400
TC_GRID = N // RB


def _row_spec(w):
    return pl.BlockSpec((RB, w), lambda i: (i, 0))


def _full_spec(h, w):
    return pl.BlockSpec((h, w), lambda i: (0, 0))


_degp_spec = pl.BlockSpec((RB, NC * NS), lambda i: (i, 0))

_tc_mats = pl.pallas_call(
    _tc_mats_body,
    grid=(TC_GRID,),
    in_specs=[_row_spec(D), _full_spec(D, D), _full_spec(1, D),
              _full_spec(D, D), _full_spec(1, D), _degp_spec],
    out_specs=[_row_spec(H)] * 4,
    out_shape=[jax.ShapeDtypeStruct((NPAD, H), jnp.float32)] * 4,
)

_tc_fin = pl.pallas_call(
    _tc_fin_body,
    grid=(TC_GRID,),
    in_specs=[_degp_spec] + [_row_spec(H)] * 4,
    out_specs=_row_spec(D),
    out_shape=jax.ShapeDtypeStruct((N, D), jnp.float32),
)




def kernel(x, edge_index, W1, b1, W2, b2):
    src = edge_index[0].astype(jnp.int32)
    dst = edge_index[1].astype(jnp.int32)
    pad = N + (jnp.arange(EPAD - E, dtype=jnp.int32) % (NPAD - N))
    src = jnp.concatenate([src, pad]).reshape(NS, EP_W, W)
    dst = jnp.concatenate([dst, pad]).reshape(NS, EP_W, W)

    z128 = jnp.zeros((NPAD, H), jnp.float32)
    z1 = jnp.zeros((NPAD,), jnp.float32)

    degp = _sc_deg2(dst.reshape(EPAD), z1).reshape(NC * NS, NPAD).T
    u1a, u1b, u2a, u2b = _tc_mats(x, W1, b1.reshape(1, D),
                                  W2, b2.reshape(1, D), degp)
    a1a, a1b = _sc_prop(src, dst, u1a, u1b, z128)
    a2a, a2b = _sc_prop(src, dst, u2a, u2b, z128)
    x_ = _tc_fin(degp, u1a, u1b, a1a, a1b)
    h = _tc_fin(degp, u2a, u2b, a2a, a2b)
    return (h, x_)

# --- scband reference (transcript-rebuilt; emitter-appended) ---
"""Pipeline reference for scband-encoder-30743375905362 (READ-ONLY COPY).

The authoritative reference and input builder live on the scoring server;
editing this copy changes nothing except your own understanding.
"""

import jax, jax.numpy as jnp
import numpy as np

N_NODES = 10000
N_EDGES = 160000
D_IN = 256
D_OUT = 256
SCALING_FACTOR = 1.8  # args.scaling_factor (DVGAE default)


def setup_inputs(seed: int = 0) -> dict:
    key = jax.random.key(seed)
    k1, k2, k3, k4, k5, k6 = jax.random.split(key, 6)
    x = jax.random.normal(k1, (N_NODES, D_IN), dtype=jnp.float32)
    edge_index = jax.random.randint(k2, (2, N_EDGES), 0, N_NODES, dtype=jnp.int64)
    # nn.Linear params (kaiming-uniform-ish init)
    lim1 = 1.0 / np.sqrt(D_IN)
    W1 = jax.random.uniform(k3, (D_OUT, D_IN), minval=-lim1, maxval=lim1, dtype=jnp.float32)
    b1 = jax.random.uniform(k4, (D_OUT,), minval=-lim1, maxval=lim1, dtype=jnp.float32)
    W2 = jax.random.uniform(k5, (D_OUT, D_IN), minval=-lim1, maxval=lim1, dtype=jnp.float32)
    b2 = jax.random.uniform(k6, (D_OUT,), minval=-lim1, maxval=lim1, dtype=jnp.float32)
    return {"x": x, "edge_index": edge_index, "W1": W1, "b1": b1, "W2": W2, "b2": b2}


def _appnp_k1_alpha0(x, edge_index):
    # PyG APPNP(K=1, alpha=0) == one step of GCN-normalized propagation with self-loops
    n = x.shape[0]
    loop = jnp.arange(n, dtype=edge_index.dtype)
    src = jnp.concatenate([edge_index[0], loop])
    dst = jnp.concatenate([edge_index[1], loop])
    deg = jnp.zeros((n,), dtype=x.dtype).at[dst].add(1.0)
    deg_inv_sqrt = jnp.where(deg > 0, 1.0 / jnp.sqrt(deg), 0.0)
    norm = deg_inv_sqrt[src] * deg_inv_sqrt[dst]
    msg = norm[:, None] * jnp.take(x, src, axis=0)
    out = jnp.zeros((n, x.shape[1]), dtype=x.dtype).at[dst].add(msg)
    return out


def reference(x, edge_index, W1, b1, W2, b2):
    # args.model == 'DVGAE' branch
    x_ = x @ W1.T + b1
    x_ = _appnp_k1_alpha0(x_, edge_index)
    h = x @ W2.T + b2
    # F.normalize(h, p=2, dim=1) * scaling_factor
    nrm = jnp.sqrt(jnp.sum(h * h, axis=1, keepdims=True))
    h = h / jnp.maximum(nrm, 1e-12) * SCALING_FACTOR
    h = _appnp_k1_alpha0(h, edge_index)
    return (h, x_)

if __name__ == "__main__":
    import jax
    _d = setup_inputs()
    print(jax.jit(kernel)(*tuple(_d.values())))

</pallas_src>

<mosaic_0001>
#map = affine_map<(d0, d1) -> (0, 0, 0)>
#map1 = affine_map<(d0, d1) -> (0, 0)>
module attributes {stable_mosaic.version = 14 : i64} {
  func.func @_sc_prop(%arg0: i32, %arg1: i32, %arg2: memref<16x80x128xi32, #tpu.memory_space<hbm>>, %arg3: memref<16x80x128xi32, #tpu.memory_space<hbm>>, %arg4: memref<10496x128xf32, #tpu.memory_space<hbm>>, %arg5: memref<10496x128xf32, #tpu.memory_space<hbm>>, %arg6: memref<10496x128xf32, #tpu.memory_space<hbm>>, %arg7: memref<10496x128xf32, #tpu.memory_space<hbm>>, %arg8: memref<10496x128xf32, #tpu.memory_space<hbm>>, %arg9: memref<40x128xi32, #tpu.memory_space<vmem>>, %arg10: memref<40x128xi32, #tpu.memory_space<vmem>>, %arg11: memref<128x128xf32, #tpu.memory_space<vmem>>, %arg12: memref<128x128xf32, #tpu.memory_space<vmem>>, %arg13: memref<10496x128xf32, #tpu.memory_space<vmem_shared>>, %arg14: memref<!tpu.dma_semaphore, #tpu.memory_space<semaphore_mem>>, %arg15: memref<!tpu.dma_semaphore, #tpu.memory_space<semaphore_mem>>, %arg16: memref<!tpu.dma_semaphore, #tpu.memory_space<semaphore_mem>>, %arg17: memref<!tpu.dma_semaphore, #tpu.memory_space<semaphore_mem>>) attributes {dimension_semantics = [#tpu.dimension_semantics<core_parallel>, #tpu.dimension_semantics<subcore_parallel>], iteration_bounds = array<i64: 2, 16>, scalar_prefetch = 0 : i64, scratch_operands = 9 : i64, tpu.core_type = #tpu.core_type<sc_vector_subcore>, window_params = [{transform_indices = #map}, {transform_indices = #map}, {transform_indices = #map1}, {transform_indices = #map1}, {transform_indices = #map1}, {transform_indices = #map1}, {transform_indices = #map1}]} {
    %eq3A = arith.constant 0 : i32
    %eq3A_0 = arith.cmpi eq, %arg0, %eq3A : i32
    %convert_element_type3A = arith.extui %eq3A_0 : i1 to i32
    %cond3A = arith.constant 0 : i32
    %cond3A_1 = arith.cmpi ne, %convert_element_type3A, %cond3A : i32
    scf.if %cond3A_1 {
      %mul3A = arith.constant 656 : i32
      %mul3A_7 = arith.muli %arg1, %mul3A : i32
      %mul3A_8 = arith.constant 656 : i32
      %mul3A_9 = arith.muli %arg1, %mul3A_8 : i32
      "tpu.region"() ({
        %run_scoped3A = tpu.sem_alloc : memref<!tpu.dma_semaphore, #tpu.memory_space<semaphore_mem>>
        %dma_start3A_51 = arith.constant 0 : i32
        %dma_start3A_52 = tpu.memref_slice %arg13[%mul3A_9, %dma_start3A_51] : memref<10496x128xf32, #tpu.memory_space<vmem_shared>> -> memref<656x128xf32, #tpu.memory_space<vmem_shared>>
        %dma_start3A_53 = arith.constant 0 : i32
        %dma_start3A_54 = tpu.memref_slice %arg6[%mul3A_7, %dma_start3A_53] : memref<10496x128xf32, #tpu.memory_space<hbm>> -> memref<656x128xf32, #tpu.memory_space<hbm>>
        tpu.enqueue_dma source(%dma_start3A_54 : memref<656x128xf32, #tpu.memory_space<hbm>>) target(%dma_start3A_52 : memref<656x128xf32, #tpu.memory_space<vmem_shared>>) target_semaphore(%run_scoped3A : memref<!tpu.dma_semaphore, #tpu.memory_space<semaphore_mem>>)
        %dma_wait3A_55 = arith.constant 0 : i32
        %dma_wait3A_56 = tpu.memref_slice %arg13[%mul3A_9, %dma_wait3A_55] : memref<10496x128xf32, #tpu.memory_space<vmem_shared>> -> memref<656x128xf32, #tpu.memory_space<vmem_shared>>
        %dma_wait3A_57 = arith.constant 0 : i32
        %dma_wait3A_58 = tpu.memref_slice %arg6[%mul3A_7, %dma_wait3A_57] : memref<10496x128xf32, #tpu.memory_space<hbm>> -> memref<656x128xf32, #tpu.memory_space<hbm>>
        tpu.wait_dma2 semaphore(%run_scoped3A : memref<!tpu.dma_semaphore, #tpu.memory_space<semaphore_mem>>) src(%dma_wait3A_58 : memref<656x128xf32, #tpu.memory_space<hbm>>) dst(%dma_wait3A_56 : memref<656x128xf32, #tpu.memory_space<vmem_shared>>)
        tpu.yield
      }) : () -> ()
      %barrier3A = arith.constant 0 : index
      tpu.barrier barrier_id(%barrier3A)
      "tpu.region"() ({
        %run_scoped3A = tpu.sem_alloc : memref<!tpu.dma_semaphore, #tpu.memory_space<semaphore_mem>>
        %dma_start3A_51 = arith.constant 0 : i32
        %dma_start3A_52 = arith.constant 0 : i32
        %dma_start3A_53 = tpu.memref_slice %arg2[%arg1, %dma_start3A_51, %dma_start3A_52] : memref<16x80x128xi32, #tpu.memory_space<hbm>> -> memref<1x40x128xi32, #tpu.memory_space<hbm>>
        %dma_start3A_54 = tpu.memref_squeeze %dma_start3A_53 : memref<1x40x128xi32, #tpu.memory_space<hbm>> -> memref<40x128xi32, #tpu.memory_space<hbm>>
        %dma_start3A_55 = arith.constant 0 : i32
        %dma_start3A_56 = arith.constant 0 : i32
        %dma_start3A_57 = tpu.memref_slice %arg2[%arg1, %dma_start3A_55, %dma_start3A_56] : memref<16x80x128xi32, #tpu.memory_space<hbm>> -> memref<1x40x128xi32, #tpu.memory_space<hbm>>
        %dma_start3A_58 = tpu.memref_squeeze %dma_start3A_57 : memref<1x40x128xi32, #tpu.memory_space<hbm>> -> memref<40x128xi32, #tpu.memory_space<hbm>>
        tpu.enqueue_dma source(%dma_start3A_58 : memref<40x128xi32, #tpu.memory_space<hbm>>) target(%arg9 : memref<40x128xi32, #tpu.memory_space<vmem>>) target_semaphore(%run_scoped3A : memref<!tpu.dma_semaphore, #tpu.memory_space<semaphore_mem>>)
        %dma_wait3A_59 = arith.constant 0 : i32
        %dma_wait3A_60 = arith.constant 0 : i32
        %dma_wait3A_61 = tpu.memref_slice %arg2[%arg1, %dma_wait3A_59, %dma_wait3A_60] : memref<16x80x128xi32, #tpu.memory_space<hbm>> -> memref<1x40x128xi32, #tpu.memory_space<hbm>>
        %dma_wait3A_62 = tpu.memref_squeeze %dma_wait3A_61 : memref<1x40x128xi32, #tpu.memory_space<hbm>> -> memref<40x128xi32, #tpu.memory_space<hbm>>
        %dma_wait3A_63 = arith.constant 0 : i32
        %dma_wait3A_64 = arith.constant 0 : i32
        %dma_wait3A_65 = tpu.memref_slice %arg2[%arg1, %dma_wait3A_63, %dma_wait3A_64] : memref<16x80x128xi32, #tpu.memory_space<hbm>> -> memref<1x40x128xi32, #tpu.memory_space<hbm>>
        %dma_wait3A_66 = tpu.memref_squeeze %dma_wait3A_65 : memref<1x40x128xi32, #tpu.memory_space<hbm>> -> memref<40x128xi32, #tpu.memory_space<hbm>>
        tpu.wait_dma2 semaphore(%run_scoped3A : memref<!tpu.dma_semaphore, #tpu.memory_space<semaphore_mem>>) src(%dma_wait3A_66 : memref<40x128xi32, #tpu.memory_space<hbm>>) dst(%arg9 : memref<40x128xi32, #tpu.memory_space<vmem>>)
        tpu.yield
      }) : () -> ()
      "tpu.region"() ({
        %run_scoped3A = tpu.sem_alloc : memref<!tpu.dma_semaphore, #tpu.memory_space<semaphore_mem>>
        %dma_start3A_51 = arith.constant 0 : i32
        %dma_start3A_52 = arith.constant 0 : i32
        %dma_start3A_53 = tpu.memref_slice %arg3[%arg1, %dma_start3A_51, %dma_start3A_52] : memref<16x80x128xi32, #tpu.memory_space<hbm>> -> memref<1x40x128xi32, #tpu.memory_space<hbm>>
        %dma_start3A_54 = tpu.memref_squeeze %dma_start3A_53 : memref<1x40x128xi32, #tpu.memory_space<hbm>> -> memref<40x128xi32, #tpu.memory_space<hbm>>
        %dma_start3A_55 = arith.constant 0 : i32
        %dma_start3A_56 = arith.constant 0 : i32
        %dma_start3A_57 = tpu.memref_slice %arg3[%arg1, %dma_start3A_55, %dma_start3A_56] : memref<16x80x128xi32, #tpu.memory_space<hbm>> -> memref<1x40x128xi32, #tpu.memory_space<hbm>>
        %dma_start3A_58 = tpu.memref_squeeze %dma_start3A_57 : memref<1x40x128xi32, #tpu.memory_space<hbm>> -> memref<40x128xi32, #tpu.memory_space<hbm>>
        tpu.enqueue_dma source(%dma_start3A_58 : memref<40x128xi32, #tpu.memory_space<hbm>>) target(%arg10 : memref<40x128xi32, #tpu.memory_space<vmem>>) target_semaphore(%run_scoped3A : memref<!tpu.dma_semaphore, #tpu.memory_space<semaphore_mem>>)
        %dma_wait3A_59 = arith.constant 0 : i32
        %dma_wait3A_60 = arith.constant 0 : i32
        %dma_wait3A_61 = tpu.memref_slice %arg3[%arg1, %dma_wait3A_59, %dma_wait3A_60] : memref<16x80x128xi32, #tpu.memory_space<hbm>> -> memref<1x40x128xi32, #tpu.memory_space<hbm>>
        %dma_wait3A_62 = tpu.memref_squeeze %dma_wait3A_61 : memref<1x40x128xi32, #tpu.memory_space<hbm>> -> memref<40x128xi32, #tpu.memory_space<hbm>>
        %dma_wait3A_63 = arith.constant 0 : i32
        %dma_wait3A_64 = arith.constant 0 : i32
        %dma_wait3A_65 = tpu.memref_slice %arg3[%arg1, %dma_wait3A_63, %dma_wait3A_64] : memref<16x80x128xi32, #tpu.memory_space<hbm>> -> memref<1x40x128xi32, #tpu.memory_space<hbm>>
        %dma_wait3A_66 = tpu.memref_squeeze %dma_wait3A_65 : memref<1x40x128xi32, #tpu.memory_space<hbm>> -> memref<40x128xi32, #tpu.memory_space<hbm>>
        tpu.wait_dma2 semaphore(%run_scoped3A : memref<!tpu.dma_semaphore, #tpu.memory_space<semaphore_mem>>) src(%dma_wait3A_66 : memref<40x128xi32, #tpu.memory_space<hbm>>) dst(%arg10 : memref<40x128xi32, #tpu.memory_space<vmem>>)
        tpu.yield
      }) : () -> ()
      %dma_start3A = arith.constant 0 : i32
      %dma_start3A_10 = arith.constant 0 : i32
      %dma_start3A_11 = tpu.memref_slice %arg9[%dma_start3A, %dma_start3A_10] : memref<40x128xi32, #tpu.memory_space<vmem>> -> memref<1x128xi32, #tpu.memory_space<vmem>>
      %dma_start3A_12 = tpu.memref_squeeze %dma_start3A_11 : memref<1x128xi32, #tpu.memory_space<vmem>> -> memref<128xi32, #tpu.memory_space<vmem>>
      %dma_start3A_13 = arith.constant 0 : i32
      %dma_start3A_14 = arith.constant 0 : i32
      %dma_start3A_15 = tpu.memref_slice %arg4[%dma_start3A_13, %dma_start3A_14] : memref<10496x128xf32, #tpu.memory_space<hbm>> -> memref<10496x128xf32, #tpu.memory_space<hbm>>
      tpu.enqueue_indirect_dma source(%dma_start3A_15 : memref<10496x128xf32, #tpu.memory_space<hbm>>) target(%arg11 : memref<128x128xf32, #tpu.memory_space<vmem>>) offsets(%dma_start3A_12 : memref<128xi32, #tpu.memory_space<vmem>>) semaphore(%arg14 : memref<!tpu.dma_semaphore, #tpu.memory_space<semaphore_mem>>)
      %scan3A = arith.constant 0 : i32
      %scan3A_16 = arith.constant 20 : i32
      %scan3A_17 = arith.addi %scan3A, %scan3A_16 : i32
      %scan3A_18 = arith.constant 1 : i32
      scf.for %scan3A_51 = %scan3A to %scan3A_17 step %scan3A_18  : i32 {
        %mul3A_52 = arith.constant 1 : i32
        %mul3A_53 = arith.muli %scan3A_51, %mul3A_52 : i32
        %add3A = arith.constant 0 : i32
        %add3A_54 = arith.addi %add3A, %mul3A_53 : i32
        %mul3A_55 = arith.constant 2 : i32
        %mul3A_56 = arith.muli %mul3A_55, %add3A_54 : i32
        %dma_wait3A_57 = arith.constant 0 : i32
        %dma_wait3A_58 = tpu.memref_slice %arg9[%mul3A_56, %dma_wait3A_57] : memref<40x128xi32, #tpu.memory_space<vmem>> -> memref<1x128xi32, #tpu.memory_space<vmem>>
        %dma_wait3A_59 = tpu.memref_squeeze %dma_wait3A_58 : memref<1x128xi32, #tpu.memory_space<vmem>> -> memref<128xi32, #tpu.memory_space<vmem>>
        %dma_wait3A_60 = arith.constant 0 : i32
        %dma_wait3A_61 = arith.constant 0 : i32
        %dma_wait3A_62 = tpu.memref_slice %arg4[%dma_wait3A_60, %dma_wait3A_61] : memref<10496x128xf32, #tpu.memory_space<hbm>> -> memref<10496x128xf32, #tpu.memory_space<hbm>>
        tpu.wait_indirect_dma semaphore(%arg14 : memref<!tpu.dma_semaphore, #tpu.memory_space<semaphore_mem>>) src(%dma_wait3A_62 : memref<10496x128xf32, #tpu.memory_space<hbm>>) dst(%arg11 : memref<128x128xf32, #tpu.memory_space<vmem>>)
        %dma_start3A_63 = arith.constant 0 : i32
        %dma_start3A_64 = tpu.memref_slice %arg10[%mul3A_56, %dma_start3A_63] : memref<40x128xi32, #tpu.memory_space<vmem>> -> memref<1x128xi32, #tpu.memory_space<vmem>>
        %dma_start3A_65 = tpu.memref_squeeze %dma_start3A_64 : memref<1x128xi32, #tpu.memory_space<vmem>> -> memref<128xi32, #tpu.memory_space<vmem>>
        %dma_start3A_66 = arith.constant 0 : i32
        %dma_start3A_67 = arith.constant 0 : i32
        %dma_start3A_68 = tpu.memref_slice %arg13[%dma_start3A_66, %dma_start3A_67] : memref<10496x128xf32, #tpu.memory_space<vmem_shared>> -> memref<10496x128xf32, #tpu.memory_space<vmem_shared>>
        tpu.enqueue_indirect_dma source(%arg11 : memref<128x128xf32, #tpu.memory_space<vmem>>) target(%dma_start3A_68 : memref<10496x128xf32, #tpu.memory_space<vmem_shared>>) offsets(%dma_start3A_65 : memref<128xi32, #tpu.memory_space<vmem>>) semaphore(%arg16 : memref<!tpu.dma_semaphore, #tpu.memory_space<semaphore_mem>>) {add = true}
        %gt3A = arith.constant 0 : i32
        %gt3A_69 = arith.cmpi sgt, %add3A_54, %gt3A : i32
        %convert_element_type3A_70 = arith.extui %gt3A_69 : i1 to i32
        %cond3A_71 = arith.constant 0 : i32
        %cond3A_72 = arith.cmpi ne, %convert_element_type3A_70, %cond3A_71 : i32
        scf.if %cond3A_72 {
          %sub3A = arith.constant 1 : i32
          %sub3A_109 = arith.subi %mul3A_56, %sub3A : i32
          %dma_wait3A_110 = arith.constant 0 : i32
          %dma_wait3A_111 = tpu.memref_slice %arg10[%sub3A_109, %dma_wait3A_110] : memref<40x128xi32, #tpu.memory_space<vmem>> -> memref<1x128xi32, #tpu.memory_space<vmem>>
          %dma_wait3A_112 = tpu.memref_squeeze %dma_wait3A_111 : memref<1x128xi32, #tpu.memory_space<vmem>> -> memref<128xi32, #tpu.memory_space<vmem>>
          %dma_wait3A_113 = arith.constant 0 : i32
          %dma_wait3A_114 = arith.constant 0 : i32
          %dma_wait3A_115 = tpu.memref_slice %arg13[%dma_wait3A_113, %dma_wait3A_114] : memref<10496x128xf32, #tpu.memory_space<vmem_shared>> -> memref<10496x128xf32, #tpu.memory_space<vmem_shared>>
          tpu.wait_indirect_dma semaphore(%arg17 : memref<!tpu.dma_semaphore, #tpu.memory_space<semaphore_mem>>) src(%arg12 : memref<128x128xf32, #tpu.memory_space<vmem>>) dst(%dma_wait3A_115 : memref<10496x128xf32, #tpu.memory_space<vmem_shared>>)
        } else {
        }
        %add3A_73 = arith.constant 1 : i32
        %add3A_74 = arith.addi %mul3A_56, %add3A_73 : i32
        %dma_start3A_75 = arith.constant 0 : i32
        %dma_start3A_76 = tpu.memref_slice %arg9[%add3A_74, %dma_start3A_75] : memref<40x128xi32, #tpu.memory_space<vmem>> -> memref<1x128xi32, #tpu.memory_space<vmem>>
        %dma_start3A_77 = tpu.memref_squeeze %dma_start3A_76 : memref<1x128xi32, #tpu.memory_space<vmem>> -> memref<128xi32, #tpu.memory_space<vmem>>
        %dma_start3A_78 = arith.constant 0 : i32
        %dma_start3A_79 = arith.constant 0 : i32
        %dma_start3A_80 = tpu.memref_slice %arg4[%dma_start3A_78, %dma_start3A_79] : memref<10496x128xf32, #tpu.memory_space<hbm>> -> memref<10496x128xf32, #tpu.memory_space<hbm>>
        tpu.enqueue_indirect_dma source(%dma_start3A_80 : memref<10496x128xf32, #tpu.memory_space<hbm>>) target(%arg12 : memref<128x128xf32, #tpu.memory_space<vmem>>) offsets(%dma_start3A_77 : memref<128xi32, #tpu.memory_space<vmem>>) semaphore(%arg15 : memref<!tpu.dma_semaphore, #tpu.memory_space<semaphore_mem>>)
        %add3A_81 = arith.constant 1 : i32
        %add3A_82 = arith.addi %mul3A_56, %add3A_81 : i32
        %dma_wait3A_83 = arith.constant 0 : i32
        %dma_wait3A_84 = tpu.memref_slice %arg9[%add3A_82, %dma_wait3A_83] : memref<40x128xi32, #tpu.memory_space<vmem>> -> memref<1x128xi32, #tpu.memory_space<vmem>>
        %dma_wait3A_85 = tpu.memref_squeeze %dma_wait3A_84 : memref<1x128xi32, #tpu.memory_space<vmem>> -> memref<128xi32, #tpu.memory_space<vmem>>
        %dma_wait3A_86 = arith.constant 0 : i32
        %dma_wait3A_87 = arith.constant 0 : i32
        %dma_wait3A_88 = tpu.memref_slice %arg4[%dma_wait3A_86, %dma_wait3A_87] : memref<10496x128xf32, #tpu.memory_space<hbm>> -> memref<10496x128xf32, #tpu.memory_space<hbm>>
        tpu.wait_indirect_dma semaphore(%arg15 : memref<!tpu.dma_semaphore, #tpu.memory_space<semaphore_mem>>) src(%dma_wait3A_88 : memref<10496x128xf32, #tpu.memory_space<hbm>>) dst(%arg12 : memref<128x128xf32, #tpu.memory_space<vmem>>)
        %add3A_89 = arith.constant 1 : i32
        %add3A_90 = arith.addi %mul3A_56, %add3A_89 : i32
        %dma_start3A_91 = arith.constant 0 : i32
        %dma_start3A_92 = tpu.memref_slice %arg10[%add3A_90, %dma_start3A_91] : memref<40x128xi32, #tpu.memory_space<vmem>> -> memref<1x128xi32, #tpu.memory_space<vmem>>
        %dma_start3A_93 = tpu.memref_squeeze %dma_start3A_92 : memref<1x128xi32, #tpu.memory_space<vmem>> -> memref<128xi32, #tpu.memory_space<vmem>>
        %dma_start3A_94 = arith.constant 0 : i32
        %dma_start3A_95 = arith.constant 0 : i32
        %dma_start3A_96 = tpu.memref_slice %arg13[%dma_start3A_94, %dma_start3A_95] : memref<10496x128xf32, #tpu.memory_space<vmem_shared>> -> memref<10496x128xf32, #tpu.memory_space<vmem_shared>>
        tpu.enqueue_indirect_dma source(%arg12 : memref<128x128xf32, #tpu.memory_space<vmem>>) target(%dma_start3A_96 : memref<10496x128xf32, #tpu.memory_space<vmem_shared>>) offsets(%dma_start3A_93 : memref<128xi32, #tpu.memory_space<vmem>>) semaphore(%arg17 : memref<!tpu.dma_semaphore, #tpu.memory_space<semaphore_mem>>) {add = true}
        %dma_wait3A_97 = arith.constant 0 : i32
        %dma_wait3A_98 = tpu.memref_slice %arg10[%mul3A_56, %dma_wait3A_97] : memref<40x128xi32, #tpu.memory_space<vmem>> -> memref<1x128xi32, #tpu.memory_space<vmem>>
        %dma_wait3A_99 = tpu.memref_squeeze %dma_wait3A_98 : memref<1x128xi32, #tpu.memory_space<vmem>> -> memref<128xi32, #tpu.memory_space<vmem>>
        %dma_wait3A_100 = arith.constant 0 : i32
        %dma_wait3A_101 = arith.constant 0 : i32
        %dma_wait3A_102 = tpu.memref_slice %arg13[%dma_wait3A_100, %dma_wait3A_101] : memref<10496x128xf32, #tpu.memory_space<vmem_shared>> -> memref<10496x128xf32, #tpu.memory_space<vmem_shared>>
        tpu.wait_indirect_dma semaphore(%arg16 : memref<!tpu.dma_semaphore, #tpu.memory_space<semaphore_mem>>) src(%arg11 : memref<128x128xf32, #tpu.memory_space<vmem>>) dst(%dma_wait3A_102 : memref<10496x128xf32, #tpu.memory_space<vmem_shared>>)
        %add3A_103 = arith.constant 2 : i32
        %add3A_104 = arith.addi %mul3A_56, %add3A_103 : i32
        %lt3A = arith.constant 40 : i32
        %lt3A_105 = arith.cmpi slt, %add3A_104, %lt3A : i32
        %convert_element_type3A_106 = arith.extui %lt3A_105 : i1 to i32
        %cond3A_107 = arith.constant 0 : i32
        %cond3A_108 = arith.cmpi ne, %convert_element_type3A_106, %cond3A_107 : i32
        scf.if %cond3A_108 {
          %add3A_109 = arith.constant 2 : i32
          %add3A_110 = arith.addi %mul3A_56, %add3A_109 : i32
          %dma_start3A_111 = arith.constant 0 : i32
          %dma_start3A_112 = tpu.memref_slice %arg9[%add3A_110, %dma_start3A_111] : memref<40x128xi32, #tpu.memory_space<vmem>> -> memref<1x128xi32, #tpu.memory_space<vmem>>
          %dma_start3A_113 = tpu.memref_squeeze %dma_start3A_112 : memref<1x128xi32, #tpu.memory_space<vmem>> -> memref<128xi32, #tpu.memory_space<vmem>>
          %dma_start3A_114 = arith.constant 0 : i32
          %dma_start3A_115 = arith.constant 0 : i32
          %dma_start3A_116 = tpu.memref_slice %arg4[%dma_start3A_114, %dma_start3A_115] : memref<10496x128xf32, #tpu.memory_space<hbm>> -> memref<10496x128xf32, #tpu.memory_space<hbm>>
          tpu.enqueue_indirect_dma source(%dma_start3A_116 : memref<10496x128xf32, #tpu.memory_space<hbm>>) target(%arg11 : memref<128x128xf32, #tpu.memory_space<vmem>>) offsets(%dma_start3A_113 : memref<128xi32, #tpu.memory_space<vmem>>) semaphore(%arg14 : memref<!tpu.dma_semaphore, #tpu.memory_space<semaphore_mem>>)
        } else {
        }
      }
      %scan3A_19 = arith.constant 20 : i32
      %dma_wait3A = arith.constant 39 : i32
      %dma_wait3A_20 = arith.constant 0 : i32
      %dma_wait3A_21 = tpu.memref_slice %arg10[%dma_wait3A, %dma_wait3A_20] : memref<40x128xi32, #tpu.memory_space<vmem>> -> memref<1x128xi32, #tpu.memory_space<vmem>>
      %dma_wait3A_22 = tpu.memref_squeeze %dma_wait3A_21 : memref<1x128xi32, #tpu.memory_space<vmem>> -> memref<128xi32, #tpu.memory_space<vmem>>
      %dma_wait3A_23 = arith.constant 0 : i32
      %dma_wait3A_24 = arith.constant 0 : i32
      %dma_wait3A_25 = tpu.memref_slice %arg13[%dma_wait3A_23, %dma_wait3A_24] : memref<10496x128xf32, #tpu.memory_space<vmem_shared>> -> memref<10496x128xf32, #tpu.memory_space<vmem_shared>>
      tpu.wait_indirect_dma semaphore(%arg17 : memref<!tpu.dma_semaphore, #tpu.memory_space<semaphore_mem>>) src(%arg12 : memref<128x128xf32, #tpu.memory_space<vmem>>) dst(%dma_wait3A_25 : memref<10496x128xf32, #tpu.memory_space<vmem_shared>>)
      "tpu.region"() ({
        %run_scoped3A = tpu.sem_alloc : memref<!tpu.dma_semaphore, #tpu.memory_space<semaphore_mem>>
        %dma_start3A_51 = arith.constant 40 : i32
        %dma_start3A_52 = arith.constant 0 : i32
        %dma_start3A_53 = tpu.memref_slice %arg2[%arg1, %dma_start3A_51, %dma_start3A_52] : memref<16x80x128xi32, #tpu.memory_space<hbm>> -> memref<1x40x128xi32, #tpu.memory_space<hbm>>
        %dma_start3A_54 = tpu.memref_squeeze %dma_start3A_53 : memref<1x40x128xi32, #tpu.memory_space<hbm>> -> memref<40x128xi32, #tpu.memory_space<hbm>>
        %dma_start3A_55 = arith.constant 40 : i32
        %dma_start3A_56 = arith.constant 0 : i32
        %dma_start3A_57 = tpu.memref_slice %arg2[%arg1, %dma_start3A_55, %dma_start3A_56] : memref<16x80x128xi32, #tpu.memory_space<hbm>> -> memref<1x40x128xi32, #tpu.memory_space<hbm>>
        %dma_start3A_58 = tpu.memref_squeeze %dma_start3A_57 : memref<1x40x128xi32, #tpu.memory_space<hbm>> -> memref<40x128xi32, #tpu.memory_space<hbm>>
        tpu.enqueue_dma source(%dma_start3A_58 : memref<40x128xi32, #tpu.memory_space<hbm>>) target(%arg9 : memref<40x128xi32, #tpu.memory_space<vmem>>) target_semaphore(%run_scoped3A : memref<!tpu.dma_semaphore, #tpu.memory_space<semaphore_mem>>)
        %dma_wait3A_59 = arith.constant 40 : i32
        %dma_wait3A_60 = arith.constant 0 : i32
        %dma_wait3A_61 = tpu.memref_slice %arg2[%arg1, %dma_wait3A_59, %dma_wait3A_60] : memref<16x80x128xi32, #tpu.memory_space<hbm>> -> memref<1x40x128xi32, #tpu.memory_space<hbm>>
        %dma_wait3A_62 = tpu.memref_squeeze %dma_wait3A_61 : memref<1x40x128xi32, #tpu.memory_space<hbm>> -> memref<40x128xi32, #tpu.memory_space<hbm>>
        %dma_wait3A_63 = arith.constant 40 : i32
        %dma_wait3A_64 = arith.constant 0 : i32
        %dma_wait3A_65 = tpu.memref_slice %arg2[%arg1, %dma_wait3A_63, %dma_wait3A_64] : memref<16x80x128xi32, #tpu.memory_space<hbm>> -> memref<1x40x128xi32, #tpu.memory_space<hbm>>
        %dma_wait3A_66 = tpu.memref_squeeze %dma_wait3A_65 : memref<1x40x128xi32, #tpu.memory_space<hbm>> -> memref<40x128xi32, #tpu.memory_space<hbm>>
        tpu.wait_dma2 semaphore(%run_scoped3A : memref<!tpu.dma_semaphore, #tpu.memory_space<semaphore_mem>>) src(%dma_wait3A_66 : memref<40x128xi32, #tpu.memory_space<hbm>>) dst(%arg9 : memref<40x128xi32, #tpu.memory_space<vmem>>)
        tpu.yield
      }) : () -> ()
      "tpu.region"() ({
        %run_scoped3A = tpu.sem_alloc : memref<!tpu.dma_semaphore, #tpu.memory_space<semaphore_mem>>
        %dma_start3A_51 = arith.constant 40 : i32
        %dma_start3A_52 = arith.constant 0 : i32
        %dma_start3A_53 = tpu.memref_slice %arg3[%arg1, %dma_start3A_51, %dma_start3A_52] : memref<16x80x128xi32, #tpu.memory_space<hbm>> -> memref<1x40x128xi32, #tpu.memory_space<hbm>>
        %dma_start3A_54 = tpu.memref_squeeze %dma_start3A_53 : memref<1x40x128xi32, #tpu.memory_space<hbm>> -> memref<40x128xi32, #tpu.memory_space<hbm>>
        %dma_start3A_55 = arith.constant 40 : i32
        %dma_start3A_56 = arith.constant 0 : i32
        %dma_start3A_57 = tpu.memref_slice %arg3[%arg1, %dma_start3A_55, %dma_start3A_56] : memref<16x80x128xi32, #tpu.memory_space<hbm>> -> memref<1x40x128xi32, #tpu.memory_space<hbm>>
        %dma_start3A_58 = tpu.memref_squeeze %dma_start3A_57 : memref<1x40x128xi32, #tpu.memory_space<hbm>> -> memref<40x128xi32, #tpu.memory_space<hbm>>
        tpu.enqueue_dma source(%dma_start3A_58 : memref<40x128xi32, #tpu.memory_space<hbm>>) target(%arg10 : memref<40x128xi32, #tpu.memory_space<vmem>>) target_semaphore(%run_scoped3A : memref<!tpu.dma_semaphore, #tpu.memory_space<semaphore_mem>>)
        %dma_wait3A_59 = arith.constant 40 : i32
        %dma_wait3A_60 = arith.constant 0 : i32
        %dma_wait3A_61 = tpu.memref_slice %arg3[%arg1, %dma_wait3A_59, %dma_wait3A_60] : memref<16x80x128xi32, #tpu.memory_space<hbm>> -> memref<1x40x128xi32, #tpu.memory_space<hbm>>
        %dma_wait3A_62 = tpu.memref_squeeze %dma_wait3A_61 : memref<1x40x128xi32, #tpu.memory_space<hbm>> -> memref<40x128xi32, #tpu.memory_space<hbm>>
        %dma_wait3A_63 = arith.constant 40 : i32
        %dma_wait3A_64 = arith.constant 0 : i32
        %dma_wait3A_65 = tpu.memref_slice %arg3[%arg1, %dma_wait3A_63, %dma_wait3A_64] : memref<16x80x128xi32, #tpu.memory_space<hbm>> -> memref<1x40x128xi32, #tpu.memory_space<hbm>>
        %dma_wait3A_66 = tpu.memref_squeeze %dma_wait3A_65 : memref<1x40x128xi32, #tpu.memory_space<hbm>> -> memref<40x128xi32, #tpu.memory_space<hbm>>
        tpu.wait_dma2 semaphore(%run_scoped3A : memref<!tpu.dma_semaphore, #tpu.memory_space<semaphore_mem>>) src(%dma_wait3A_66 : memref<40x128xi32, #tpu.memory_space<hbm>>) dst(%arg10 : memref<40x128xi32, #tpu.memory_space<vmem>>)
        tpu.yield
      }) : () -> ()
      %dma_start3A_26 = arith.constant 0 : i32
      %dma_start3A_27 = arith.constant 0 : i32
      %dma_start3A_28 = tpu.memref_slice %arg9[%dma_start3A_26, %dma_start3A_27] : memref<40x128xi32, #tpu.memory_space<vmem>> -> memref<1x128xi32, #tpu.memory_space<vmem>>
      %dma_start3A_29 = tpu.memref_squeeze %dma_start3A_28 : memref<1x128xi32, #tpu.memory_space<vmem>> -> memref<128xi32, #tpu.memory_space<vmem>>
      %dma_start3A_30 = arith.constant 0 : i32
      %dma_start3A_31 = arith.constant 0 : i32
      %dma_start3A_32 = tpu.memref_slice %arg4[%dma_start3A_30, %dma_start3A_31] : memref<10496x128xf32, #tpu.memory_space<hbm>> -> memref<10496x128xf32, #tpu.memory_space<hbm>>
      tpu.enqueue_indirect_dma source(%dma_start3A_32 : memref<10496x128xf32, #tpu.memory_space<hbm>>) target(%arg11 : memref<128x128xf32, #tpu.memory_space<vmem>>) offsets(%dma_start3A_29 : memref<128xi32, #tpu.memory_space<vmem>>) semaphore(%arg14 : memref<!tpu.dma_semaphore, #tpu.memory_space<semaphore_mem>>)
      %scan3A_33 = arith.constant 0 : i32
      %scan3A_34 = arith.constant 20 : i32
      %scan3A_35 = arith.addi %scan3A_33, %scan3A_34 : i32
      %scan3A_36 = arith.constant 1 : i32
      scf.for %scan3A_51 = %scan3A_33 to %scan3A_35 step %scan3A_36  : i32 {
        %mul3A_52 = arith.constant 1 : i32
        %mul3A_53 = arith.muli %scan3A_51, %mul3A_52 : i32
        %add3A = arith.constant 0 : i32
        %add3A_54 = arith.addi %add3A, %mul3A_53 : i32
        %mul3A_55 = arith.constant 2 : i32
        %mul3A_56 = arith.muli %mul3A_55, %add3A_54 : i32
        %dma_wait3A_57 = arith.constant 0 : i32
        %dma_wait3A_58 = tpu.memref_slice %arg9[%mul3A_56, %dma_wait3A_57] : memref<40x128xi32, #tpu.memory_space<vmem>> -> memref<1x128xi32, #tpu.memory_space<vmem>>
        %dma_wait3A_59 = tpu.memref_squeeze %dma_wait3A_58 : memref<1x128xi32, #tpu.memory_space<vmem>> -> memref<128xi32, #tpu.memory_space<vmem>>
        %dma_wait3A_60 = arith.constant 0 : i32
        %dma_wait3A_61 = arith.constant 0 : i32
        %dma_wait3A_62 = tpu.memref_slice %arg4[%dma_wait3A_60, %dma_wait3A_61] : memref<10496x128xf32, #tpu.memory_space<hbm>> -> memref<10496x128xf32, #tpu.memory_space<hbm>>
        tpu.wait_indirect_dma semaphore(%arg14 : memref<!tpu.dma_semaphore, #tpu.memory_space<semaphore_mem>>) src(%dma_wait3A_62 : memref<10496x128xf32, #tpu.memory_space<hbm>>) dst(%arg11 : memref<128x128xf32, #tpu.memory_space<vmem>>)
        %dma_start3A_63 = arith.constant 0 : i32
        %dma_start3A_64 = tpu.memref_slice %arg10[%mul3A_56, %dma_start3A_63] : memref<40x128xi32, #tpu.memory_space<vmem>> -> memref<1x128xi32, #tpu.memory_space<vmem>>
        %dma_start3A_65 = tpu.memref_squeeze %dma_start3A_64 : memref<1x128xi32, #tpu.memory_space<vmem>> -> memref<128xi32, #tpu.memory_space<vmem>>
        %dma_start3A_66 = arith.constant 0 : i32
        %dma_start3A_67 = arith.constant 0 : i32
        %dma_start3A_68 = tpu.memref_slice %arg13[%dma_start3A_66, %dma_start3A_67] : memref<10496x128xf32, #tpu.memory_space<vmem_shared>> -> memref<10496x128xf32, #tpu.memory_space<vmem_shared>>
        tpu.enqueue_indirect_dma source(%arg11 : memref<128x128xf32, #tpu.memory_space<vmem>>) target(%dma_start3A_68 : memref<10496x128xf32, #tpu.memory_space<vmem_shared>>) offsets(%dma_start3A_65 : memref<128xi32, #tpu.memory_space<vmem>>) semaphore(%arg16 : memref<!tpu.dma_semaphore, #tpu.memory_space<semaphore_mem>>) {add = true}
        %gt3A = arith.constant 0 : i32
        %gt3A_69 = arith.cmpi sgt, %add3A_54, %gt3A : i32
        %convert_element_type3A_70 = arith.extui %gt3A_69 : i1 to i32
        %cond3A_71 = arith.constant 0 : i32
        %cond3A_72 = arith.cmpi ne, %convert_element_type3A_70, %cond3A_71 : i32
        scf.if %cond3A_72 {
          %sub3A = arith.constant 1 : i32
          %sub3A_109 = arith.subi %mul3A_56, %sub3A : i32
          %dma_wait3A_110 = arith.constant 0 : i32
          %dma_wait3A_111 = tpu.memref_slice %arg10[%sub3A_109, %dma_wait3A_110] : memref<40x128xi32, #tpu.memory_space<vmem>> -> memref<1x128xi32, #tpu.memory_space<vmem>>
          %dma_wait3A_112 = tpu.memref_squeeze %dma_wait3A_111 : memref<1x128xi32, #tpu.memory_space<vmem>> -> memref<128xi32, #tpu.memory_space<vmem>>
          %dma_wait3A_113 = arith.constant 0 : i32
          %dma_wait3A_114 = arith.constant 0 : i32
          %dma_wait3A_115 = tpu.memref_slice %arg13[%dma_wait3A_113, %dma_wait3A_114] : memref<10496x128xf32, #tpu.memory_space<vmem_shared>> -> memref<10496x128xf32, #tpu.memory_space<vmem_shared>>
          tpu.wait_indirect_dma semaphore(%arg17 : memref<!tpu.dma_semaphore, #tpu.memory_space<semaphore_mem>>) src(%arg12 : memref<128x128xf32, #tpu.memory_space<vmem>>) dst(%dma_wait3A_115 : memref<10496x128xf32, #tpu.memory_space<vmem_shared>>)
        } else {
        }
        %add3A_73 = arith.constant 1 : i32
        %add3A_74 = arith.addi %mul3A_56, %add3A_73 : i32
        %dma_start3A_75 = arith.constant 0 : i32
        %dma_start3A_76 = tpu.memref_slice %arg9[%add3A_74, %dma_start3A_75] : memref<40x128xi32, #tpu.memory_space<vmem>> -> memref<1x128xi32, #tpu.memory_space<vmem>>
        %dma_start3A_77 = tpu.memref_squeeze %dma_start3A_76 : memref<1x128xi32, #tpu.memory_space<vmem>> -> memref<128xi32, #tpu.memory_space<vmem>>
        %dma_start3A_78 = arith.constant 0 : i32
        %dma_start3A_79 = arith.constant 0 : i32
        %dma_start3A_80 = tpu.memref_slice %arg4[%dma_start3A_78, %dma_start3A_79] : memref<10496x128xf32, #tpu.memory_space<hbm>> -> memref<10496x128xf32, #tpu.memory_space<hbm>>
        tpu.enqueue_indirect_dma source(%dma_start3A_80 : memref<10496x128xf32, #tpu.memory_space<hbm>>) target(%arg12 : memref<128x128xf32, #tpu.memory_space<vmem>>) offsets(%dma_start3A_77 : memref<128xi32, #tpu.memory_space<vmem>>) semaphore(%arg15 : memref<!tpu.dma_semaphore, #tpu.memory_space<semaphore_mem>>)
        %add3A_81 = arith.constant 1 : i32
        %add3A_82 = arith.addi %mul3A_56, %add3A_81 : i32
        %dma_wait3A_83 = arith.constant 0 : i32
        %dma_wait3A_84 = tpu.memref_slice %arg9[%add3A_82, %dma_wait3A_83] : memref<40x128xi32, #tpu.memory_space<vmem>> -> memref<1x128xi32, #tpu.memory_space<vmem>>
        %dma_wait3A_85 = tpu.memref_squeeze %dma_wait3A_84 : memref<1x128xi32, #tpu.memory_space<vmem>> -> memref<128xi32, #tpu.memory_space<vmem>>
        %dma_wait3A_86 = arith.constant 0 : i32
        %dma_wait3A_87 = arith.constant 0 : i32
        %dma_wait3A_88 = tpu.memref_slice %arg4[%dma_wait3A_86, %dma_wait3A_87] : memref<10496x128xf32, #tpu.memory_space<hbm>> -> memref<10496x128xf32, #tpu.memory_space<hbm>>
        tpu.wait_indirect_dma semaphore(%arg15 : memref<!tpu.dma_semaphore, #tpu.memory_space<semaphore_mem>>) src(%dma_wait3A_88 : memref<10496x128xf32, #tpu.memory_space<hbm>>) dst(%arg12 : memref<128x128xf32, #tpu.memory_space<vmem>>)
        %add3A_89 = arith.constant 1 : i32
        %add3A_90 = arith.addi %mul3A_56, %add3A_89 : i32
        %dma_start3A_91 = arith.constant 0 : i32
        %dma_start3A_92 = tpu.memref_slice %arg10[%add3A_90, %dma_start3A_91] : memref<40x128xi32, #tpu.memory_space<vmem>> -> memref<1x128xi32, #tpu.memory_space<vmem>>
        %dma_start3A_93 = tpu.memref_squeeze %dma_start3A_92 : memref<1x128xi32, #tpu.memory_space<vmem>> -> memref<128xi32, #tpu.memory_space<vmem>>
        %dma_start3A_94 = arith.constant 0 : i32
        %dma_start3A_95 = arith.constant 0 : i32
        %dma_start3A_96 = tpu.memref_slice %arg13[%dma_start3A_94, %dma_start3A_95] : memref<10496x128xf32, #tpu.memory_space<vmem_shared>> -> memref<10496x128xf32, #tpu.memory_space<vmem_shared>>
        tpu.enqueue_indirect_dma source(%arg12 : memref<128x128xf32, #tpu.memory_space<vmem>>) target(%dma_start3A_96 : memref<10496x128xf32, #tpu.memory_space<vmem_shared>>) offsets(%dma_start3A_93 : memref<128xi32, #tpu.memory_space<vmem>>) semaphore(%arg17 : memref<!tpu.dma_semaphore, #tpu.memory_space<semaphore_mem>>) {add = true}
        %dma_wait3A_97 = arith.constant 0 : i32
        %dma_wait3A_98 = tpu.memref_slice %arg10[%mul3A_56, %dma_wait3A_97] : memref<40x128xi32, #tpu.memory_space<vmem>> -> memref<1x128xi32, #tpu.memory_space<vmem>>
        %dma_wait3A_99 = tpu.memref_squeeze %dma_wait3A_98 : memref<1x128xi32, #tpu.memory_space<vmem>> -> memref<128xi32, #tpu.memory_space<vmem>>
        %dma_wait3A_100 = arith.constant 0 : i32
        %dma_wait3A_101 = arith.constant 0 : i32
        %dma_wait3A_102 = tpu.memref_slice %arg13[%dma_wait3A_100, %dma_wait3A_101] : memref<10496x128xf32, #tpu.memory_space<vmem_shared>> -> memref<10496x128xf32, #tpu.memory_space<vmem_shared>>
        tpu.wait_indirect_dma semaphore(%arg16 : memref<!tpu.dma_semaphore, #tpu.memory_space<semaphore_mem>>) src(%arg11 : memref<128x128xf32, #tpu.memory_space<vmem>>) dst(%dma_wait3A_102 : memref<10496x128xf32, #tpu.memory_space<vmem_shared>>)
        %add3A_103 = arith.constant 2 : i32
        %add3A_104 = arith.addi %mul3A_56, %add3A_103 : i32
        %lt3A = arith.constant 40 : i32
        %lt3A_105 = arith.cmpi slt, %add3A_104, %lt3A : i32
        %convert_element_type3A_106 = arith.extui %lt3A_105 : i1 to i32
        %cond3A_107 = arith.constant 0 : i32
        %cond3A_108 = arith.cmpi ne, %convert_element_type3A_106, %cond3A_107 : i32
        scf.if %cond3A_108 {
          %add3A_109 = arith.constant 2 : i32
          %add3A_110 = arith.addi %mul3A_56, %add3A_109 : i32
          %dma_start3A_111 = arith.constant 0 : i32
          %dma_start3A_112 = tpu.memref_slice %arg9[%add3A_110, %dma_start3A_111] : memref<40x128xi32, #tpu.memory_space<vmem>> -> memref<1x128xi32, #tpu.memory_space<vmem>>
          %dma_start3A_113 = tpu.memref_squeeze %dma_start3A_112 : memref<1x128xi32, #tpu.memory_space<vmem>> -> memref<128xi32, #tpu.memory_space<vmem>>
          %dma_start3A_114 = arith.constant 0 : i32
          %dma_start3A_115 = arith.constant 0 : i32
          %dma_start3A_116 = tpu.memref_slice %arg4[%dma_start3A_114, %dma_start3A_115] : memref<10496x128xf32, #tpu.memory_space<hbm>> -> memref<10496x128xf32, #tpu.memory_space<hbm>>
          tpu.enqueue_indirect_dma source(%dma_start3A_116 : memref<10496x128xf32, #tpu.memory_space<hbm>>) target(%arg11 : memref<128x128xf32, #tpu.memory_space<vmem>>) offsets(%dma_start3A_113 : memref<128xi32, #tpu.memory_space<vmem>>) semaphore(%arg14 : memref<!tpu.dma_semaphore, #tpu.memory_space<semaphore_mem>>)
        } else {
        }
      }
      %scan3A_37 = arith.constant 20 : i32
      %dma_wait3A_38 = arith.constant 39 : i32
      %dma_wait3A_39 = arith.constant 0 : i32
      %dma_wait3A_40 = tpu.memref_slice %arg10[%dma_wait3A_38, %dma_wait3A_39] : memref<40x128xi32, #tpu.memory_space<vmem>> -> memref<1x128xi32, #tpu.memory_space<vmem>>
      %dma_wait3A_41 = tpu.memref_squeeze %dma_wait3A_40 : memref<1x128xi32, #tpu.memory_space<vmem>> -> memref<128xi32, #tpu.memory_space<vmem>>
      %dma_wait3A_42 = arith.constant 0 : i32
      %dma_wait3A_43 = arith.constant 0 : i32
      %dma_wait3A_44 = tpu.memref_slice %arg13[%dma_wait3A_42, %dma_wait3A_43] : memref<10496x128xf32, #tpu.memory_space<vmem_shared>> -> memref<10496x128xf32, #tpu.memory_space<vmem_shared>>
      tpu.wait_indirect_dma semaphore(%arg17 : memref<!tpu.dma_semaphore, #tpu.memory_space<semaphore_mem>>) src(%arg12 : memref<128x128xf32, #tpu.memory_space<vmem>>) dst(%dma_wait3A_44 : memref<10496x128xf32, #tpu.memory_space<vmem_shared>>)
      %barrier3A_45 = arith.constant 0 : index
      tpu.barrier barrier_id(%barrier3A_45)
      %mul3A_46 = arith.constant 656 : i32
      %mul3A_47 = arith.muli %arg1, %mul3A_46 : i32
      %mul3A_48 = arith.constant 656 : i32
      %mul3A_49 = arith.muli %arg1, %mul3A_48 : i32
      "tpu.region"() ({
        %run_scoped3A = tpu.sem_alloc : memref<!tpu.dma_semaphore, #tpu.memory_space<semaphore_mem>>
        %dma_start3A_51 = arith.constant 0 : i32
        %dma_start3A_52 = tpu.memref_slice %arg7[%mul3A_49, %dma_start3A_51] : memref<10496x128xf32, #tpu.memory_space<hbm>> -> memref<656x128xf32, #tpu.memory_space<hbm>>
        %dma_start3A_53 = arith.constant 0 : i32
        %dma_start3A_54 = tpu.memref_slice %arg13[%mul3A_47, %dma_start3A_53] : memref<10496x128xf32, #tpu.memory_space<vmem_shared>> -> memref<656x128xf32, #tpu.memory_space<vmem_shared>>
        tpu.enqueue_dma source(%dma_start3A_54 : memref<656x128xf32, #tpu.memory_space<vmem_shared>>) target(%dma_start3A_52 : memref<656x128xf32, #tpu.memory_space<hbm>>) target_semaphore(%run_scoped3A : memref<!tpu.dma_semaphore, #tpu.memory_space<semaphore_mem>>)
        %dma_wait3A_55 = arith.constant 0 : i32
        %dma_wait3A_56 = tpu.memref_slice %arg7[%mul3A_49, %dma_wait3A_55] : memref<10496x128xf32, #tpu.memory_space<hbm>> -> memref<656x128xf32, #tpu.memory_space<hbm>>
        %dma_wait3A_57 = arith.constant 0 : i32
        %dma_wait3A_58 = tpu.memref_slice %arg13[%mul3A_47, %dma_wait3A_57] : memref<10496x128xf32, #tpu.memory_space<vmem_shared>> -> memref<656x128xf32, #tpu.memory_space<vmem_shared>>
        tpu.wait_dma2 semaphore(%run_scoped3A : memref<!tpu.dma_semaphore, #tpu.memory_space<semaphore_mem>>) src(%dma_wait3A_58 : memref<656x128xf32, #tpu.memory_space<vmem_shared>>) dst(%dma_wait3A_56 : memref<656x128xf32, #tpu.memory_space<hbm>>)
        tpu.yield
      }) : () -> ()
      %barrier3A_50 = arith.constant 0 : index
      tpu.barrier barrier_id(%barrier3A_50)
    } else {
    }
    %eq3A_2 = arith.constant 1 : i32
    %eq3A_3 = arith.cmpi eq, %arg0, %eq3A_2 : i32
    %convert_element_type3A_4 = arith.extui %eq3A_3 : i1 to i32
    %cond3A_5 = arith.constant 0 : i32
    %cond3A_6 = arith.cmpi ne, %convert_element_type3A_4, %cond3A_5 : i32
    scf.if %cond3A_6 {
      %mul3A = arith.constant 656 : i32
      %mul3A_7 = arith.muli %arg1, %mul3A : i32
      %mul3A_8 = arith.constant 656 : i32
      %mul3A_9 = arith.muli %arg1, %mul3A_8 : i32
      "tpu.region"() ({
        %run_scoped3A = tpu.sem_alloc : memref<!tpu.dma_semaphore, #tpu.memory_space<semaphore_mem>>
        %dma_start3A_51 = arith.constant 0 : i32
        %dma_start3A_52 = tpu.memref_slice %arg13[%mul3A_9, %dma_start3A_51] : memref<10496x128xf32, #tpu.memory_space<vmem_shared>> -> memref<656x128xf32, #tpu.memory_space<vmem_shared>>
        %dma_start3A_53 = arith.constant 0 : i32
        %dma_start3A_54 = tpu.memref_slice %arg6[%mul3A_7, %dma_start3A_53] : memref<10496x128xf32, #tpu.memory_space<hbm>> -> memref<656x128xf32, #tpu.memory_space<hbm>>
        tpu.enqueue_dma source(%dma_start3A_54 : memref<656x128xf32, #tpu.memory_space<hbm>>) target(%dma_start3A_52 : memref<656x128xf32, #tpu.memory_space<vmem_shared>>) target_semaphore(%run_scoped3A : memref<!tpu.dma_semaphore, #tpu.memory_space<semaphore_mem>>)
        %dma_wait3A_55 = arith.constant 0 : i32
        %dma_wait3A_56 = tpu.memref_slice %arg13[%mul3A_9, %dma_wait3A_55] : memref<10496x128xf32, #tpu.memory_space<vmem_shared>> -> memref<656x128xf32, #tpu.memory_space<vmem_shared>>
        %dma_wait3A_57 = arith.constant 0 : i32
        %dma_wait3A_58 = tpu.memref_slice %arg6[%mul3A_7, %dma_wait3A_57] : memref<10496x128xf32, #tpu.memory_space<hbm>> -> memref<656x128xf32, #tpu.memory_space<hbm>>
        tpu.wait_dma2 semaphore(%run_scoped3A : memref<!tpu.dma_semaphore, #tpu.memory_space<semaphore_mem>>) src(%dma_wait3A_58 : memref<656x128xf32, #tpu.memory_space<hbm>>) dst(%dma_wait3A_56 : memref<656x128xf32, #tpu.memory_space<vmem_shared>>)
        tpu.yield
      }) : () -> ()
      %barrier3A = arith.constant 0 : index
      tpu.barrier barrier_id(%barrier3A)
      "tpu.region"() ({
        %run_scoped3A = tpu.sem_alloc : memref<!tpu.dma_semaphore, #tpu.memory_space<semaphore_mem>>
        %dma_start3A_51 = arith.constant 0 : i32
        %dma_start3A_52 = arith.constant 0 : i32
        %dma_start3A_53 = tpu.memref_slice %arg2[%arg1, %dma_start3A_51, %dma_start3A_52] : memref<16x80x128xi32, #tpu.memory_space<hbm>> -> memref<1x40x128xi32, #tpu.memory_space<hbm>>
        %dma_start3A_54 = tpu.memref_squeeze %dma_start3A_53 : memref<1x40x128xi32, #tpu.memory_space<hbm>> -> memref<40x128xi32, #tpu.memory_space<hbm>>
        %dma_start3A_55 = arith.constant 0 : i32
        %dma_start3A_56 = arith.constant 0 : i32
        %dma_start3A_57 = tpu.memref_slice %arg2[%arg1, %dma_start3A_55, %dma_start3A_56] : memref<16x80x128xi32, #tpu.memory_space<hbm>> -> memref<1x40x128xi32, #tpu.memory_space<hbm>>
        %dma_start3A_58 = tpu.memref_squeeze %dma_start3A_57 : memref<1x40x128xi32, #tpu.memory_space<hbm>> -> memref<40x128xi32, #tpu.memory_space<hbm>>
        tpu.enqueue_dma source(%dma_start3A_58 : memref<40x128xi32, #tpu.memory_space<hbm>>) target(%arg9 : memref<40x128xi32, #tpu.memory_space<vmem>>) target_semaphore(%run_scoped3A : memref<!tpu.dma_semaphore, #tpu.memory_space<semaphore_mem>>)
        %dma_wait3A_59 = arith.constant 0 : i32
        %dma_wait3A_60 = arith.constant 0 : i32
        %dma_wait3A_61 = tpu.memref_slice %arg2[%arg1, %dma_wait3A_59, %dma_wait3A_60] : memref<16x80x128xi32, #tpu.memory_space<hbm>> -> memref<1x40x128xi32, #tpu.memory_space<hbm>>
        %dma_wait3A_62 = tpu.memref_squeeze %dma_wait3A_61 : memref<1x40x128xi32, #tpu.memory_space<hbm>> -> memref<40x128xi32, #tpu.memory_space<hbm>>
        %dma_wait3A_63 = arith.constant 0 : i32
        %dma_wait3A_64 = arith.constant 0 : i32
        %dma_wait3A_65 = tpu.memref_slice %arg2[%arg1, %dma_wait3A_63, %dma_wait3A_64] : memref<16x80x128xi32, #tpu.memory_space<hbm>> -> memref<1x40x128xi32, #tpu.memory_space<hbm>>
        %dma_wait3A_66 = tpu.memref_squeeze %dma_wait3A_65 : memref<1x40x128xi32, #tpu.memory_space<hbm>> -> memref<40x128xi32, #tpu.memory_space<hbm>>
        tpu.wait_dma2 semaphore(%run_scoped3A : memref<!tpu.dma_semaphore, #tpu.memory_space<semaphore_mem>>) src(%dma_wait3A_66 : memref<40x128xi32, #tpu.memory_space<hbm>>) dst(%arg9 : memref<40x128xi32, #tpu.memory_space<vmem>>)
        tpu.yield
      }) : () -> ()
      "tpu.region"() ({
        %run_scoped3A = tpu.sem_alloc : memref<!tpu.dma_semaphore, #tpu.memory_space<semaphore_mem>>
        %dma_start3A_51 = arith.constant 0 : i32
        %dma_start3A_52 = arith.constant 0 : i32
        %dma_start3A_53 = tpu.memref_slice %arg3[%arg1, %dma_start3A_51, %dma_start3A_52] : memref<16x80x128xi32, #tpu.memory_space<hbm>> -> memref<1x40x128xi32, #tpu.memory_space<hbm>>
        %dma_start3A_54 = tpu.memref_squeeze %dma_start3A_53 : memref<1x40x128xi32, #tpu.memory_space<hbm>> -> memref<40x128xi32, #tpu.memory_space<hbm>>
        %dma_start3A_55 = arith.constant 0 : i32
        %dma_start3A_56 = arith.constant 0 : i32
        %dma_start3A_57 = tpu.memref_slice %arg3[%arg1, %dma_start3A_55, %dma_start3A_56] : memref<16x80x128xi32, #tpu.memory_space<hbm>> -> memref<1x40x128xi32, #tpu.memory_space<hbm>>
        %dma_start3A_58 = tpu.memref_squeeze %dma_start3A_57 : memref<1x40x128xi32, #tpu.memory_space<hbm>> -> memref<40x128xi32, #tpu.memory_space<hbm>>
        tpu.enqueue_dma source(%dma_start3A_58 : memref<40x128xi32, #tpu.memory_space<hbm>>) target(%arg10 : memref<40x128xi32, #tpu.memory_space<vmem>>) target_semaphore(%run_scoped3A : memref<!tpu.dma_semaphore, #tpu.memory_space<semaphore_mem>>)
        %dma_wait3A_59 = arith.constant 0 : i32
        %dma_wait3A_60 = arith.constant 0 : i32
        %dma_wait3A_61 = tpu.memref_slice %arg3[%arg1, %dma_wait3A_59, %dma_wait3A_60] : memref<16x80x128xi32, #tpu.memory_space<hbm>> -> memref<1x40x128xi32, #tpu.memory_space<hbm>>
        %dma_wait3A_62 = tpu.memref_squeeze %dma_wait3A_61 : memref<1x40x128xi32, #tpu.memory_space<hbm>> -> memref<40x128xi32, #tpu.memory_space<hbm>>
        %dma_wait3A_63 = arith.constant 0 : i32
        %dma_wait3A_64 = arith.constant 0 : i32
        %dma_wait3A_65 = tpu.memref_slice %arg3[%arg1, %dma_wait3A_63, %dma_wait3A_64] : memref<16x80x128xi32, #tpu.memory_space<hbm>> -> memref<1x40x128xi32, #tpu.memory_space<hbm>>
        %dma_wait3A_66 = tpu.memref_squeeze %dma_wait3A_65 : memref<1x40x128xi32, #tpu.memory_space<hbm>> -> memref<40x128xi32, #tpu.memory_space<hbm>>
        tpu.wait_dma2 semaphore(%run_scoped3A : memref<!tpu.dma_semaphore, #tpu.memory_space<semaphore_mem>>) src(%dma_wait3A_66 : memref<40x128xi32, #tpu.memory_space<hbm>>) dst(%arg10 : memref<40x128xi32, #tpu.memory_space<vmem>>)
        tpu.yield
      }) : () -> ()
      %dma_start3A = arith.constant 0 : i32
      %dma_start3A_10 = arith.constant 0 : i32
      %dma_start3A_11 = tpu.memref_slice %arg9[%dma_start3A, %dma_start3A_10] : memref<40x128xi32, #tpu.memory_space<vmem>> -> memref<1x128xi32, #tpu.memory_space<vmem>>
      %dma_start3A_12 = tpu.memref_squeeze %dma_start3A_11 : memref<1x128xi32, #tpu.memory_space<vmem>> -> memref<128xi32, #tpu.memory_space<vmem>>
      %dma_start3A_13 = arith.constant 0 : i32
      %dma_start3A_14 = arith.constant 0 : i32
      %dma_start3A_15 = tpu.memref_slice %arg5[%dma_start3A_13, %dma_start3A_14] : memref<10496x128xf32, #tpu.memory_space<hbm>> -> memref<10496x128xf32, #tpu.memory_space<hbm>>
      tpu.enqueue_indirect_dma source(%dma_start3A_15 : memref<10496x128xf32, #tpu.memory_space<hbm>>) target(%arg11 : memref<128x128xf32, #tpu.memory_space<vmem>>) offsets(%dma_start3A_12 : memref<128xi32, #tpu.memory_space<vmem>>) semaphore(%arg14 : memref<!tpu.dma_semaphore, #tpu.memory_space<semaphore_mem>>)
      %scan3A = arith.constant 0 : i32
      %scan3A_16 = arith.constant 20 : i32
      %scan3A_17 = arith.addi %scan3A, %scan3A_16 : i32
      %scan3A_18 = arith.constant 1 : i32
      scf.for %scan3A_51 = %scan3A to %scan3A_17 step %scan3A_18  : i32 {
        %mul3A_52 = arith.constant 1 : i32
        %mul3A_53 = arith.muli %scan3A_51, %mul3A_52 : i32
        %add3A = arith.constant 0 : i32
        %add3A_54 = arith.addi %add3A, %mul3A_53 : i32
        %mul3A_55 = arith.constant 2 : i32
        %mul3A_56 = arith.muli %mul3A_55, %add3A_54 : i32
        %dma_wait3A_57 = arith.constant 0 : i32
        %dma_wait3A_58 = tpu.memref_slice %arg9[%mul3A_56, %dma_wait3A_57] : memref<40x128xi32, #tpu.memory_space<vmem>> -> memref<1x128xi32, #tpu.memory_space<vmem>>
        %dma_wait3A_59 = tpu.memref_squeeze %dma_wait3A_58 : memref<1x128xi32, #tpu.memory_space<vmem>> -> memref<128xi32, #tpu.memory_space<vmem>>
        %dma_wait3A_60 = arith.constant 0 : i32
        %dma_wait3A_61 = arith.constant 0 : i32
        %dma_wait3A_62 = tpu.memref_slice %arg5[%dma_wait3A_60, %dma_wait3A_61] : memref<10496x128xf32, #tpu.memory_space<hbm>> -> memref<10496x128xf32, #tpu.memory_space<hbm>>
        tpu.wait_indirect_dma semaphore(%arg14 : memref<!tpu.dma_semaphore, #tpu.memory_space<semaphore_mem>>) src(%dma_wait3A_62 : memref<10496x128xf32, #tpu.memory_space<hbm>>) dst(%arg11 : memref<128x128xf32, #tpu.memory_space<vmem>>)
        %dma_start3A_63 = arith.constant 0 : i32
        %dma_start3A_64 = tpu.memref_slice %arg10[%mul3A_56, %dma_start3A_63] : memref<40x128xi32, #tpu.memory_space<vmem>> -> memref<1x128xi32, #tpu.memory_space<vmem>>
        %dma_start3A_65 = tpu.memref_squeeze %dma_start3A_64 : memref<1x128xi32, #tpu.memory_space<vmem>> -> memref<128xi32, #tpu.memory_space<vmem>>
        %dma_start3A_66 = arith.constant 0 : i32
        %dma_start3A_67 = arith.constant 0 : i32
        %dma_start3A_68 = tpu.memref_slice %arg13[%dma_start3A_66, %dma_start3A_67] : memref<10496x128xf32, #tpu.memory_space<vmem_shared>> -> memref<10496x128xf32, #tpu.memory_space<vmem_shared>>
        tpu.enqueue_indirect_dma source(%arg11 : memref<128x128xf32, #tpu.memory_space<vmem>>) target(%dma_start3A_68 : memref<10496x128xf32, #tpu.memory_space<vmem_shared>>) offsets(%dma_start3A_65 : memref<128xi32, #tpu.memory_space<vmem>>) semaphore(%arg16 : memref<!tpu.dma_semaphore, #tpu.memory_space<semaphore_mem>>) {add = true}
        %gt3A = arith.constant 0 : i32
        %gt3A_69 = arith.cmpi sgt, %add3A_54, %gt3A : i32
        %convert_element_type3A_70 = arith.extui %gt3A_69 : i1 to i32
        %cond3A_71 = arith.constant 0 : i32
        %cond3A_72 = arith.cmpi ne, %convert_element_type3A_70, %cond3A_71 : i32
        scf.if %cond3A_72 {
          %sub3A = arith.constant 1 : i32
          %sub3A_109 = arith.subi %mul3A_56, %sub3A : i32
          %dma_wait3A_110 = arith.constant 0 : i32
          %dma_wait3A_111 = tpu.memref_slice %arg10[%sub3A_109, %dma_wait3A_110] : memref<40x128xi32, #tpu.memory_space<vmem>> -> memref<1x128xi32, #tpu.memory_space<vmem>>
          %dma_wait3A_112 = tpu.memref_squeeze %dma_wait3A_111 : memref<1x128xi32, #tpu.memory_space<vmem>> -> memref<128xi32, #tpu.memory_space<vmem>>
          %dma_wait3A_113 = arith.constant 0 : i32
          %dma_wait3A_114 = arith.constant 0 : i32
          %dma_wait3A_115 = tpu.memref_slice %arg13[%dma_wait3A_113, %dma_wait3A_114] : memref<10496x128xf32, #tpu.memory_space<vmem_shared>> -> memref<10496x128xf32, #tpu.memory_space<vmem_shared>>
          tpu.wait_indirect_dma semaphore(%arg17 : memref<!tpu.dma_semaphore, #tpu.memory_space<semaphore_mem>>) src(%arg12 : memref<128x128xf32, #tpu.memory_space<vmem>>) dst(%dma_wait3A_115 : memref<10496x128xf32, #tpu.memory_space<vmem_shared>>)
        } else {
        }
        %add3A_73 = arith.constant 1 : i32
        %add3A_74 = arith.addi %mul3A_56, %add3A_73 : i32
        %dma_start3A_75 = arith.constant 0 : i32
        %dma_start3A_76 = tpu.memref_slice %arg9[%add3A_74, %dma_start3A_75] : memref<40x128xi32, #tpu.memory_space<vmem>> -> memref<1x128xi32, #tpu.memory_space<vmem>>
        %dma_start3A_77 = tpu.memref_squeeze %dma_start3A_76 : memref<1x128xi32, #tpu.memory_space<vmem>> -> memref<128xi32, #tpu.memory_space<vmem>>
        %dma_start3A_78 = arith.constant 0 : i32
        %dma_start3A_79 = arith.constant 0 : i32
        %dma_start3A_80 = tpu.memref_slice %arg5[%dma_start3A_78, %dma_start3A_79] : memref<10496x128xf32, #tpu.memory_space<hbm>> -> memref<10496x128xf32, #tpu.memory_space<hbm>>
        tpu.enqueue_indirect_dma source(%dma_start3A_80 : memref<10496x128xf32, #tpu.memory_space<hbm>>) target(%arg12 : memref<128x128xf32, #tpu.memory_space<vmem>>) offsets(%dma_start3A_77 : memref<128xi32, #tpu.memory_space<vmem>>) semaphore(%arg15 : memref<!tpu.dma_semaphore, #tpu.memory_space<semaphore_mem>>)
        %add3A_81 = arith.constant 1 : i32
        %add3A_82 = arith.addi %mul3A_56, %add3A_81 : i32
        %dma_wait3A_83 = arith.constant 0 : i32
        %dma_wait3A_84 = tpu.memref_slice %arg9[%add3A_82, %dma_wait3A_83] : memref<40x128xi32, #tpu.memory_space<vmem>> -> memref<1x128xi32, #tpu.memory_space<vmem>>
        %dma_wait3A_85 = tpu.memref_squeeze %dma_wait3A_84 : memref<1x128xi32, #tpu.memory_space<vmem>> -> memref<128xi32, #tpu.memory_space<vmem>>
        %dma_wait3A_86 = arith.constant 0 : i32
        %dma_wait3A_87 = arith.constant 0 : i32
        %dma_wait3A_88 = tpu.memref_slice %arg5[%dma_wait3A_86, %dma_wait3A_87] : memref<10496x128xf32, #tpu.memory_space<hbm>> -> memref<10496x128xf32, #tpu.memory_space<hbm>>
        tpu.wait_indirect_dma semaphore(%arg15 : memref<!tpu.dma_semaphore, #tpu.memory_space<semaphore_mem>>) src(%dma_wait3A_88 : memref<10496x128xf32, #tpu.memory_space<hbm>>) dst(%arg12 : memref<128x128xf32, #tpu.memory_space<vmem>>)
        %add3A_89 = arith.constant 1 : i32
        %add3A_90 = arith.addi %mul3A_56, %add3A_89 : i32
        %dma_start3A_91 = arith.constant 0 : i32
        %dma_start3A_92 = tpu.memref_slice %arg10[%add3A_90, %dma_start3A_91] : memref<40x128xi32, #tpu.memory_space<vmem>> -> memref<1x128xi32, #tpu.memory_space<vmem>>
        %dma_start3A_93 = tpu.memref_squeeze %dma_start3A_92 : memref<1x128xi32, #tpu.memory_space<vmem>> -> memref<128xi32, #tpu.memory_space<vmem>>
        %dma_start3A_94 = arith.constant 0 : i32
        %dma_start3A_95 = arith.constant 0 : i32
        %dma_start3A_96 = tpu.memref_slice %arg13[%dma_start3A_94, %dma_start3A_95] : memref<10496x128xf32, #tpu.memory_space<vmem_shared>> -> memref<10496x128xf32, #tpu.memory_space<vmem_shared>>
        tpu.enqueue_indirect_dma source(%arg12 : memref<128x128xf32, #tpu.memory_space<vmem>>) target(%dma_start3A_96 : memref<10496x128xf32, #tpu.memory_space<vmem_shared>>) offsets(%dma_start3A_93 : memref<128xi32, #tpu.memory_space<vmem>>) semaphore(%arg17 : memref<!tpu.dma_semaphore, #tpu.memory_space<semaphore_mem>>) {add = true}
        %dma_wait3A_97 = arith.constant 0 : i32
        %dma_wait3A_98 = tpu.memref_slice %arg10[%mul3A_56, %dma_wait3A_97] : memref<40x128xi32, #tpu.memory_space<vmem>> -> memref<1x128xi32, #tpu.memory_space<vmem>>
        %dma_wait3A_99 = tpu.memref_squeeze %dma_wait3A_98 : memref<1x128xi32, #tpu.memory_space<vmem>> -> memref<128xi32, #tpu.memory_space<vmem>>
        %dma_wait3A_100 = arith.constant 0 : i32
        %dma_wait3A_101 = arith.constant 0 : i32
        %dma_wait3A_102 = tpu.memref_slice %arg13[%dma_wait3A_100, %dma_wait3A_101] : memref<10496x128xf32, #tpu.memory_space<vmem_shared>> -> memref<10496x128xf32, #tpu.memory_space<vmem_shared>>
        tpu.wait_indirect_dma semaphore(%arg16 : memref<!tpu.dma_semaphore, #tpu.memory_space<semaphore_mem>>) src(%arg11 : memref<128x128xf32, #tpu.memory_space<vmem>>) dst(%dma_wait3A_102 : memref<10496x128xf32, #tpu.memory_space<vmem_shared>>)
        %add3A_103 = arith.constant 2 : i32
        %add3A_104 = arith.addi %mul3A_56, %add3A_103 : i32
        %lt3A = arith.constant 40 : i32
        %lt3A_105 = arith.cmpi slt, %add3A_104, %lt3A : i32
        %convert_element_type3A_106 = arith.extui %lt3A_105 : i1 to i32
        %cond3A_107 = arith.constant 0 : i32
        %cond3A_108 = arith.cmpi ne, %convert_element_type3A_106, %cond3A_107 : i32
        scf.if %cond3A_108 {
          %add3A_109 = arith.constant 2 : i32
          %add3A_110 = arith.addi %mul3A_56, %add3A_109 : i32
          %dma_start3A_111 = arith.constant 0 : i32
          %dma_start3A_112 = tpu.memref_slice %arg9[%add3A_110, %dma_start3A_111] : memref<40x128xi32, #tpu.memory_space<vmem>> -> memref<1x128xi32, #tpu.memory_space<vmem>>
          %dma_start3A_113 = tpu.memref_squeeze %dma_start3A_112 : memref<1x128xi32, #tpu.memory_space<vmem>> -> memref<128xi32, #tpu.memory_space<vmem>>
          %dma_start3A_114 = arith.constant 0 : i32
          %dma_start3A_115 = arith.constant 0 : i32
          %dma_start3A_116 = tpu.memref_slice %arg5[%dma_start3A_114, %dma_start3A_115] : memref<10496x128xf32, #tpu.memory_space<hbm>> -> memref<10496x128xf32, #tpu.memory_space<hbm>>
          tpu.enqueue_indirect_dma source(%dma_start3A_116 : memref<10496x128xf32, #tpu.memory_space<hbm>>) target(%arg11 : memref<128x128xf32, #tpu.memory_space<vmem>>) offsets(%dma_start3A_113 : memref<128xi32, #tpu.memory_space<vmem>>) semaphore(%arg14 : memref<!tpu.dma_semaphore, #tpu.memory_space<semaphore_mem>>)
        } else {
        }
      }
      %scan3A_19 = arith.constant 20 : i32
      %dma_wait3A = arith.constant 39 : i32
      %dma_wait3A_20 = arith.constant 0 : i32
      %dma_wait3A_21 = tpu.memref_slice %arg10[%dma_wait3A, %dma_wait3A_20] : memref<40x128xi32, #tpu.memory_space<vmem>> -> memref<1x128xi32, #tpu.memory_space<vmem>>
      %dma_wait3A_22 = tpu.memref_squeeze %dma_wait3A_21 : memref<1x128xi32, #tpu.memory_space<vmem>> -> memref<128xi32, #tpu.memory_space<vmem>>
      %dma_wait3A_23 = arith.constant 0 : i32
      %dma_wait3A_24 = arith.constant 0 : i32
      %dma_wait3A_25 = tpu.memref_slice %arg13[%dma_wait3A_23, %dma_wait3A_24] : memref<10496x128xf32, #tpu.memory_space<vmem_shared>> -> memref<10496x128xf32, #tpu.memory_space<vmem_shared>>
      tpu.wait_indirect_dma semaphore(%arg17 : memref<!tpu.dma_semaphore, #tpu.memory_space<semaphore_mem>>) src(%arg12 : memref<128x128xf32, #tpu.memory_space<vmem>>) dst(%dma_wait3A_25 : memref<10496x128xf32, #tpu.memory_space<vmem_shared>>)
      "tpu.region"() ({
        %run_scoped3A = tpu.sem_alloc : memref<!tpu.dma_semaphore, #tpu.memory_space<semaphore_mem>>
        %dma_start3A_51 = arith.constant 40 : i32
        %dma_start3A_52 = arith.constant 0 : i32
        %dma_start3A_53 = tpu.memref_slice %arg2[%arg1, %dma_start3A_51, %dma_start3A_52] : memref<16x80x128xi32, #tpu.memory_space<hbm>> -> memref<1x40x128xi32, #tpu.memory_space<hbm>>
        %dma_start3A_54 = tpu.memref_squeeze %dma_start3A_53 : memref<1x40x128xi32, #tpu.memory_space<hbm>> -> memref<40x128xi32, #tpu.memory_space<hbm>>
        %dma_start3A_55 = arith.constant 40 : i32
        %dma_start3A_56 = arith.constant 0 : i32
        %dma_start3A_57 = tpu.memref_slice %arg2[%arg1, %dma_start3A_55, %dma_start3A_56] : memref<16x80x128xi32, #tpu.memory_space<hbm>> -> memref<1x40x128xi32, #tpu.memory_space<hbm>>
        %dma_start3A_58 = tpu.memref_squeeze %dma_start3A_57 : memref<1x40x128xi32, #tpu.memory_space<hbm>> -> memref<40x128xi32, #tpu.memory_space<hbm>>
        tpu.enqueue_dma source(%dma_start3A_58 : memref<40x128xi32, #tpu.memory_space<hbm>>) target(%arg9 : memref<40x128xi32, #tpu.memory_space<vmem>>) target_semaphore(%run_scoped3A : memref<!tpu.dma_semaphore, #tpu.memory_space<semaphore_mem>>)
        %dma_wait3A_59 = arith.constant 40 : i32
        %dma_wait3A_60 = arith.constant 0 : i32
        %dma_wait3A_61 = tpu.memref_slice %arg2[%arg1, %dma_wait3A_59, %dma_wait3A_60] : memref<16x80x128xi32, #tpu.memory_space<hbm>> -> memref<1x40x128xi32, #tpu.memory_space<hbm>>
        %dma_wait3A_62 = tpu.memref_squeeze %dma_wait3A_61 : memref<1x40x128xi32, #tpu.memory_space<hbm>> -> memref<40x128xi32, #tpu.memory_space<hbm>>
        %dma_wait3A_63 = arith.constant 40 : i32
        %dma_wait3A_64 = arith.constant 0 : i32
        %dma_wait3A_65 = tpu.memref_slice %arg2[%arg1, %dma_wait3A_63, %dma_wait3A_64] : memref<16x80x128xi32, #tpu.memory_space<hbm>> -> memref<1x40x128xi32, #tpu.memory_space<hbm>>
        %dma_wait3A_66 = tpu.memref_squeeze %dma_wait3A_65 : memref<1x40x128xi32, #tpu.memory_space<hbm>> -> memref<40x128xi32, #tpu.memory_space<hbm>>
        tpu.wait_dma2 semaphore(%run_scoped3A : memref<!tpu.dma_semaphore, #tpu.memory_space<semaphore_mem>>) src(%dma_wait3A_66 : memref<40x128xi32, #tpu.memory_space<hbm>>) dst(%arg9 : memref<40x128xi32, #tpu.memory_space<vmem>>)
        tpu.yield
      }) : () -> ()
      "tpu.region"() ({
        %run_scoped3A = tpu.sem_alloc : memref<!tpu.dma_semaphore, #tpu.memory_space<semaphore_mem>>
        %dma_start3A_51 = arith.constant 40 : i32
        %dma_start3A_52 = arith.constant 0 : i32
        %dma_start3A_53 = tpu.memref_slice %arg3[%arg1, %dma_start3A_51, %dma_start3A_52] : memref<16x80x128xi32, #tpu.memory_space<hbm>> -> memref<1x40x128xi32, #tpu.memory_space<hbm>>
        %dma_start3A_54 = tpu.memref_squeeze %dma_start3A_53 : memref<1x40x128xi32, #tpu.memory_space<hbm>> -> memref<40x128xi32, #tpu.memory_space<hbm>>
        %dma_start3A_55 = arith.constant 40 : i32
        %dma_start3A_56 = arith.constant 0 : i32
        %dma_start3A_57 = tpu.memref_slice %arg3[%arg1, %dma_start3A_55, %dma_start3A_56] : memref<16x80x128xi32, #tpu.memory_space<hbm>> -> memref<1x40x128xi32, #tpu.memory_space<hbm>>
        %dma_start3A_58 = tpu.memref_squeeze %dma_start3A_57 : memref<1x40x128xi32, #tpu.memory_space<hbm>> -> memref<40x128xi32, #tpu.memory_space<hbm>>
        tpu.enqueue_dma source(%dma_start3A_58 : memref<40x128xi32, #tpu.memory_space<hbm>>) target(%arg10 : memref<40x128xi32, #tpu.memory_space<vmem>>) target_semaphore(%run_scoped3A : memref<!tpu.dma_semaphore, #tpu.memory_space<semaphore_mem>>)
        %dma_wait3A_59 = arith.constant 40 : i32
        %dma_wait3A_60 = arith.constant 0 : i32
        %dma_wait3A_61 = tpu.memref_slice %arg3[%arg1, %dma_wait3A_59, %dma_wait3A_60] : memref<16x80x128xi32, #tpu.memory_space<hbm>> -> memref<1x40x128xi32, #tpu.memory_space<hbm>>
        %dma_wait3A_62 = tpu.memref_squeeze %dma_wait3A_61 : memref<1x40x128xi32, #tpu.memory_space<hbm>> -> memref<40x128xi32, #tpu.memory_space<hbm>>
        %dma_wait3A_63 = arith.constant 40 : i32
        %dma_wait3A_64 = arith.constant 0 : i32
        %dma_wait3A_65 = tpu.memref_slice %arg3[%arg1, %dma_wait3A_63, %dma_wait3A_64] : memref<16x80x128xi32, #tpu.memory_space<hbm>> -> memref<1x40x128xi32, #tpu.memory_space<hbm>>
        %dma_wait3A_66 = tpu.memref_squeeze %dma_wait3A_65 : memref<1x40x128xi32, #tpu.memory_space<hbm>> -> memref<40x128xi32, #tpu.memory_space<hbm>>
        tpu.wait_dma2 semaphore(%run_scoped3A : memref<!tpu.dma_semaphore, #tpu.memory_space<semaphore_mem>>) src(%dma_wait3A_66 : memref<40x128xi32, #tpu.memory_space<hbm>>) dst(%arg10 : memref<40x128xi32, #tpu.memory_space<vmem>>)
        tpu.yield
      }) : () -> ()
      %dma_start3A_26 = arith.constant 0 : i32
      %dma_start3A_27 = arith.constant 0 : i32
      %dma_start3A_28 = tpu.memref_slice %arg9[%dma_start3A_26, %dma_start3A_27] : memref<40x128xi32, #tpu.memory_space<vmem>> -> memref<1x128xi32, #tpu.memory_space<vmem>>
      %dma_start3A_29 = tpu.memref_squeeze %dma_start3A_28 : memref<1x128xi32, #tpu.memory_space<vmem>> -> memref<128xi32, #tpu.memory_space<vmem>>
      %dma_start3A_30 = arith.constant 0 : i32
      %dma_start3A_31 = arith.constant 0 : i32
      %dma_start3A_32 = tpu.memref_slice %arg5[%dma_start3A_30, %dma_start3A_31] : memref<10496x128xf32, #tpu.memory_space<hbm>> -> memref<10496x128xf32, #tpu.memory_space<hbm>>
      tpu.enqueue_indirect_dma source(%dma_start3A_32 : memref<10496x128xf32, #tpu.memory_space<hbm>>) target(%arg11 : memref<128x128xf32, #tpu.memory_space<vmem>>) offsets(%dma_start3A_29 : memref<128xi32, #tpu.memory_space<vmem>>) semaphore(%arg14 : memref<!tpu.dma_semaphore, #tpu.memory_space<semaphore_mem>>)
      %scan3A_33 = arith.constant 0 : i32
      %scan3A_34 = arith.constant 20 : i32
      %scan3A_35 = arith.addi %scan3A_33, %scan3A_34 : i32
      %scan3A_36 = arith.constant 1 : i32
      scf.for %scan3A_51 = %scan3A_33 to %scan3A_35 step %scan3A_36  : i32 {
        %mul3A_52 = arith.constant 1 : i32
        %mul3A_53 = arith.muli %scan3A_51, %mul3A_52 : i32
        %add3A = arith.constant 0 : i32
        %add3A_54 = arith.addi %add3A, %mul3A_53 : i32
        %mul3A_55 = arith.constant 2 : i32
        %mul3A_56 = arith.muli %mul3A_55, %add3A_54 : i32
        %dma_wait3A_57 = arith.constant 0 : i32
        %dma_wait3A_58 = tpu.memref_slice %arg9[%mul3A_56, %dma_wait3A_57] : memref<40x128xi32, #tpu.memory_space<vmem>> -> memref<1x128xi32, #tpu.memory_space<vmem>>
        %dma_wait3A_59 = tpu.memref_squeeze %dma_wait3A_58 : memref<1x128xi32, #tpu.memory_space<vmem>> -> memref<128xi32, #tpu.memory_space<vmem>>
        %dma_wait3A_60 = arith.constant 0 : i32
        %dma_wait3A_61 = arith.constant 0 : i32
        %dma_wait3A_62 = tpu.memref_slice %arg5[%dma_wait3A_60, %dma_wait3A_61] : memref<10496x128xf32, #tpu.memory_space<hbm>> -> memref<10496x128xf32, #tpu.memory_space<hbm>>
        tpu.wait_indirect_dma semaphore(%arg14 : memref<!tpu.dma_semaphore, #tpu.memory_space<semaphore_mem>>) src(%dma_wait3A_62 : memref<10496x128xf32, #tpu.memory_space<hbm>>) dst(%arg11 : memref<128x128xf32, #tpu.memory_space<vmem>>)
        %dma_start3A_63 = arith.constant 0 : i32
        %dma_start3A_64 = tpu.memref_slice %arg10[%mul3A_56, %dma_start3A_63] : memref<40x128xi32, #tpu.memory_space<vmem>> -> memref<1x128xi32, #tpu.memory_space<vmem>>
        %dma_start3A_65 = tpu.memref_squeeze %dma_start3A_64 : memref<1x128xi32, #tpu.memory_space<vmem>> -> memref<128xi32, #tpu.memory_space<vmem>>
        %dma_start3A_66 = arith.constant 0 : i32
        %dma_start3A_67 = arith.constant 0 : i32
        %dma_start3A_68 = tpu.memref_slice %arg13[%dma_start3A_66, %dma_start3A_67] : memref<10496x128xf32, #tpu.memory_space<vmem_shared>> -> memref<10496x128xf32, #tpu.memory_space<vmem_shared>>
        tpu.enqueue_indirect_dma source(%arg11 : memref<128x128xf32, #tpu.memory_space<vmem>>) target(%dma_start3A_68 : memref<10496x128xf32, #tpu.memory_space<vmem_shared>>) offsets(%dma_start3A_65 : memref<128xi32, #tpu.memory_space<vmem>>) semaphore(%arg16 : memref<!tpu.dma_semaphore, #tpu.memory_space<semaphore_mem>>) {add = true}
        %gt3A = arith.constant 0 : i32
        %gt3A_69 = arith.cmpi sgt, %add3A_54, %gt3A : i32
        %convert_element_type3A_70 = arith.extui %gt3A_69 : i1 to i32
        %cond3A_71 = arith.constant 0 : i32
        %cond3A_72 = arith.cmpi ne, %convert_element_type3A_70, %cond3A_71 : i32
        scf.if %cond3A_72 {
          %sub3A = arith.constant 1 : i32
          %sub3A_109 = arith.subi %mul3A_56, %sub3A : i32
          %dma_wait3A_110 = arith.constant 0 : i32
          %dma_wait3A_111 = tpu.memref_slice %arg10[%sub3A_109, %dma_wait3A_110] : memref<40x128xi32, #tpu.memory_space<vmem>> -> memref<1x128xi32, #tpu.memory_space<vmem>>
          %dma_wait3A_112 = tpu.memref_squeeze %dma_wait3A_111 : memref<1x128xi32, #tpu.memory_space<vmem>> -> memref<128xi32, #tpu.memory_space<vmem>>
          %dma_wait3A_113 = arith.constant 0 : i32
          %dma_wait3A_114 = arith.constant 0 : i32
          %dma_wait3A_115 = tpu.memref_slice %arg13[%dma_wait3A_113, %dma_wait3A_114] : memref<10496x128xf32, #tpu.memory_space<vmem_shared>> -> memref<10496x128xf32, #tpu.memory_space<vmem_shared>>
          tpu.wait_indirect_dma semaphore(%arg17 : memref<!tpu.dma_semaphore, #tpu.memory_space<semaphore_mem>>) src(%arg12 : memref<128x128xf32, #tpu.memory_space<vmem>>) dst(%dma_wait3A_115 : memref<10496x128xf32, #tpu.memory_space<vmem_shared>>)
        } else {
        }
        %add3A_73 = arith.constant 1 : i32
        %add3A_74 = arith.addi %mul3A_56, %add3A_73 : i32
        %dma_start3A_75 = arith.constant 0 : i32
        %dma_start3A_76 = tpu.memref_slice %arg9[%add3A_74, %dma_start3A_75] : memref<40x128xi32, #tpu.memory_space<vmem>> -> memref<1x128xi32, #tpu.memory_space<vmem>>
        %dma_start3A_77 = tpu.memref_squeeze %dma_start3A_76 : memref<1x128xi32, #tpu.memory_space<vmem>> -> memref<128xi32, #tpu.memory_space<vmem>>
        %dma_start3A_78 = arith.constant 0 : i32
        %dma_start3A_79 = arith.constant 0 : i32
        %dma_start3A_80 = tpu.memref_slice %arg5[%dma_start3A_78, %dma_start3A_79] : memref<10496x128xf32, #tpu.memory_space<hbm>> -> memref<10496x128xf32, #tpu.memory_space<hbm>>
        tpu.enqueue_indirect_dma source(%dma_start3A_80 : memref<10496x128xf32, #tpu.memory_space<hbm>>) target(%arg12 : memref<128x128xf32, #tpu.memory_space<vmem>>) offsets(%dma_start3A_77 : memref<128xi32, #tpu.memory_space<vmem>>) semaphore(%arg15 : memref<!tpu.dma_semaphore, #tpu.memory_space<semaphore_mem>>)
        %add3A_81 = arith.constant 1 : i32
        %add3A_82 = arith.addi %mul3A_56, %add3A_81 : i32
        %dma_wait3A_83 = arith.constant 0 : i32
        %dma_wait3A_84 = tpu.memref_slice %arg9[%add3A_82, %dma_wait3A_83] : memref<40x128xi32, #tpu.memory_space<vmem>> -> memref<1x128xi32, #tpu.memory_space<vmem>>
        %dma_wait3A_85 = tpu.memref_squeeze %dma_wait3A_84 : memref<1x128xi32, #tpu.memory_space<vmem>> -> memref<128xi32, #tpu.memory_space<vmem>>
        %dma_wait3A_86 = arith.constant 0 : i32
        %dma_wait3A_87 = arith.constant 0 : i32
        %dma_wait3A_88 = tpu.memref_slice %arg5[%dma_wait3A_86, %dma_wait3A_87] : memref<10496x128xf32, #tpu.memory_space<hbm>> -> memref<10496x128xf32, #tpu.memory_space<hbm>>
        tpu.wait_indirect_dma semaphore(%arg15 : memref<!tpu.dma_semaphore, #tpu.memory_space<semaphore_mem>>) src(%dma_wait3A_88 : memref<10496x128xf32, #tpu.memory_space<hbm>>) dst(%arg12 : memref<128x128xf32, #tpu.memory_space<vmem>>)
        %add3A_89 = arith.constant 1 : i32
        %add3A_90 = arith.addi %mul3A_56, %add3A_89 : i32
        %dma_start3A_91 = arith.constant 0 : i32
        %dma_start3A_92 = tpu.memref_slice %arg10[%add3A_90, %dma_start3A_91] : memref<40x128xi32, #tpu.memory_space<vmem>> -> memref<1x128xi32, #tpu.memory_space<vmem>>
        %dma_start3A_93 = tpu.memref_squeeze %dma_start3A_92 : memref<1x128xi32, #tpu.memory_space<vmem>> -> memref<128xi32, #tpu.memory_space<vmem>>
        %dma_start3A_94 = arith.constant 0 : i32
        %dma_start3A_95 = arith.constant 0 : i32
        %dma_start3A_96 = tpu.memref_slice %arg13[%dma_start3A_94, %dma_start3A_95] : memref<10496x128xf32, #tpu.memory_space<vmem_shared>> -> memref<10496x128xf32, #tpu.memory_space<vmem_shared>>
        tpu.enqueue_indirect_dma source(%arg12 : memref<128x128xf32, #tpu.memory_space<vmem>>) target(%dma_start3A_96 : memref<10496x128xf32, #tpu.memory_space<vmem_shared>>) offsets(%dma_start3A_93 : memref<128xi32, #tpu.memory_space<vmem>>) semaphore(%arg17 : memref<!tpu.dma_semaphore, #tpu.memory_space<semaphore_mem>>) {add = true}
        %dma_wait3A_97 = arith.constant 0 : i32
        %dma_wait3A_98 = tpu.memref_slice %arg10[%mul3A_56, %dma_wait3A_97] : memref<40x128xi32, #tpu.memory_space<vmem>> -> memref<1x128xi32, #tpu.memory_space<vmem>>
        %dma_wait3A_99 = tpu.memref_squeeze %dma_wait3A_98 : memref<1x128xi32, #tpu.memory_space<vmem>> -> memref<128xi32, #tpu.memory_space<vmem>>
        %dma_wait3A_100 = arith.constant 0 : i32
        %dma_wait3A_101 = arith.constant 0 : i32
        %dma_wait3A_102 = tpu.memref_slice %arg13[%dma_wait3A_100, %dma_wait3A_101] : memref<10496x128xf32, #tpu.memory_space<vmem_shared>> -> memref<10496x128xf32, #tpu.memory_space<vmem_shared>>
        tpu.wait_indirect_dma semaphore(%arg16 : memref<!tpu.dma_semaphore, #tpu.memory_space<semaphore_mem>>) src(%arg11 : memref<128x128xf32, #tpu.memory_space<vmem>>) dst(%dma_wait3A_102 : memref<10496x128xf32, #tpu.memory_space<vmem_shared>>)
        %add3A_103 = arith.constant 2 : i32
        %add3A_104 = arith.addi %mul3A_56, %add3A_103 : i32
        %lt3A = arith.constant 40 : i32
        %lt3A_105 = arith.cmpi slt, %add3A_104, %lt3A : i32
        %convert_element_type3A_106 = arith.extui %lt3A_105 : i1 to i32
        %cond3A_107 = arith.constant 0 : i32
        %cond3A_108 = arith.cmpi ne, %convert_element_type3A_106, %cond3A_107 : i32
        scf.if %cond3A_108 {
          %add3A_109 = arith.constant 2 : i32
          %add3A_110 = arith.addi %mul3A_56, %add3A_109 : i32
          %dma_start3A_111 = arith.constant 0 : i32
          %dma_start3A_112 = tpu.memref_slice %arg9[%add3A_110, %dma_start3A_111] : memref<40x128xi32, #tpu.memory_space<vmem>> -> memref<1x128xi32, #tpu.memory_space<vmem>>
          %dma_start3A_113 = tpu.memref_squeeze %dma_start3A_112 : memref<1x128xi32, #tpu.memory_space<vmem>> -> memref<128xi32, #tpu.memory_space<vmem>>
          %dma_start3A_114 = arith.constant 0 : i32
          %dma_start3A_115 = arith.constant 0 : i32
          %dma_start3A_116 = tpu.memref_slice %arg5[%dma_start3A_114, %dma_start3A_115] : memref<10496x128xf32, #tpu.memory_space<hbm>> -> memref<10496x128xf32, #tpu.memory_space<hbm>>
          tpu.enqueue_indirect_dma source(%dma_start3A_116 : memref<10496x128xf32, #tpu.memory_space<hbm>>) target(%arg11 : memref<128x128xf32, #tpu.memory_space<vmem>>) offsets(%dma_start3A_113 : memref<128xi32, #tpu.memory_space<vmem>>) semaphore(%arg14 : memref<!tpu.dma_semaphore, #tpu.memory_space<semaphore_mem>>)
        } else {
        }
      }
      %scan3A_37 = arith.constant 20 : i32
      %dma_wait3A_38 = arith.constant 39 : i32
      %dma_wait3A_39 = arith.constant 0 : i32
      %dma_wait3A_40 = tpu.memref_slice %arg10[%dma_wait3A_38, %dma_wait3A_39] : memref<40x128xi32, #tpu.memory_space<vmem>> -> memref<1x128xi32, #tpu.memory_space<vmem>>
      %dma_wait3A_41 = tpu.memref_squeeze %dma_wait3A_40 : memref<1x128xi32, #tpu.memory_space<vmem>> -> memref<128xi32, #tpu.memory_space<vmem>>
      %dma_wait3A_42 = arith.constant 0 : i32
      %dma_wait3A_43 = arith.constant 0 : i32
      %dma_wait3A_44 = tpu.memref_slice %arg13[%dma_wait3A_42, %dma_wait3A_43] : memref<10496x128xf32, #tpu.memory_space<vmem_shared>> -> memref<10496x128xf32, #tpu.memory_space<vmem_shared>>
      tpu.wait_indirect_dma semaphore(%arg17 : memref<!tpu.dma_semaphore, #tpu.memory_space<semaphore_mem>>) src(%arg12 : memref<128x128xf32, #tpu.memory_space<vmem>>) dst(%dma_wait3A_44 : memref<10496x128xf32, #tpu.memory_space<vmem_shared>>)
      %barrier3A_45 = arith.constant 0 : index
      tpu.barrier barrier_id(%barrier3A_45)
      %mul3A_46 = arith.constant 656 : i32
      %mul3A_47 = arith.muli %arg1, %mul3A_46 : i32
      %mul3A_48 = arith.constant 656 : i32
      %mul3A_49 = arith.muli %arg1, %mul3A_48 : i32
      "tpu.region"() ({
        %run_scoped3A = tpu.sem_alloc : memref<!tpu.dma_semaphore, #tpu.memory_space<semaphore_mem>>
        %dma_start3A_51 = arith.constant 0 : i32
        %dma_start3A_52 = tpu.memref_slice %arg8[%mul3A_49, %dma_start3A_51] : memref<10496x128xf32, #tpu.memory_space<hbm>> -> memref<656x128xf32, #tpu.memory_space<hbm>>
        %dma_start3A_53 = arith.constant 0 : i32
        %dma_start3A_54 = tpu.memref_slice %arg13[%mul3A_47, %dma_start3A_53] : memref<10496x128xf32, #tpu.memory_space<vmem_shared>> -> memref<656x128xf32, #tpu.memory_space<vmem_shared>>
        tpu.enqueue_dma source(%dma_start3A_54 : memref<656x128xf32, #tpu.memory_space<vmem_shared>>) target(%dma_start3A_52 : memref<656x128xf32, #tpu.memory_space<hbm>>) target_semaphore(%run_scoped3A : memref<!tpu.dma_semaphore, #tpu.memory_space<semaphore_mem>>)
        %dma_wait3A_55 = arith.constant 0 : i32
        %dma_wait3A_56 = tpu.memref_slice %arg8[%mul3A_49, %dma_wait3A_55] : memref<10496x128xf32, #tpu.memory_space<hbm>> -> memref<656x128xf32, #tpu.memory_space<hbm>>
        %dma_wait3A_57 = arith.constant 0 : i32
        %dma_wait3A_58 = tpu.memref_slice %arg13[%mul3A_47, %dma_wait3A_57] : memref<10496x128xf32, #tpu.memory_space<vmem_shared>> -> memref<656x128xf32, #tpu.memory_space<vmem_shared>>
        tpu.wait_dma2 semaphore(%run_scoped3A : memref<!tpu.dma_semaphore, #tpu.memory_space<semaphore_mem>>) src(%dma_wait3A_58 : memref<656x128xf32, #tpu.memory_space<vmem_shared>>) dst(%dma_wait3A_56 : memref<656x128xf32, #tpu.memory_space<hbm>>)
        tpu.yield
      }) : () -> ()
      %barrier3A_50 = arith.constant 0 : index
      tpu.barrier barrier_id(%barrier3A_50)
    } else {
    }
    return
  }
}

#map = affine_map<(d0, d1) -> (0, 0, 0)>
#map1 = affine_map<(d0, d1) -> (0, 0)>
module attributes {stable_mosaic.version = 14 : i64} {
  func.func @_sc_prop(%arg0: i32, %arg1: i32, %arg2: memref<16x80x128xi32, #tpu.memory_space<hbm>>, %arg3: memref<16x80x128xi32, #tpu.memory_space<hbm>>, %arg4: memref<10496x128xf32, #tpu.memory_space<hbm>>, %arg5: memref<10496x128xf32, #tpu.memory_space<hbm>>, %arg6: memref<10496x128xf32, #tpu.memory_space<hbm>>, %arg7: memref<10496x128xf32, #tpu.memory_space<hbm>>, %arg8: memref<10496x128xf32, #tpu.memory_space<hbm>>, %arg9: memref<40x128xi32, #tpu.memory_space<vmem>>, %arg10: memref<40x128xi32, #tpu.memory_space<vmem>>, %arg11: memref<128x128xf32, #tpu.memory_space<vmem>>, %arg12: memref<128x128xf32, #tpu.memory_space<vmem>>, %arg13: memref<10496x128xf32, #tpu.memory_space<vmem_shared>>, %arg14: memref<!tpu.dma_semaphore, #tpu.memory_space<semaphore_mem>>, %arg15: memref<!tpu.dma_semaphore, #tpu.memory_space<semaphore_mem>>, %arg16: memref<!tpu.dma_semaphore, #tpu.memory_space<semaphore_mem>>, %arg17: memref<!tpu.dma_semaphore, #tpu.memory_space<semaphore_mem>>) attributes {dimension_semantics = [#tpu.dimension_semantics<core_parallel>, #tpu.dimension_semantics<subcore_parallel>], iteration_bounds = array<i64: 2, 16>, scalar_prefetch = 0 : i64, scratch_operands = 9 : i64, tpu.core_type = #tpu.core_type<sc_vector_subcore>, window_params = [{transform_indices = #map}, {transform_indices = #map}, {transform_indices = #map1}, {transform_indices = #map1}, {transform_indices = #map1}, {transform_indices = #map1}, {transform_indices = #map1}]} {
    %eq3A = arith.constant 0 : i32
    %eq3A_0 = arith.cmpi eq, %arg0, %eq3A : i32
    %convert_element_type3A = arith.extui %eq3A_0 : i1 to i32
    %cond3A = arith.constant 0 : i32
    %cond3A_1 = arith.cmpi ne, %convert_element_type3A, %cond3A : i32
    scf.if %cond3A_1 {
      %mul3A = arith.constant 656 : i32
      %mul3A_7 = arith.muli %arg1, %mul3A : i32
      %mul3A_8 = arith.constant 656 : i32
      %mul3A_9 = arith.muli %arg1, %mul3A_8 : i32
      "tpu.region"() ({
        %run_scoped3A = tpu.sem_alloc : memref<!tpu.dma_semaphore, #tpu.memory_space<semaphore_mem>>
        %dma_start3A_51 = arith.constant 0 : i32
        %dma_start3A_52 = tpu.memref_slice %arg13[%mul3A_9, %dma_start3A_51] : memref<10496x128xf32, #tpu.memory_space<vmem_shared>> -> memref<656x128xf32, #tpu.memory_space<vmem_shared>>
        %dma_start3A_53 = arith.constant 0 : i32
        %dma_start3A_54 = tpu.memref_slice %arg6[%mul3A_7, %dma_start3A_53] : memref<10496x128xf32, #tpu.memory_space<hbm>> -> memref<656x128xf32, #tpu.memory_space<hbm>>
        tpu.enqueue_dma source(%dma_start3A_54 : memref<656x128xf32, #tpu.memory_space<hbm>>) target(%dma_start3A_52 : memref<656x128xf32, #tpu.memory_space<vmem_shared>>) target_semaphore(%run_scoped3A : memref<!tpu.dma_semaphore, #tpu.memory_space<semaphore_mem>>)
        %dma_wait3A_55 = arith.constant 0 : i32
        %dma_wait3A_56 = tpu.memref_slice %arg13[%mul3A_9, %dma_wait3A_55] : memref<10496x128xf32, #tpu.memory_space<vmem_shared>> -> memref<656x128xf32, #tpu.memory_space<vmem_shared>>
        %dma_wait3A_57 = arith.constant 0 : i32
        %dma_wait3A_58 = tpu.memref_slice %arg6[%mul3A_7, %dma_wait3A_57] : memref<10496x128xf32, #tpu.memory_space<hbm>> -> memref<656x128xf32, #tpu.memory_space<hbm>>
        tpu.wait_dma2 semaphore(%run_scoped3A : memref<!tpu.dma_semaphore, #tpu.memory_space<semaphore_mem>>) src(%dma_wait3A_58 : memref<656x128xf32, #tpu.memory_space<hbm>>) dst(%dma_wait3A_56 : memref<656x128xf32, #tpu.memory_space<vmem_shared>>)
        tpu.yield
      }) : () -> ()
      %barrier3A = arith.constant 0 : index
      tpu.barrier barrier_id(%barrier3A)
      "tpu.region"() ({
        %run_scoped3A = tpu.sem_alloc : memref<!tpu.dma_semaphore, #tpu.memory_space<semaphore_mem>>
        %dma_start3A_51 = arith.constant 0 : i32
        %dma_start3A_52 = arith.constant 0 : i32
        %dma_start3A_53 = tpu.memref_slice %arg2[%arg1, %dma_start3A_51, %dma_start3A_52] : memref<16x80x128xi32, #tpu.memory_space<hbm>> -> memref<1x40x128xi32, #tpu.memory_space<hbm>>
        %dma_start3A_54 = tpu.memref_squeeze %dma_start3A_53 : memref<1x40x128xi32, #tpu.memory_space<hbm>> -> memref<40x128xi32, #tpu.memory_space<hbm>>
        %dma_start3A_55 = arith.constant 0 : i32
        %dma_start3A_56 = arith.constant 0 : i32
        %dma_start3A_57 = tpu.memref_slice %arg2[%arg1, %dma_start3A_55, %dma_start3A_56] : memref<16x80x128xi32, #tpu.memory_space<hbm>> -> memref<1x40x128xi32, #tpu.memory_space<hbm>>
        %dma_start3A_58 = tpu.memref_squeeze %dma_start3A_57 : memref<1x40x128xi32, #tpu.memory_space<hbm>> -> memref<40x128xi32, #tpu.memory_space<hbm>>
        tpu.enqueue_dma source(%dma_start3A_58 : memref<40x128xi32, #tpu.memory_space<hbm>>) target(%arg9 : memref<40x128xi32, #tpu.memory_space<vmem>>) target_semaphore(%run_scoped3A : memref<!tpu.dma_semaphore, #tpu.memory_space<semaphore_mem>>)
        %dma_wait3A_59 = arith.constant 0 : i32
        %dma_wait3A_60 = arith.constant 0 : i32
        %dma_wait3A_61 = tpu.memref_slice %arg2[%arg1, %dma_wait3A_59, %dma_wait3A_60] : memref<16x80x128xi32, #tpu.memory_space<hbm>> -> memref<1x40x128xi32, #tpu.memory_space<hbm>>
        %dma_wait3A_62 = tpu.memref_squeeze %dma_wait3A_61 : memref<1x40x128xi32, #tpu.memory_space<hbm>> -> memref<40x128xi32, #tpu.memory_space<hbm>>
        %dma_wait3A_63 = arith.constant 0 : i32
        %dma_wait3A_64 = arith.constant 0 : i32
        %dma_wait3A_65 = tpu.memref_slice %arg2[%arg1, %dma_wait3A_63, %dma_wait3A_64] : memref<16x80x128xi32, #tpu.memory_space<hbm>> -> memref<1x40x128xi32, #tpu.memory_space<hbm>>
        %dma_wait3A_66 = tpu.memref_squeeze %dma_wait3A_65 : memref<1x40x128xi32, #tpu.memory_space<hbm>> -> memref<40x128xi32, #tpu.memory_space<hbm>>
        tpu.wait_dma2 semaphore(%run_scoped3A : memref<!tpu.dma_semaphore, #tpu.memory_space<semaphore_mem>>) src(%dma_wait3A_66 : memref<40x128xi32, #tpu.memory_space<hbm>>) dst(%arg9 : memref<40x128xi32, #tpu.memory_space<vmem>>)
        tpu.yield
      }) : () -> ()
      "tpu.region"() ({
        %run_scoped3A = tpu.sem_alloc : memref<!tpu.dma_semaphore, #tpu.memory_space<semaphore_mem>>
        %dma_start3A_51 = arith.constant 0 : i32
        %dma_start3A_52 = arith.constant 0 : i32
        %dma_start3A_53 = tpu.memref_slice %arg3[%arg1, %dma_start3A_51, %dma_start3A_52] : memref<16x80x128xi32, #tpu.memory_space<hbm>> -> memref<1x40x128xi32, #tpu.memory_space<hbm>>
        %dma_start3A_54 = tpu.memref_squeeze %dma_start3A_53 : memref<1x40x128xi32, #tpu.memory_space<hbm>> -> memref<40x128xi32, #tpu.memory_space<hbm>>
        %dma_start3A_55 = arith.constant 0 : i32
        %dma_start3A_56 = arith.constant 0 : i32
        %dma_start3A_57 = tpu.memref_slice %arg3[%arg1, %dma_start3A_55, %dma_start3A_56] : memref<16x80x128xi32, #tpu.memory_space<hbm>> -> memref<1x40x128xi32, #tpu.memory_space<hbm>>
        %dma_start3A_58 = tpu.memref_squeeze %dma_start3A_57 : memref<1x40x128xi32, #tpu.memory_space<hbm>> -> memref<40x128xi32, #tpu.memory_space<hbm>>
        tpu.enqueue_dma source(%dma_start3A_58 : memref<40x128xi32, #tpu.memory_space<hbm>>) target(%arg10 : memref<40x128xi32, #tpu.memory_space<vmem>>) target_semaphore(%run_scoped3A : memref<!tpu.dma_semaphore, #tpu.memory_space<semaphore_mem>>)
        %dma_wait3A_59 = arith.constant 0 : i32
        %dma_wait3A_60 = arith.constant 0 : i32
        %dma_wait3A_61 = tpu.memref_slice %arg3[%arg1, %dma_wait3A_59, %dma_wait3A_60] : memref<16x80x128xi32, #tpu.memory_space<hbm>> -> memref<1x40x128xi32, #tpu.memory_space<hbm>>
        %dma_wait3A_62 = tpu.memref_squeeze %dma_wait3A_61 : memref<1x40x128xi32, #tpu.memory_space<hbm>> -> memref<40x128xi32, #tpu.memory_space<hbm>>
        %dma_wait3A_63 = arith.constant 0 : i32
        %dma_wait3A_64 = arith.constant 0 : i32
        %dma_wait3A_65 = tpu.memref_slice %arg3[%arg1, %dma_wait3A_63, %dma_wait3A_64] : memref<16x80x128xi32, #tpu.memory_space<hbm>> -> memref<1x40x128xi32, #tpu.memory_space<hbm>>
        %dma_wait3A_66 = tpu.memref_squeeze %dma_wait3A_65 : memref<1x40x128xi32, #tpu.memory_space<hbm>> -> memref<40x128xi32, #tpu.memory_space<hbm>>
        tpu.wait_dma2 semaphore(%run_scoped3A : memref<!tpu.dma_semaphore, #tpu.memory_space<semaphore_mem>>) src(%dma_wait3A_66 : memref<40x128xi32, #tpu.memory_space<hbm>>) dst(%arg10 : memref<40x128xi32, #tpu.memory_space<vmem>>)
        tpu.yield
      }) : () -> ()
      %dma_start3A = arith.constant 0 : i32
      %dma_start3A_10 = arith.constant 0 : i32
      %dma_start3A_11 = tpu.memref_slice %arg9[%dma_start3A, %dma_start3A_10] : memref<40x128xi32, #tpu.memory_space<vmem>> -> memref<1x128xi32, #tpu.memory_space<vmem>>
      %dma_start3A_12 = tpu.memref_squeeze %dma_start3A_11 : memref<1x128xi32, #tpu.memory_space<vmem>> -> memref<128xi32, #tpu.memory_space<vmem>>
      %dma_start3A_13 = arith.constant 0 : i32
      %dma_start3A_14 = arith.constant 0 : i32
      %dma_start3A_15 = tpu.memref_slice %arg4[%dma_start3A_13, %dma_start3A_14] : memref<10496x128xf32, #tpu.memory_space<hbm>> -> memref<10496x128xf32, #tpu.memory_space<hbm>>
      tpu.enqueue_indirect_dma source(%dma_start3A_15 : memref<10496x128xf32, #tpu.memory_space<hbm>>) target(%arg11 : memref<128x128xf32, #tpu.memory_space<vmem>>) offsets(%dma_start3A_12 : memref<128xi32, #tpu.memory_space<vmem>>) semaphore(%arg14 : memref<!tpu.dma_semaphore, #tpu.memory_space<semaphore_mem>>)
      %scan3A = arith.constant 0 : i32
      %scan3A_16 = arith.constant 20 : i32
      %scan3A_17 = arith.addi %scan3A, %scan3A_16 : i32
      %scan3A_18 = arith.constant 1 : i32
      scf.for %scan3A_51 = %scan3A to %scan3A_17 step %scan3A_18  : i32 {
        %mul3A_52 = arith.constant 1 : i32
        %mul3A_53 = arith.muli %scan3A_51, %mul3A_52 : i32
        %add3A = arith.constant 0 : i32
        %add3A_54 = arith.addi %add3A, %mul3A_53 : i32
        %mul3A_55 = arith.constant 2 : i32
        %mul3A_56 = arith.muli %mul3A_55, %add3A_54 : i32
        %dma_wait3A_57 = arith.constant 0 : i32
        %dma_wait3A_58 = tpu.memref_slice %arg9[%mul3A_56, %dma_wait3A_57] : memref<40x128xi32, #tpu.memory_space<vmem>> -> memref<1x128xi32, #tpu.memory_space<vmem>>
        %dma_wait3A_59 = tpu.memref_squeeze %dma_wait3A_58 : memref<1x128xi32, #tpu.memory_space<vmem>> -> memref<128xi32, #tpu.memory_space<vmem>>
        %dma_wait3A_60 = arith.constant 0 : i32
        %dma_wait3A_61 = arith.constant 0 : i32
        %dma_wait3A_62 = tpu.memref_slice %arg4[%dma_wait3A_60, %dma_wait3A_61] : memref<10496x128xf32, #tpu.memory_space<hbm>> -> memref<10496x128xf32, #tpu.memory_space<hbm>>
        tpu.wait_indirect_dma semaphore(%arg14 : memref<!tpu.dma_semaphore, #tpu.memory_space<semaphore_mem>>) src(%dma_wait3A_62 : memref<10496x128xf32, #tpu.memory_space<hbm>>) dst(%arg11 : memref<128x128xf32, #tpu.memory_space<vmem>>)
        %dma_start3A_63 = arith.constant 0 : i32
        %dma_start3A_64 = tpu.memref_slice %arg10[%mul3A_56, %dma_start3A_63] : memref<40x128xi32, #tpu.memory_space<vmem>> -> memref<1x128xi32, #tpu.memory_space<vmem>>
        %dma_start3A_65 = tpu.memref_squeeze %dma_start3A_64 : memref<1x128xi32, #tpu.memory_space<vmem>> -> memref<128xi32, #tpu.memory_space<vmem>>
        %dma_start3A_66 = arith.constant 0 : i32
        %dma_start3A_67 = arith.constant 0 : i32
        %dma_start3A_68 = tpu.memref_slice %arg13[%dma_start3A_66, %dma_start3A_67] : memref<10496x128xf32, #tpu.memory_space<vmem_shared>> -> memref<10496x128xf32, #tpu.memory_space<vmem_shared>>
        tpu.enqueue_indirect_dma source(%arg11 : memref<128x128xf32, #tpu.memory_space<vmem>>) target(%dma_start3A_68 : memref<10496x128xf32, #tpu.memory_space<vmem_shared>>) offsets(%dma_start3A_65 : memref<128xi32, #tpu.memory_space<vmem>>) semaphore(%arg16 : memref<!tpu.dma_semaphore, #tpu.memory_space<semaphore_mem>>) {add = true}
        %gt3A = arith.constant 0 : i32
        %gt3A_69 = arith.cmpi sgt, %add3A_54, %gt3A : i32
        %convert_element_type3A_70 = arith.extui %gt3A_69 : i1 to i32
        %cond3A_71 = arith.constant 0 : i32
        %cond3A_72 = arith.cmpi ne, %convert_element_type3A_70, %cond3A_71 : i32
        scf.if %cond3A_72 {
          %sub3A = arith.constant 1 : i32
          %sub3A_109 = arith.subi %mul3A_56, %sub3A : i32
          %dma_wait3A_110 = arith.constant 0 : i32
          %dma_wait3A_111 = tpu.memref_slice %arg10[%sub3A_109, %dma_wait3A_110] : memref<40x128xi32, #tpu.memory_space<vmem>> -> memref<1x128xi32, #tpu.memory_space<vmem>>
          %dma_wait3A_112 = tpu.memref_squeeze %dma_wait3A_111 : memref<1x128xi32, #tpu.memory_space<vmem>> -> memref<128xi32, #tpu.memory_space<vmem>>
          %dma_wait3A_113 = arith.constant 0 : i32
          %dma_wait3A_114 = arith.constant 0 : i32
          %dma_wait3A_115 = tpu.memref_slice %arg13[%dma_wait3A_113, %dma_wait3A_114] : memref<10496x128xf32, #tpu.memory_space<vmem_shared>> -> memref<10496x128xf32, #tpu.memory_space<vmem_shared>>
          tpu.wait_indirect_dma semaphore(%arg17 : memref<!tpu.dma_semaphore, #tpu.memory_space<semaphore_mem>>) src(%arg12 : memref<128x128xf32, #tpu.memory_space<vmem>>) dst(%dma_wait3A_115 : memref<10496x128xf32, #tpu.memory_space<vmem_shared>>)
        } else {
        }
        %add3A_73 = arith.constant 1 : i32
        %add3A_74 = arith.addi %mul3A_56, %add3A_73 : i32
        %dma_start3A_75 = arith.constant 0 : i32
        %dma_start3A_76 = tpu.memref_slice %arg9[%add3A_74, %dma_start3A_75] : memref<40x128xi32, #tpu.memory_space<vmem>> -> memref<1x128xi32, #tpu.memory_space<vmem>>
        %dma_start3A_77 = tpu.memref_squeeze %dma_start3A_76 : memref<1x128xi32, #tpu.memory_space<vmem>> -> memref<128xi32, #tpu.memory_space<vmem>>
        %dma_start3A_78 = arith.constant 0 : i32
        %dma_start3A_79 = arith.constant 0 : i32
        %dma_start3A_80 = tpu.memref_slice %arg4[%dma_start3A_78, %dma_start3A_79] : memref<10496x128xf32, #tpu.memory_space<hbm>> -> memref<10496x128xf32, #tpu.memory_space<hbm>>
        tpu.enqueue_indirect_dma source(%dma_start3A_80 : memref<10496x128xf32, #tpu.memory_space<hbm>>) target(%arg12 : memref<128x128xf32, #tpu.memory_space<vmem>>) offsets(%dma_start3A_77 : memref<128xi32, #tpu.memory_space<vmem>>) semaphore(%arg15 : memref<!tpu.dma_semaphore, #tpu.memory_space<semaphore_mem>>)
        %add3A_81 = arith.constant 1 : i32
        %add3A_82 = arith.addi %mul3A_56, %add3A_81 : i32
        %dma_wait3A_83 = arith.constant 0 : i32
        %dma_wait3A_84 = tpu.memref_slice %arg9[%add3A_82, %dma_wait3A_83] : memref<40x128xi32, #tpu.memory_space<vmem>> -> memref<1x128xi32, #tpu.memory_space<vmem>>
        %dma_wait3A_85 = tpu.memref_squeeze %dma_wait3A_84 : memref<1x128xi32, #tpu.memory_space<vmem>> -> memref<128xi32, #tpu.memory_space<vmem>>
        %dma_wait3A_86 = arith.constant 0 : i32
        %dma_wait3A_87 = arith.constant 0 : i32
        %dma_wait3A_88 = tpu.memref_slice %arg4[%dma_wait3A_86, %dma_wait3A_87] : memref<10496x128xf32, #tpu.memory_space<hbm>> -> memref<10496x128xf32, #tpu.memory_space<hbm>>
        tpu.wait_indirect_dma semaphore(%arg15 : memref<!tpu.dma_semaphore, #tpu.memory_space<semaphore_mem>>) src(%dma_wait3A_88 : memref<10496x128xf32, #tpu.memory_space<hbm>>) dst(%arg12 : memref<128x128xf32, #tpu.memory_space<vmem>>)
        %add3A_89 = arith.constant 1 : i32
        %add3A_90 = arith.addi %mul3A_56, %add3A_89 : i32
        %dma_start3A_91 = arith.constant 0 : i32
        %dma_start3A_92 = tpu.memref_slice %arg10[%add3A_90, %dma_start3A_91] : memref<40x128xi32, #tpu.memory_space<vmem>> -> memref<1x128xi32, #tpu.memory_space<vmem>>
        %dma_start3A_93 = tpu.memref_squeeze %dma_start3A_92 : memref<1x128xi32, #tpu.memory_space<vmem>> -> memref<128xi32, #tpu.memory_space<vmem>>
        %dma_start3A_94 = arith.constant 0 : i32
        %dma_start3A_95 = arith.constant 0 : i32
        %dma_start3A_96 = tpu.memref_slice %arg13[%dma_start3A_94, %dma_start3A_95] : memref<10496x128xf32, #tpu.memory_space<vmem_shared>> -> memref<10496x128xf32, #tpu.memory_space<vmem_shared>>
        tpu.enqueue_indirect_dma source(%arg12 : memref<128x128xf32, #tpu.memory_space<vmem>>) target(%dma_start3A_96 : memref<10496x128xf32, #tpu.memory_space<vmem_shared>>) offsets(%dma_start3A_93 : memref<128xi32, #tpu.memory_space<vmem>>) semaphore(%arg17 : memref<!tpu.dma_semaphore, #tpu.memory_space<semaphore_mem>>) {add = true}
        %dma_wait3A_97 = arith.constant 0 : i32
        %dma_wait3A_98 = tpu.memref_slice %arg10[%mul3A_56, %dma_wait3A_97] : memref<40x128xi32, #tpu.memory_space<vmem>> -> memref<1x128xi32, #tpu.memory_space<vmem>>
        %dma_wait3A_99 = tpu.memref_squeeze %dma_wait3A_98 : memref<1x128xi32, #tpu.memory_space<vmem>> -> memref<128xi32, #tpu.memory_space<vmem>>
        %dma_wait3A_100 = arith.constant 0 : i32
        %dma_wait3A_101 = arith.constant 0 : i32
        %dma_wait3A_102 = tpu.memref_slice %arg13[%dma_wait3A_100, %dma_wait3A_101] : memref<10496x128xf32, #tpu.memory_space<vmem_shared>> -> memref<10496x128xf32, #tpu.memory_space<vmem_shared>>
        tpu.wait_indirect_dma semaphore(%arg16 : memref<!tpu.dma_semaphore, #tpu.memory_space<semaphore_mem>>) src(%arg11 : memref<128x128xf32, #tpu.memory_space<vmem>>) dst(%dma_wait3A_102 : memref<10496x128xf32, #tpu.memory_space<vmem_shared>>)
        %add3A_103 = arith.constant 2 : i32
        %add3A_104 = arith.addi %mul3A_56, %add3A_103 : i32
        %lt3A = arith.constant 40 : i32
        %lt3A_105 = arith.cmpi slt, %add3A_104, %lt3A : i32
        %convert_element_type3A_106 = arith.extui %lt3A_105 : i1 to i32
        %cond3A_107 = arith.constant 0 : i32
        %cond3A_108 = arith.cmpi ne, %convert_element_type3A_106, %cond3A_107 : i32
        scf.if %cond3A_108 {
          %add3A_109 = arith.constant 2 : i32
          %add3A_110 = arith.addi %mul3A_56, %add3A_109 : i32
          %dma_start3A_111 = arith.constant 0 : i32
          %dma_start3A_112 = tpu.memref_slice %arg9[%add3A_110, %dma_start3A_111] : memref<40x128xi32, #tpu.memory_space<vmem>> -> memref<1x128xi32, #tpu.memory_space<vmem>>
          %dma_start3A_113 = tpu.memref_squeeze %dma_start3A_112 : memref<1x128xi32, #tpu.memory_space<vmem>> -> memref<128xi32, #tpu.memory_space<vmem>>
          %dma_start3A_114 = arith.constant 0 : i32
          %dma_start3A_115 = arith.constant 0 : i32
          %dma_start3A_116 = tpu.memref_slice %arg4[%dma_start3A_114, %dma_start3A_115] : memref<10496x128xf32, #tpu.memory_space<hbm>> -> memref<10496x128xf32, #tpu.memory_space<hbm>>
          tpu.enqueue_indirect_dma source(%dma_start3A_116 : memref<10496x128xf32, #tpu.memory_space<hbm>>) target(%arg11 : memref<128x128xf32, #tpu.memory_space<vmem>>) offsets(%dma_start3A_113 : memref<128xi32, #tpu.memory_space<vmem>>) semaphore(%arg14 : memref<!tpu.dma_semaphore, #tpu.memory_space<semaphore_mem>>)
        } else {
        }
      }
      %scan3A_19 = arith.constant 20 : i32
      %dma_wait3A = arith.constant 39 : i32
      %dma_wait3A_20 = arith.constant 0 : i32
      %dma_wait3A_21 = tpu.memref_slice %arg10[%dma_wait3A, %dma_wait3A_20] : memref<40x128xi32, #tpu.memory_space<vmem>> -> memref<1x128xi32, #tpu.memory_space<vmem>>
      %dma_wait3A_22 = tpu.memref_squeeze %dma_wait3A_21 : memref<1x128xi32, #tpu.memory_space<vmem>> -> memref<128xi32, #tpu.memory_space<vmem>>
      %dma_wait3A_23 = arith.constant 0 : i32
      %dma_wait3A_24 = arith.constant 0 : i32
      %dma_wait3A_25 = tpu.memref_slice %arg13[%dma_wait3A_23, %dma_wait3A_24] : memref<10496x128xf32, #tpu.memory_space<vmem_shared>> -> memref<10496x128xf32, #tpu.memory_space<vmem_shared>>
      tpu.wait_indirect_dma semaphore(%arg17 : memref<!tpu.dma_semaphore, #tpu.memory_space<semaphore_mem>>) src(%arg12 : memref<128x128xf32, #tpu.memory_space<vmem>>) dst(%dma_wait3A_25 : memref<10496x128xf32, #tpu.memory_space<vmem_shared>>)
      "tpu.region"() ({
        %run_scoped3A = tpu.sem_alloc : memref<!tpu.dma_semaphore, #tpu.memory_space<semaphore_mem>>
        %dma_start3A_51 = arith.constant 40 : i32
        %dma_start3A_52 = arith.constant 0 : i32
        %dma_start3A_53 = tpu.memref_slice %arg2[%arg1, %dma_start3A_51, %dma_start3A_52] : memref<16x80x128xi32, #tpu.memory_space<hbm>> -> memref<1x40x128xi32, #tpu.memory_space<hbm>>
        %dma_start3A_54 = tpu.memref_squeeze %dma_start3A_53 : memref<1x40x128xi32, #tpu.memory_space<hbm>> -> memref<40x128xi32, #tpu.memory_space<hbm>>
        %dma_start3A_55 = arith.constant 40 : i32
        %dma_start3A_56 = arith.constant 0 : i32
        %dma_start3A_57 = tpu.memref_slice %arg2[%arg1, %dma_start3A_55, %dma_start3A_56] : memref<16x80x128xi32, #tpu.memory_space<hbm>> -> memref<1x40x128xi32, #tpu.memory_space<hbm>>
        %dma_start3A_58 = tpu.memref_squeeze %dma_start3A_57 : memref<1x40x128xi32, #tpu.memory_space<hbm>> -> memref<40x128xi32, #tpu.memory_space<hbm>>
        tpu.enqueue_dma source(%dma_start3A_58 : memref<40x128xi32, #tpu.memory_space<hbm>>) target(%arg9 : memref<40x128xi32, #tpu.memory_space<vmem>>) target_semaphore(%run_scoped3A : memref<!tpu.dma_semaphore, #tpu.memory_space<semaphore_mem>>)
        %dma_wait3A_59 = arith.constant 40 : i32
        %dma_wait3A_60 = arith.constant 0 : i32
        %dma_wait3A_61 = tpu.memref_slice %arg2[%arg1, %dma_wait3A_59, %dma_wait3A_60] : memref<16x80x128xi32, #tpu.memory_space<hbm>> -> memref<1x40x128xi32, #tpu.memory_space<hbm>>
        %dma_wait3A_62 = tpu.memref_squeeze %dma_wait3A_61 : memref<1x40x128xi32, #tpu.memory_space<hbm>> -> memref<40x128xi32, #tpu.memory_space<hbm>>
        %dma_wait3A_63 = arith.constant 40 : i32
        %dma_wait3A_64 = arith.constant 0 : i32
        %dma_wait3A_65 = tpu.memref_slice %arg2[%arg1, %dma_wait3A_63, %dma_wait3A_64] : memref<16x80x128xi32, #tpu.memory_space<hbm>> -> memref<1x40x128xi32, #tpu.memory_space<hbm>>
        %dma_wait3A_66 = tpu.memref_squeeze %dma_wait3A_65 : memref<1x40x128xi32, #tpu.memory_space<hbm>> -> memref<40x128xi32, #tpu.memory_space<hbm>>
        tpu.wait_dma2 semaphore(%run_scoped3A : memref<!tpu.dma_semaphore, #tpu.memory_space<semaphore_mem>>) src(%dma_wait3A_66 : memref<40x128xi32, #tpu.memory_space<hbm>>) dst(%arg9 : memref<40x128xi32, #tpu.memory_space<vmem>>)
        tpu.yield
      }) : () -> ()
      "tpu.region"() ({
        %run_scoped3A = tpu.sem_alloc : memref<!tpu.dma_semaphore, #tpu.memory_space<semaphore_mem>>
        %dma_start3A_51 = arith.constant 40 : i32
        %dma_start3A_52 = arith.constant 0 : i32
        %dma_start3A_53 = tpu.memref_slice %arg3[%arg1, %dma_start3A_51, %dma_start3A_52] : memref<16x80x128xi32, #tpu.memory_space<hbm>> -> memref<1x40x128xi32, #tpu.memory_space<hbm>>
        %dma_start3A_54 = tpu.memref_squeeze %dma_start3A_53 : memref<1x40x128xi32, #tpu.memory_space<hbm>> -> memref<40x128xi32, #tpu.memory_space<hbm>>
        %dma_start3A_55 = arith.constant 40 : i32
        %dma_start3A_56 = arith.constant 0 : i32
        %dma_start3A_57 = tpu.memref_slice %arg3[%arg1, %dma_start3A_55, %dma_start3A_56] : memref<16x80x128xi32, #tpu.memory_space<hbm>> -> memref<1x40x128xi32, #tpu.memory_space<hbm>>
        %dma_start3A_58 = tpu.memref_squeeze %dma_start3A_57 : memref<1x40x128xi32, #tpu.memory_space<hbm>> -> memref<40x128xi32, #tpu.memory_space<hbm>>
        tpu.enqueue_dma source(%dma_start3A_58 : memref<40x128xi32, #tpu.memory_space<hbm>>) target(%arg10 : memref<40x128xi32, #tpu.memory_space<vmem>>) target_semaphore(%run_scoped3A : memref<!tpu.dma_semaphore, #tpu.memory_space<semaphore_mem>>)
        %dma_wait3A_59 = arith.constant 40 : i32
        %dma_wait3A_60 = arith.constant 0 : i32
        %dma_wait3A_61 = tpu.memref_slice %arg3[%arg1, %dma_wait3A_59, %dma_wait3A_60] : memref<16x80x128xi32, #tpu.memory_space<hbm>> -> memref<1x40x128xi32, #tpu.memory_space<hbm>>
        %dma_wait3A_62 = tpu.memref_squeeze %dma_wait3A_61 : memref<1x40x128xi32, #tpu.memory_space<hbm>> -> memref<40x128xi32, #tpu.memory_space<hbm>>
        %dma_wait3A_63 = arith.constant 40 : i32
        %dma_wait3A_64 = arith.constant 0 : i32
        %dma_wait3A_65 = tpu.memref_slice %arg3[%arg1, %dma_wait3A_63, %dma_wait3A_64] : memref<16x80x128xi32, #tpu.memory_space<hbm>> -> memref<1x40x128xi32, #tpu.memory_space<hbm>>
        %dma_wait3A_66 = tpu.memref_squeeze %dma_wait3A_65 : memref<1x40x128xi32, #tpu.memory_space<hbm>> -> memref<40x128xi32, #tpu.memory_space<hbm>>
        tpu.wait_dma2 semaphore(%run_scoped3A : memref<!tpu.dma_semaphore, #tpu.memory_space<semaphore_mem>>) src(%dma_wait3A_66 : memref<40x128xi32, #tpu.memory_space<hbm>>) dst(%arg10 : memref<40x128xi32, #tpu.memory_space<vmem>>)
        tpu.yield
      }) : () -> ()
      %dma_start3A_26 = arith.constant 0 : i32
      %dma_start3A_27 = arith.constant 0 : i32
      %dma_start3A_28 = tpu.memref_slice %arg9[%dma_start3A_26, %dma_start3A_27] : memref<40x128xi32, #tpu.memory_space<vmem>> -> memref<1x128xi32, #tpu.memory_space<vmem>>
      %dma_start3A_29 = tpu.memref_squeeze %dma_start3A_28 : memref<1x128xi32, #tpu.memory_space<vmem>> -> memref<128xi32, #tpu.memory_space<vmem>>
      %dma_start3A_30 = arith.constant 0 : i32
      %dma_start3A_31 = arith.constant 0 : i32
      %dma_start3A_32 = tpu.memref_slice %arg4[%dma_start3A_30, %dma_start3A_31] : memref<10496x128xf32, #tpu.memory_space<hbm>> -> memref<10496x128xf32, #tpu.memory_space<hbm>>
      tpu.enqueue_indirect_dma source(%dma_start3A_32 : memref<10496x128xf32, #tpu.memory_space<hbm>>) target(%arg11 : memref<128x128xf32, #tpu.memory_space<vmem>>) offsets(%dma_start3A_29 : memref<128xi32, #tpu.memory_space<vmem>>) semaphore(%arg14 : memref<!tpu.dma_semaphore, #tpu.memory_space<semaphore_mem>>)
      %scan3A_33 = arith.constant 0 : i32
      %scan3A_34 = arith.constant 20 : i32
      %scan3A_35 = arith.addi %scan3A_33, %scan3A_34 : i32
      %scan3A_36 = arith.constant 1 : i32
      scf.for %scan3A_51 = %scan3A_33 to %scan3A_35 step %scan3A_36  : i32 {
        %mul3A_52 = arith.constant 1 : i32
        %mul3A_53 = arith.muli %scan3A_51, %mul3A_52 : i32
        %add3A = arith.constant 0 : i32
        %add3A_54 = arith.addi %add3A, %mul3A_53 : i32
        %mul3A_55 = arith.constant 2 : i32
        %mul3A_56 = arith.muli %mul3A_55, %add3A_54 : i32
        %dma_wait3A_57 = arith.constant 0 : i32
        %dma_wait3A_58 = tpu.memref_slice %arg9[%mul3A_56, %dma_wait3A_57] : memref<40x128xi32, #tpu.memory_space<vmem>> -> memref<1x128xi32, #tpu.memory_space<vmem>>
        %dma_wait3A_59 = tpu.memref_squeeze %dma_wait3A_58 : memref<1x128xi32, #tpu.memory_space<vmem>> -> memref<128xi32, #tpu.memory_space<vmem>>
        %dma_wait3A_60 = arith.constant 0 : i32
        %dma_wait3A_61 = arith.constant 0 : i32
        %dma_wait3A_62 = tpu.memref_slice %arg4[%dma_wait3A_60, %dma_wait3A_61] : memref<10496x128xf32, #tpu.memory_space<hbm>> -> memref<10496x128xf32, #tpu.memory_space<hbm>>
        tpu.wait_indirect_dma semaphore(%arg14 : memref<!tpu.dma_semaphore, #tpu.memory_space<semaphore_mem>>) src(%dma_wait3A_62 : memref<10496x128xf32, #tpu.memory_space<hbm>>) dst(%arg11 : memref<128x128xf32, #tpu.memory_space<vmem>>)
        %dma_start3A_63 = arith.constant 0 : i32
        %dma_start3A_64 = tpu.memref_slice %arg10[%mul3A_56, %dma_start3A_63] : memref<40x128xi32, #tpu.memory_space<vmem>> -> memref<1x128xi32, #tpu.memory_space<vmem>>
        %dma_start3A_65 = tpu.memref_squeeze %dma_start3A_64 : memref<1x128xi32, #tpu.memory_space<vmem>> -> memref<128xi32, #tpu.memory_space<vmem>>
        %dma_start3A_66 = arith.constant 0 : i32
        %dma_start3A_67 = arith.constant 0 : i32
        %dma_start3A_68 = tpu.memref_slice %arg13[%dma_start3A_66, %dma_start3A_67] : memref<10496x128xf32, #tpu.memory_space<vmem_shared>> -> memref<10496x128xf32, #tpu.memory_space<vmem_shared>>
        tpu.enqueue_indirect_dma source(%arg11 : memref<128x128xf32, #tpu.memory_space<vmem>>) target(%dma_start3A_68 : memref<10496x128xf32, #tpu.memory_space<vmem_shared>>) offsets(%dma_start3A_65 : memref<128xi32, #tpu.memory_space<vmem>>) semaphore(%arg16 : memref<!tpu.dma_semaphore, #tpu.memory_space<semaphore_mem>>) {add = true}
        %gt3A = arith.constant 0 : i32
        %gt3A_69 = arith.cmpi sgt, %add3A_54, %gt3A : i32
        %convert_element_type3A_70 = arith.extui %gt3A_69 : i1 to i32
        %cond3A_71 = arith.constant 0 : i32
        %cond3A_72 = arith.cmpi ne, %convert_element_type3A_70, %cond3A_71 : i32
        scf.if %cond3A_72 {
          %sub3A = arith.constant 1 : i32
          %sub3A_109 = arith.subi %mul3A_56, %sub3A : i32
          %dma_wait3A_110 = arith.constant 0 : i32
          %dma_wait3A_111 = tpu.memref_slice %arg10[%sub3A_109, %dma_wait3A_110] : memref<40x128xi32, #tpu.memory_space<vmem>> -> memref<1x128xi32, #tpu.memory_space<vmem>>
          %dma_wait3A_112 = tpu.memref_squeeze %dma_wait3A_111 : memref<1x128xi32, #tpu.memory_space<vmem>> -> memref<128xi32, #tpu.memory_space<vmem>>
          %dma_wait3A_113 = arith.constant 0 : i32
          %dma_wait3A_114 = arith.constant 0 : i32
          %dma_wait3A_115 = tpu.memref_slice %arg13[%dma_wait3A_113, %dma_wait3A_114] : memref<10496x128xf32, #tpu.memory_space<vmem_shared>> -> memref<10496x128xf32, #tpu.memory_space<vmem_shared>>
          tpu.wait_indirect_dma semaphore(%arg17 : memref<!tpu.dma_semaphore, #tpu.memory_space<semaphore_mem>>) src(%arg12 : memref<128x128xf32, #tpu.memory_space<vmem>>) dst(%dma_wait3A_115 : memref<10496x128xf32, #tpu.memory_space<vmem_shared>>)
        } else {
        }
        %add3A_73 = arith.constant 1 : i32
        %add3A_74 = arith.addi %mul3A_56, %add3A_73 : i32
        %dma_start3A_75 = arith.constant 0 : i32
        %dma_start3A_76 = tpu.memref_slice %arg9[%add3A_74, %dma_start3A_75] : memref<40x128xi32, #tpu.memory_space<vmem>> -> memref<1x128xi32, #tpu.memory_space<vmem>>
        %dma_start3A_77 = tpu.memref_squeeze %dma_start3A_76 : memref<1x128xi32, #tpu.memory_space<vmem>> -> memref<128xi32, #tpu.memory_space<vmem>>
        %dma_start3A_78 = arith.constant 0 : i32
        %dma_start3A_79 = arith.constant 0 : i32
        %dma_start3A_80 = tpu.memref_slice %arg4[%dma_start3A_78, %dma_start3A_79] : memref<10496x128xf32, #tpu.memory_space<hbm>> -> memref<10496x128xf32, #tpu.memory_space<hbm>>
        tpu.enqueue_indirect_dma source(%dma_start3A_80 : memref<10496x128xf32, #tpu.memory_space<hbm>>) target(%arg12 : memref<128x128xf32, #tpu.memory_space<vmem>>) offsets(%dma_start3A_77 : memref<128xi32, #tpu.memory_space<vmem>>) semaphore(%arg15 : memref<!tpu.dma_semaphore, #tpu.memory_space<semaphore_mem>>)
        %add3A_81 = arith.constant 1 : i32
        %add3A_82 = arith.addi %mul3A_56, %add3A_81 : i32
        %dma_wait3A_83 = arith.constant 0 : i32
        %dma_wait3A_84 = tpu.memref_slice %arg9[%add3A_82, %dma_wait3A_83] : memref<40x128xi32, #tpu.memory_space<vmem>> -> memref<1x128xi32, #tpu.memory_space<vmem>>
        %dma_wait3A_85 = tpu.memref_squeeze %dma_wait3A_84 : memref<1x128xi32, #tpu.memory_space<vmem>> -> memref<128xi32, #tpu.memory_space<vmem>>
        %dma_wait3A_86 = arith.constant 0 : i32
        %dma_wait3A_87 = arith.constant 0 : i32
        %dma_wait3A_88 = tpu.memref_slice %arg4[%dma_wait3A_86, %dma_wait3A_87] : memref<10496x128xf32, #tpu.memory_space<hbm>> -> memref<10496x128xf32, #tpu.memory_space<hbm>>
        tpu.wait_indirect_dma semaphore(%arg15 : memref<!tpu.dma_semaphore, #tpu.memory_space<semaphore_mem>>) src(%dma_wait3A_88 : memref<10496x128xf32, #tpu.memory_space<hbm>>) dst(%arg12 : memref<128x128xf32, #tpu.memory_space<vmem>>)
        %add3A_89 = arith.constant 1 : i32
        %add3A_90 = arith.addi %mul3A_56, %add3A_89 : i32
        %dma_start3A_91 = arith.constant 0 : i32
        %dma_start3A_92 = tpu.memref_slice %arg10[%add3A_90, %dma_start3A_91] : memref<40x128xi32, #tpu.memory_space<vmem>> -> memref<1x128xi32, #tpu.memory_space<vmem>>
        %dma_start3A_93 = tpu.memref_squeeze %dma_start3A_92 : memref<1x128xi32, #tpu.memory_space<vmem>> -> memref<128xi32, #tpu.memory_space<vmem>>
        %dma_start3A_94 = arith.constant 0 : i32
        %dma_start3A_95 = arith.constant 0 : i32
        %dma_start3A_96 = tpu.memref_slice %arg13[%dma_start3A_94, %dma_start3A_95] : memref<10496x128xf32, #tpu.memory_space<vmem_shared>> -> memref<10496x128xf32, #tpu.memory_space<vmem_shared>>
        tpu.enqueue_indirect_dma source(%arg12 : memref<128x128xf32, #tpu.memory_space<vmem>>) target(%dma_start3A_96 : memref<10496x128xf32, #tpu.memory_space<vmem_shared>>) offsets(%dma_start3A_93 : memref<128xi32, #tpu.memory_space<vmem>>) semaphore(%arg17 : memref<!tpu.dma_semaphore, #tpu.memory_space<semaphore_mem>>) {add = true}
        %dma_wait3A_97 = arith.constant 0 : i32
        %dma_wait3A_98 = tpu.memref_slice %arg10[%mul3A_56, %dma_wait3A_97] : memref<40x128xi32, #tpu.memory_space<vmem>> -> memref<1x128xi32, #tpu.memory_space<vmem>>
        %dma_wait3A_99 = tpu.memref_squeeze %dma_wait3A_98 : memref<1x128xi32, #tpu.memory_space<vmem>> -> memref<128xi32, #tpu.memory_space<vmem>>
        %dma_wait3A_100 = arith.constant 0 : i32
        %dma_wait3A_101 = arith.constant 0 : i32
        %dma_wait3A_102 = tpu.memref_slice %arg13[%dma_wait3A_100, %dma_wait3A_101] : memref<10496x128xf32, #tpu.memory_space<vmem_shared>> -> memref<10496x128xf32, #tpu.memory_space<vmem_shared>>
        tpu.wait_indirect_dma semaphore(%arg16 : memref<!tpu.dma_semaphore, #tpu.memory_space<semaphore_mem>>) src(%arg11 : memref<128x128xf32, #tpu.memory_space<vmem>>) dst(%dma_wait3A_102 : memref<10496x128xf32, #tpu.memory_space<vmem_shared>>)
        %add3A_103 = arith.constant 2 : i32
        %add3A_104 = arith.addi %mul3A_56, %add3A_103 : i32
        %lt3A = arith.constant 40 : i32
        %lt3A_105 = arith.cmpi slt, %add3A_104, %lt3A : i32
        %convert_element_type3A_106 = arith.extui %lt3A_105 : i1 to i32
        %cond3A_107 = arith.constant 0 : i32
        %cond3A_108 = arith.cmpi ne, %convert_element_type3A_106, %cond3A_107 : i32
        scf.if %cond3A_108 {
          %add3A_109 = arith.constant 2 : i32
          %add3A_110 = arith.addi %mul3A_56, %add3A_109 : i32
          %dma_start3A_111 = arith.constant 0 : i32
          %dma_start3A_112 = tpu.memref_slice %arg9[%add3A_110, %dma_start3A_111] : memref<40x128xi32, #tpu.memory_space<vmem>> -> memref<1x128xi32, #tpu.memory_space<vmem>>
          %dma_start3A_113 = tpu.memref_squeeze %dma_start3A_112 : memref<1x128xi32, #tpu.memory_space<vmem>> -> memref<128xi32, #tpu.memory_space<vmem>>
          %dma_start3A_114 = arith.constant 0 : i32
          %dma_start3A_115 = arith.constant 0 : i32
          %dma_start3A_116 = tpu.memref_slice %arg4[%dma_start3A_114, %dma_start3A_115] : memref<10496x128xf32, #tpu.memory_space<hbm>> -> memref<10496x128xf32, #tpu.memory_space<hbm>>
          tpu.enqueue_indirect_dma source(%dma_start3A_116 : memref<10496x128xf32, #tpu.memory_space<hbm>>) target(%arg11 : memref<128x128xf32, #tpu.memory_space<vmem>>) offsets(%dma_start3A_113 : memref<128xi32, #tpu.memory_space<vmem>>) semaphore(%arg14 : memref<!tpu.dma_semaphore, #tpu.memory_space<semaphore_mem>>)
        } else {
        }
      }
      %scan3A_37 = arith.constant 20 : i32
      %dma_wait3A_38 = arith.constant 39 : i32
      %dma_wait3A_39 = arith.constant 0 : i32
      %dma_wait3A_40 = tpu.memref_slice %arg10[%dma_wait3A_38, %dma_wait3A_39] : memref<40x128xi32, #tpu.memory_space<vmem>> -> memref<1x128xi32, #tpu.memory_space<vmem>>
      %dma_wait3A_41 = tpu.memref_squeeze %dma_wait3A_40 : memref<1x128xi32, #tpu.memory_space<vmem>> -> memref<128xi32, #tpu.memory_space<vmem>>
      %dma_wait3A_42 = arith.constant 0 : i32
      %dma_wait3A_43 = arith.constant 0 : i32
      %dma_wait3A_44 = tpu.memref_slice %arg13[%dma_wait3A_42, %dma_wait3A_43] : memref<10496x128xf32, #tpu.memory_space<vmem_shared>> -> memref<10496x128xf32, #tpu.memory_space<vmem_shared>>
      tpu.wait_indirect_dma semaphore(%arg17 : memref<!tpu.dma_semaphore, #tpu.memory_space<semaphore_mem>>) src(%arg12 : memref<128x128xf32, #tpu.memory_space<vmem>>) dst(%dma_wait3A_44 : memref<10496x128xf32, #tpu.memory_space<vmem_shared>>)
      %barrier3A_45 = arith.constant 0 : index
      tpu.barrier barrier_id(%barrier3A_45)
      %mul3A_46 = arith.constant 656 : i32
      %mul3A_47 = arith.muli %arg1, %mul3A_46 : i32
      %mul3A_48 = arith.constant 656 : i32
      %mul3A_49 = arith.muli %arg1, %mul3A_48 : i32
      "tpu.region"() ({
        %run_scoped3A = tpu.sem_alloc : memref<!tpu.dma_semaphore, #tpu.memory_space<semaphore_mem>>
        %dma_start3A_51 = arith.constant 0 : i32
        %dma_start3A_52 = tpu.memref_slice %arg7[%mul3A_49, %dma_start3A_51] : memref<10496x128xf32, #tpu.memory_space<hbm>> -> memref<656x128xf32, #tpu.memory_space<hbm>>
        %dma_start3A_53 = arith.constant 0 : i32
        %dma_start3A_54 = tpu.memref_slice %arg13[%mul3A_47, %dma_start3A_53] : memref<10496x128xf32, #tpu.memory_space<vmem_shared>> -> memref<656x128xf32, #tpu.memory_space<vmem_shared>>
        tpu.enqueue_dma source(%dma_start3A_54 : memref<656x128xf32, #tpu.memory_space<vmem_shared>>) target(%dma_start3A_52 : memref<656x128xf32, #tpu.memory_space<hbm>>) target_semaphore(%run_scoped3A : memref<!tpu.dma_semaphore, #tpu.memory_space<semaphore_mem>>)
        %dma_wait3A_55 = arith.constant 0 : i32
        %dma_wait3A_56 = tpu.memref_slice %arg7[%mul3A_49, %dma_wait3A_55] : memref<10496x128xf32, #tpu.memory_space<hbm>> -> memref<656x128xf32, #tpu.memory_space<hbm>>
        %dma_wait3A_57 = arith.constant 0 : i32
        %dma_wait3A_58 = tpu.memref_slice %arg13[%mul3A_47, %dma_wait3A_57] : memref<10496x128xf32, #tpu.memory_space<vmem_shared>> -> memref<656x128xf32, #tpu.memory_space<vmem_shared>>
        tpu.wait_dma2 semaphore(%run_scoped3A : memref<!tpu.dma_semaphore, #tpu.memory_space<semaphore_mem>>) src(%dma_wait3A_58 : memref<656x128xf32, #tpu.memory_space<vmem_shared>>) dst(%dma_wait3A_56 : memref<656x128xf32, #tpu.memory_space<hbm>>)
        tpu.yield
      }) : () -> ()
      %barrier3A_50 = arith.constant 0 : index
      tpu.barrier barrier_id(%barrier3A_50)
    } else {
    }
    %eq3A_2 = arith.constant 1 : i32
    %eq3A_3 = arith.cmpi eq, %arg0, %eq3A_2 : i32
    %convert_element_type3A_4 = arith.extui %eq3A_3 : i1 to i32
    %cond3A_5 = arith.constant 0 : i32
    %cond3A_6 = arith.cmpi ne, %convert_element_type3A_4, %cond3A_5 : i32
    scf.if %cond3A_6 {
      %mul3A = arith.constant 656 : i32
      %mul3A_7 = arith.muli %arg1, %mul3A : i32
      %mul3A_8 = arith.constant 656 : i32
      %mul3A_9 = arith.muli %arg1, %mul3A_8 : i32
      "tpu.region"() ({
        %run_scoped3A = tpu.sem_alloc : memref<!tpu.dma_semaphore, #tpu.memory_space<semaphore_mem>>
        %dma_start3A_51 = arith.constant 0 : i32
        %dma_start3A_52 = tpu.memref_slice %arg13[%mul3A_9, %dma_start3A_51] : memref<10496x128xf32, #tpu.memory_space<vmem_shared>> -> memref<656x128xf32, #tpu.memory_space<vmem_shared>>
        %dma_start3A_53 = arith.constant 0 : i32
        %dma_start3A_54 = tpu.memref_slice %arg6[%mul3A_7, %dma_start3A_53] : memref<10496x128xf32, #tpu.memory_space<hbm>> -> memref<656x128xf32, #tpu.memory_space<hbm>>
        tpu.enqueue_dma source(%dma_start3A_54 : memref<656x128xf32, #tpu.memory_space<hbm>>) target(%dma_start3A_52 : memref<656x128xf32, #tpu.memory_space<vmem_shared>>) target_semaphore(%run_scoped3A : memref<!tpu.dma_semaphore, #tpu.memory_space<semaphore_mem>>)
        %dma_wait3A_55 = arith.constant 0 : i32
        %dma_wait3A_56 = tpu.memref_slice %arg13[%mul3A_9, %dma_wait3A_55] : memref<10496x128xf32, #tpu.memory_space<vmem_shared>> -> memref<656x128xf32, #tpu.memory_space<vmem_shared>>
        %dma_wait3A_57 = arith.constant 0 : i32
        %dma_wait3A_58 = tpu.memref_slice %arg6[%mul3A_7, %dma_wait3A_57] : memref<10496x128xf32, #tpu.memory_space<hbm>> -> memref<656x128xf32, #tpu.memory_space<hbm>>
        tpu.wait_dma2 semaphore(%run_scoped3A : memref<!tpu.dma_semaphore, #tpu.memory_space<semaphore_mem>>) src(%dma_wait3A_58 : memref<656x128xf32, #tpu.memory_space<hbm>>) dst(%dma_wait3A_56 : memref<656x128xf32, #tpu.memory_space<vmem_shared>>)
        tpu.yield
      }) : () -> ()
      %barrier3A = arith.constant 0 : index
      tpu.barrier barrier_id(%barrier3A)
      "tpu.region"() ({
        %run_scoped3A = tpu.sem_alloc : memref<!tpu.dma_semaphore, #tpu.memory_space<semaphore_mem>>
        %dma_start3A_51 = arith.constant 0 : i32
        %dma_start3A_52 = arith.constant 0 : i32
        %dma_start3A_53 = tpu.memref_slice %arg2[%arg1, %dma_start3A_51, %dma_start3A_52] : memref<16x80x128xi32, #tpu.memory_space<hbm>> -> memref<1x40x128xi32, #tpu.memory_space<hbm>>
        %dma_start3A_54 = tpu.memref_squeeze %dma_start3A_53 : memref<1x40x128xi32, #tpu.memory_space<hbm>> -> memref<40x128xi32, #tpu.memory_space<hbm>>
        %dma_start3A_55 = arith.constant 0 : i32
        %dma_start3A_56 = arith.constant 0 : i32
        %dma_start3A_57 = tpu.memref_slice %arg2[%arg1, %dma_start3A_55, %dma_start3A_56] : memref<16x80x128xi32, #tpu.memory_space<hbm>> -> memref<1x40x128xi32, #tpu.memory_space<hbm>>
        %dma_start3A_58 = tpu.memref_squeeze %dma_start3A_57 : memref<1x40x128xi32, #tpu.memory_space<hbm>> -> memref<40x128xi32, #tpu.memory_space<hbm>>
        tpu.enqueue_dma source(%dma_start3A_58 : memref<40x128xi32, #tpu.memory_space<hbm>>) target(%arg9 : memref<40x128xi32, #tpu.memory_space<vmem>>) target_semaphore(%run_scoped3A : memref<!tpu.dma_semaphore, #tpu.memory_space<semaphore_mem>>)
        %dma_wait3A_59 = arith.constant 0 : i32
        %dma_wait3A_60 = arith.constant 0 : i32
        %dma_wait3A_61 = tpu.memref_slice %arg2[%arg1, %dma_wait3A_59, %dma_wait3A_60] : memref<16x80x128xi32, #tpu.memory_space<hbm>> -> memref<1x40x128xi32, #tpu.memory_space<hbm>>
        %dma_wait3A_62 = tpu.memref_squeeze %dma_wait3A_61 : memref<1x40x128xi32, #tpu.memory_space<hbm>> -> memref<40x128xi32, #tpu.memory_space<hbm>>
        %dma_wait3A_63 = arith.constant 0 : i32
        %dma_wait3A_64 = arith.constant 0 : i32
        %dma_wait3A_65 = tpu.memref_slice %arg2[%arg1, %dma_wait3A_63, %dma_wait3A_64] : memref<16x80x128xi32, #tpu.memory_space<hbm>> -> memref<1x40x128xi32, #tpu.memory_space<hbm>>
        %dma_wait3A_66 = tpu.memref_squeeze %dma_wait3A_65 : memref<1x40x128xi32, #tpu.memory_space<hbm>> -> memref<40x128xi32, #tpu.memory_space<hbm>>
        tpu.wait_dma2 semaphore(%run_scoped3A : memref<!tpu.dma_semaphore, #tpu.memory_space<semaphore_mem>>) src(%dma_wait3A_66 : memref<40x128xi32, #tpu.memory_space<hbm>>) dst(%arg9 : memref<40x128xi32, #tpu.memory_space<vmem>>)
        tpu.yield
      }) : () -> ()
      "tpu.region"() ({
        %run_scoped3A = tpu.sem_alloc : memref<!tpu.dma_semaphore, #tpu.memory_space<semaphore_mem>>
        %dma_start3A_51 = arith.constant 0 : i32
        %dma_start3A_52 = arith.constant 0 : i32
        %dma_start3A_53 = tpu.memref_slice %arg3[%arg1, %dma_start3A_51, %dma_start3A_52] : memref<16x80x128xi32, #tpu.memory_space<hbm>> -> memref<1x40x128xi32, #tpu.memory_space<hbm>>
        %dma_start3A_54 = tpu.memref_squeeze %dma_start3A_53 : memref<1x40x128xi32, #tpu.memory_space<hbm>> -> memref<40x128xi32, #tpu.memory_space<hbm>>
        %dma_start3A_55 = arith.constant 0 : i32
        %dma_start3A_56 = arith.constant 0 : i32
        %dma_start3A_57 = tpu.memref_slice %arg3[%arg1, %dma_start3A_55, %dma_start3A_56] : memref<16x80x128xi32, #tpu.memory_space<hbm>> -> memref<1x40x128xi32, #tpu.memory_space<hbm>>
        %dma_start3A_58 = tpu.memref_squeeze %dma_start3A_57 : memref<1x40x128xi32, #tpu.memory_space<hbm>> -> memref<40x128xi32, #tpu.memory_space<hbm>>
        tpu.enqueue_dma source(%dma_start3A_58 : memref<40x128xi32, #tpu.memory_space<hbm>>) target(%arg10 : memref<40x128xi32, #tpu.memory_space<vmem>>) target_semaphore(%run_scoped3A : memref<!tpu.dma_semaphore, #tpu.memory_space<semaphore_mem>>)
        %dma_wait3A_59 = arith.constant 0 : i32
        %dma_wait3A_60 = arith.constant 0 : i32
        %dma_wait3A_61 = tpu.memref_slice %arg3[%arg1, %dma_wait3A_59, %dma_wait3A_60] : memref<16x80x128xi32, #tpu.memory_space<hbm>> -> memref<1x40x128xi32, #tpu.memory_space<hbm>>
        %dma_wait3A_62 = tpu.memref_squeeze %dma_wait3A_61 : memref<1x40x128xi32, #tpu.memory_space<hbm>> -> memref<40x128xi32, #tpu.memory_space<hbm>>
        %dma_wait3A_63 = arith.constant 0 : i32
        %dma_wait3A_64 = arith.constant 0 : i32
        %dma_wait3A_65 = tpu.memref_slice %arg3[%arg1, %dma_wait3A_63, %dma_wait3A_64] : memref<16x80x128xi32, #tpu.memory_space<hbm>> -> memref<1x40x128xi32, #tpu.memory_space<hbm>>
        %dma_wait3A_66 = tpu.memref_squeeze %dma_wait3A_65 : memref<1x40x128xi32, #tpu.memory_space<hbm>> -> memref<40x128xi32, #tpu.memory_space<hbm>>
        tpu.wait_dma2 semaphore(%run_scoped3A : memref<!tpu.dma_semaphore, #tpu.memory_space<semaphore_mem>>) src(%dma_wait3A_66 : memref<40x128xi32, #tpu.memory_space<hbm>>) dst(%arg10 : memref<40x128xi32, #tpu.memory_space<vmem>>)
        tpu.yield
      }) : () -> ()
      %dma_start3A = arith.constant 0 : i32
      %dma_start3A_10 = arith.constant 0 : i32
      %dma_start3A_11 = tpu.memref_slice %arg9[%dma_start3A, %dma_start3A_10] : memref<40x128xi32, #tpu.memory_space<vmem>> -> memref<1x128xi32, #tpu.memory_space<vmem>>
      %dma_start3A_12 = tpu.memref_squeeze %dma_start3A_11 : memref<1x128xi32, #tpu.memory_space<vmem>> -> memref<128xi32, #tpu.memory_space<vmem>>
      %dma_start3A_13 = arith.constant 0 : i32
      %dma_start3A_14 = arith.constant 0 : i32
      %dma_start3A_15 = tpu.memref_slice %arg5[%dma_start3A_13, %dma_start3A_14] : memref<10496x128xf32, #tpu.memory_space<hbm>> -> memref<10496x128xf32, #tpu.memory_space<hbm>>
      tpu.enqueue_indirect_dma source(%dma_start3A_15 : memref<10496x128xf32, #tpu.memory_space<hbm>>) target(%arg11 : memref<128x128xf32, #tpu.memory_space<vmem>>) offsets(%dma_start3A_12 : memref<128xi32, #tpu.memory_space<vmem>>) semaphore(%arg14 : memref<!tpu.dma_semaphore, #tpu.memory_space<semaphore_mem>>)
      %scan3A = arith.constant 0 : i32
      %scan3A_16 = arith.constant 20 : i32
      %scan3A_17 = arith.addi %scan3A, %scan3A_16 : i32
      %scan3A_18 = arith.constant 1 : i32
      scf.for %scan3A_51 = %scan3A to %scan3A_17 step %scan3A_18  : i32 {
        %mul3A_52 = arith.constant 1 : i32
        %mul3A_53 = arith.muli %scan3A_51, %mul3A_52 : i32
        %add3A = arith.constant 0 : i32
        %add3A_54 = arith.addi %add3A, %mul3A_53 : i32
        %mul3A_55 = arith.constant 2 : i32
        %mul3A_56 = arith.muli %mul3A_55, %add3A_54 : i32
        %dma_wait3A_57 = arith.constant 0 : i32
        %dma_wait3A_58 = tpu.memref_slice %arg9[%mul3A_56, %dma_wait3A_57] : memref<40x128xi32, #tpu.memory_space<vmem>> -> memref<1x128xi32, #tpu.memory_space<vmem>>
        %dma_wait3A_59 = tpu.memref_squeeze %dma_wait3A_58 : memref<1x128xi32, #tpu.memory_space<vmem>> -> memref<128xi32, #tpu.memory_space<vmem>>
        %dma_wait3A_60 = arith.constant 0 : i32
        %dma_wait3A_61 = arith.constant 0 : i32
        %dma_wait3A_62 = tpu.memref_slice %arg5[%dma_wait3A_60, %dma_wait3A_61] : memref<10496x128xf32, #tpu.memory_space<hbm>> -> memref<10496x128xf32, #tpu.memory_space<hbm>>
        tpu.wait_indirect_dma semaphore(%arg14 : memref<!tpu.dma_semaphore, #tpu.memory_space<semaphore_mem>>) src(%dma_wait3A_62 : memref<10496x128xf32, #tpu.memory_space<hbm>>) dst(%arg11 : memref<128x128xf32, #tpu.memory_space<vmem>>)
        %dma_start3A_63 = arith.constant 0 : i32
        %dma_start3A_64 = tpu.memref_slice %arg10[%mul3A_56, %dma_start3A_63] : memref<40x128xi32, #tpu.memory_space<vmem>> -> memref<1x128xi32, #tpu.memory_space<vmem>>
        %dma_start3A_65 = tpu.memref_squeeze %dma_start3A_64 : memref<1x128xi32, #tpu.memory_space<vmem>> -> memref<128xi32, #tpu.memory_space<vmem>>
        %dma_start3A_66 = arith.constant 0 : i32
        %dma_start3A_67 = arith.constant 0 : i32
        %dma_start3A_68 = tpu.memref_slice %arg13[%dma_start3A_66, %dma_start3A_67] : memref<10496x128xf32, #tpu.memory_space<vmem_shared>> -> memref<10496x128xf32, #tpu.memory_space<vmem_shared>>
        tpu.enqueue_indirect_dma source(%arg11 : memref<128x128xf32, #tpu.memory_space<vmem>>) target(%dma_start3A_68 : memref<10496x128xf32, #tpu.memory_space<vmem_shared>>) offsets(%dma_start3A_65 : memref<128xi32, #tpu.memory_space<vmem>>) semaphore(%arg16 : memref<!tpu.dma_semaphore, #tpu.memory_space<semaphore_mem>>) {add = true}
        %gt3A = arith.constant 0 : i32
        %gt3A_69 = arith.cmpi sgt, %add3A_54, %gt3A : i32
        %convert_element_type3A_70 = arith.extui %gt3A_69 : i1 to i32
        %cond3A_71 = arith.constant 0 : i32
        %cond3A_72 = arith.cmpi ne, %convert_element_type3A_70, %cond3A_71 : i32
        scf.if %cond3A_72 {
          %sub3A = arith.constant 1 : i32
          %sub3A_109 = arith.subi %mul3A_56, %sub3A : i32
          %dma_wait3A_110 = arith.constant 0 : i32
          %dma_wait3A_111 = tpu.memref_slice %arg10[%sub3A_109, %dma_wait3A_110] : memref<40x128xi32, #tpu.memory_space<vmem>> -> memref<1x128xi32, #tpu.memory_space<vmem>>
          %dma_wait3A_112 = tpu.memref_squeeze %dma_wait3A_111 : memref<1x128xi32, #tpu.memory_space<vmem>> -> memref<128xi32, #tpu.memory_space<vmem>>
          %dma_wait3A_113 = arith.constant 0 : i32
          %dma_wait3A_114 = arith.constant 0 : i32
          %dma_wait3A_115 = tpu.memref_slice %arg13[%dma_wait3A_113, %dma_wait3A_114] : memref<10496x128xf32, #tpu.memory_space<vmem_shared>> -> memref<10496x128xf32, #tpu.memory_space<vmem_shared>>
          tpu.wait_indirect_dma semaphore(%arg17 : memref<!tpu.dma_semaphore, #tpu.memory_space<semaphore_mem>>) src(%arg12 : memref<128x128xf32, #tpu.memory_space<vmem>>) dst(%dma_wait3A_115 : memref<10496x128xf32, #tpu.memory_space<vmem_shared>>)
        } else {
        }
        %add3A_73 = arith.constant 1 : i32
        %add3A_74 = arith.addi %mul3A_56, %add3A_73 : i32
        %dma_start3A_75 = arith.constant 0 : i32
        %dma_start3A_76 = tpu.memref_slice %arg9[%add3A_74, %dma_start3A_75] : memref<40x128xi32, #tpu.memory_space<vmem>> -> memref<1x128xi32, #tpu.memory_space<vmem>>
        %dma_start3A_77 = tpu.memref_squeeze %dma_start3A_76 : memref<1x128xi32, #tpu.memory_space<vmem>> -> memref<128xi32, #tpu.memory_space<vmem>>
        %dma_start3A_78 = arith.constant 0 : i32
        %dma_start3A_79 = arith.constant 0 : i32
        %dma_start3A_80 = tpu.memref_slice %arg5[%dma_start3A_78, %dma_start3A_79] : memref<10496x128xf32, #tpu.memory_space<hbm>> -> memref<10496x128xf32, #tpu.memory_space<hbm>>
        tpu.enqueue_indirect_dma source(%dma_start3A_80 : memref<10496x128xf32, #tpu.memory_space<hbm>>) target(%arg12 : memref<128x128xf32, #tpu.memory_space<vmem>>) offsets(%dma_start3A_77 : memref<128xi32, #tpu.memory_space<vmem>>) semaphore(%arg15 : memref<!tpu.dma_semaphore, #tpu.memory_space<semaphore_mem>>)
        %add3A_81 = arith.constant 1 : i32
        %add3A_82 = arith.addi %mul3A_56, %add3A_81 : i32
        %dma_wait3A_83 = arith.constant 0 : i32
        %dma_wait3A_84 = tpu.memref_slice %arg9[%add3A_82, %dma_wait3A_83] : memref<40x128xi32, #tpu.memory_space<vmem>> -> memref<1x128xi32, #tpu.memory_space<vmem>>
        %dma_wait3A_85 = tpu.memref_squeeze %dma_wait3A_84 : memref<1x128xi32, #tpu.memory_space<vmem>> -> memref<128xi32, #tpu.memory_space<vmem>>
        %dma_wait3A_86 = arith.constant 0 : i32
        %dma_wait3A_87 = arith.constant 0 : i32
        %dma_wait3A_88 = tpu.memref_slice %arg5[%dma_wait3A_86, %dma_wait3A_87] : memref<10496x128xf32, #tpu.memory_space<hbm>> -> memref<10496x128xf32, #tpu.memory_space<hbm>>
        tpu.wait_indirect_dma semaphore(%arg15 : memref<!tpu.dma_semaphore, #tpu.memory_space<semaphore_mem>>) src(%dma_wait3A_88 : memref<10496x128xf32, #tpu.memory_space<hbm>>) dst(%arg12 : memref<128x128xf32, #tpu.memory_space<vmem>>)
        %add3A_89 = arith.constant 1 : i32
        %add3A_90 = arith.addi %mul3A_56, %add3A_89 : i32
        %dma_start3A_91 = arith.constant 0 : i32
        %dma_start3A_92 = tpu.memref_slice %arg10[%add3A_90, %dma_start3A_91] : memref<40x128xi32, #tpu.memory_space<vmem>> -> memref<1x128xi32, #tpu.memory_space<vmem>>
        %dma_start3A_93 = tpu.memref_squeeze %dma_start3A_92 : memref<1x128xi32, #tpu.memory_space<vmem>> -> memref<128xi32, #tpu.memory_space<vmem>>
        %dma_start3A_94 = arith.constant 0 : i32
        %dma_start3A_95 = arith.constant 0 : i32
        %dma_start3A_96 = tpu.memref_slice %arg13[%dma_start3A_94, %dma_start3A_95] : memref<10496x128xf32, #tpu.memory_space<vmem_shared>> -> memref<10496x128xf32, #tpu.memory_space<vmem_shared>>
        tpu.enqueue_indirect_dma source(%arg12 : memref<128x128xf32, #tpu.memory_space<vmem>>) target(%dma_start3A_96 : memref<10496x128xf32, #tpu.memory_space<vmem_shared>>) offsets(%dma_start3A_93 : memref<128xi32, #tpu.memory_space<vmem>>) semaphore(%arg17 : memref<!tpu.dma_semaphore, #tpu.memory_space<semaphore_mem>>) {add = true}
        %dma_wait3A_97 = arith.constant 0 : i32
        %dma_wait3A_98 = tpu.memref_slice %arg10[%mul3A_56, %dma_wait3A_97] : memref<40x128xi32, #tpu.memory_space<vmem>> -> memref<1x128xi32, #tpu.memory_space<vmem>>
        %dma_wait3A_99 = tpu.memref_squeeze %dma_wait3A_98 : memref<1x128xi32, #tpu.memory_space<vmem>> -> memref<128xi32, #tpu.memory_space<vmem>>
        %dma_wait3A_100 = arith.constant 0 : i32
        %dma_wait3A_101 = arith.constant 0 : i32
        %dma_wait3A_102 = tpu.memref_slice %arg13[%dma_wait3A_100, %dma_wait3A_101] : memref<10496x128xf32, #tpu.memory_space<vmem_shared>> -> memref<10496x128xf32, #tpu.memory_space<vmem_shared>>
        tpu.wait_indirect_dma semaphore(%arg16 : memref<!tpu.dma_semaphore, #tpu.memory_space<semaphore_mem>>) src(%arg11 : memref<128x128xf32, #tpu.memory_space<vmem>>) dst(%dma_wait3A_102 : memref<10496x128xf32, #tpu.memory_space<vmem_shared>>)
        %add3A_103 = arith.constant 2 : i32
        %add3A_104 = arith.addi %mul3A_56, %add3A_103 : i32
        %lt3A = arith.constant 40 : i32
        %lt3A_105 = arith.cmpi slt, %add3A_104, %lt3A : i32
        %convert_element_type3A_106 = arith.extui %lt3A_105 : i1 to i32
        %cond3A_107 = arith.constant 0 : i32
        %cond3A_108 = arith.cmpi ne, %convert_element_type3A_106, %cond3A_107 : i32
        scf.if %cond3A_108 {
          %add3A_109 = arith.constant 2 : i32
          %add3A_110 = arith.addi %mul3A_56, %add3A_109 : i32
          %dma_start3A_111 = arith.constant 0 : i32
          %dma_start3A_112 = tpu.memref_slice %arg9[%add3A_110, %dma_start3A_111] : memref<40x128xi32, #tpu.memory_space<vmem>> -> memref<1x128xi32, #tpu.memory_space<vmem>>
          %dma_start3A_113 = tpu.memref_squeeze %dma_start3A_112 : memref<1x128xi32, #tpu.memory_space<vmem>> -> memref<128xi32, #tpu.memory_space<vmem>>
          %dma_start3A_114 = arith.constant 0 : i32
          %dma_start3A_115 = arith.constant 0 : i32
          %dma_start3A_116 = tpu.memref_slice %arg5[%dma_start3A_114, %dma_start3A_115] : memref<10496x128xf32, #tpu.memory_space<hbm>> -> memref<10496x128xf32, #tpu.memory_space<hbm>>
          tpu.enqueue_indirect_dma source(%dma_start3A_116 : memref<10496x128xf32, #tpu.memory_space<hbm>>) target(%arg11 : memref<128x128xf32, #tpu.memory_space<vmem>>) offsets(%dma_start3A_113 : memref<128xi32, #tpu.memory_space<vmem>>) semaphore(%arg14 : memref<!tpu.dma_semaphore, #tpu.memory_space<semaphore_mem>>)
        } else {
        }
      }
      %scan3A_19 = arith.constant 20 : i32
      %dma_wait3A = arith.constant 39 : i32
      %dma_wait3A_20 = arith.constant 0 : i32
      %dma_wait3A_21 = tpu.memref_slice %arg10[%dma_wait3A, %dma_wait3A_20] : memref<40x128xi32, #tpu.memory_space<vmem>> -> memref<1x128xi32, #tpu.memory_space<vmem>>
      %dma_wait3A_22 = tpu.memref_squeeze %dma_wait3A_21 : memref<1x128xi32, #tpu.memory_space<vmem>> -> memref<128xi32, #tpu.memory_space<vmem>>
      %dma_wait3A_23 = arith.constant 0 : i32
      %dma_wait3A_24 = arith.constant 0 : i32
      %dma_wait3A_25 = tpu.memref_slice %arg13[%dma_wait3A_23, %dma_wait3A_24] : memref<10496x128xf32, #tpu.memory_space<vmem_shared>> -> memref<10496x128xf32, #tpu.memory_space<vmem_shared>>
      tpu.wait_indirect_dma semaphore(%arg17 : memref<!tpu.dma_semaphore, #tpu.memory_space<semaphore_mem>>) src(%arg12 : memref<128x128xf32, #tpu.memory_space<vmem>>) dst(%dma_wait3A_25 : memref<10496x128xf32, #tpu.memory_space<vmem_shared>>)
      "tpu.region"() ({
        %run_scoped3A = tpu.sem_alloc : memref<!tpu.dma_semaphore, #tpu.memory_space<semaphore_mem>>
        %dma_start3A_51 = arith.constant 40 : i32
        %dma_start3A_52 = arith.constant 0 : i32
        %dma_start3A_53 = tpu.memref_slice %arg2[%arg1, %dma_start3A_51, %dma_start3A_52] : memref<16x80x128xi32, #tpu.memory_space<hbm>> -> memref<1x40x128xi32, #tpu.memory_space<hbm>>
        %dma_start3A_54 = tpu.memref_squeeze %dma_start3A_53 : memref<1x40x128xi32, #tpu.memory_space<hbm>> -> memref<40x128xi32, #tpu.memory_space<hbm>>
        %dma_start3A_55 = arith.constant 40 : i32
        %dma_start3A_56 = arith.constant 0 : i32
        %dma_start3A_57 = tpu.memref_slice %arg2[%arg1, %dma_start3A_55, %dma_start3A_56] : memref<16x80x128xi32, #tpu.memory_space<hbm>> -> memref<1x40x128xi32, #tpu.memory_space<hbm>>
        %dma_start3A_58 = tpu.memref_squeeze %dma_start3A_57 : memref<1x40x128xi32, #tpu.memory_space<hbm>> -> memref<40x128xi32, #tpu.memory_space<hbm>>
        tpu.enqueue_dma source(%dma_start3A_58 : memref<40x128xi32, #tpu.memory_space<hbm>>) target(%arg9 : memref<40x128xi32, #tpu.memory_space<vmem>>) target_semaphore(%run_scoped3A : memref<!tpu.dma_semaphore, #tpu.memory_space<semaphore_mem>>)
        %dma_wait3A_59 = arith.constant 40 : i32
        %dma_wait3A_60 = arith.constant 0 : i32
        %dma_wait3A_61 = tpu.memref_slice %arg2[%arg1, %dma_wait3A_59, %dma_wait3A_60] : memref<16x80x128xi32, #tpu.memory_space<hbm>> -> memref<1x40x128xi32, #tpu.memory_space<hbm>>
        %dma_wait3A_62 = tpu.memref_squeeze %dma_wait3A_61 : memref<1x40x128xi32, #tpu.memory_space<hbm>> -> memref<40x128xi32, #tpu.memory_space<hbm>>
        %dma_wait3A_63 = arith.constant 40 : i32
        %dma_wait3A_64 = arith.constant 0 : i32
        %dma_wait3A_65 = tpu.memref_slice %arg2[%arg1, %dma_wait3A_63, %dma_wait3A_64] : memref<16x80x128xi32, #tpu.memory_space<hbm>> -> memref<1x40x128xi32, #tpu.memory_space<hbm>>
        %dma_wait3A_66 = tpu.memref_squeeze %dma_wait3A_65 : memref<1x40x128xi32, #tpu.memory_space<hbm>> -> memref<40x128xi32, #tpu.memory_space<hbm>>
        tpu.wait_dma2 semaphore(%run_scoped3A : memref<!tpu.dma_semaphore, #tpu.memory_space<semaphore_mem>>) src(%dma_wait3A_66 : memref<40x128xi32, #tpu.memory_space<hbm>>) dst(%arg9 : memref<40x128xi32, #tpu.memory_space<vmem>>)
        tpu.yield
      }) : () -> ()
      "tpu.region"() ({
        %run_scoped3A = tpu.sem_alloc : memref<!tpu.dma_semaphore, #tpu.memory_space<semaphore_mem>>
        %dma_start3A_51 = arith.constant 40 : i32
        %dma_start3A_52 = arith.constant 0 : i32
        %dma_start3A_53 = tpu.memref_slice %arg3[%arg1, %dma_start3A_51, %dma_start3A_52] : memref<16x80x128xi32, #tpu.memory_space<hbm>> -> memref<1x40x128xi32, #tpu.memory_space<hbm>>
        %dma_start3A_54 = tpu.memref_squeeze %dma_start3A_53 : memref<1x40x128xi32, #tpu.memory_space<hbm>> -> memref<40x128xi32, #tpu.memory_space<hbm>>
        %dma_start3A_55 = arith.constant 40 : i32
        %dma_start3A_56 = arith.constant 0 : i32
        %dma_start3A_57 = tpu.memref_slice %arg3[%arg1, %dma_start3A_55, %dma_start3A_56] : memref<16x80x128xi32, #tpu.memory_space<hbm>> -> memref<1x40x128xi32, #tpu.memory_space<hbm>>
        %dma_start3A_58 = tpu.memref_squeeze %dma_start3A_57 : memref<1x40x128xi32, #tpu.memory_space<hbm>> -> memref<40x128xi32, #tpu.memory_space<hbm>>
        tpu.enqueue_dma source(%dma_start3A_58 : memref<40x128xi32, #tpu.memory_space<hbm>>) target(%arg10 : memref<40x128xi32, #tpu.memory_space<vmem>>) target_semaphore(%run_scoped3A : memref<!tpu.dma_semaphore, #tpu.memory_space<semaphore_mem>>)
        %dma_wait3A_59 = arith.constant 40 : i32
        %dma_wait3A_60 = arith.constant 0 : i32
        %dma_wait3A_61 = tpu.memref_slice %arg3[%arg1, %dma_wait3A_59, %dma_wait3A_60] : memref<16x80x128xi32, #tpu.memory_space<hbm>> -> memref<1x40x128xi32, #tpu.memory_space<hbm>>
        %dma_wait3A_62 = tpu.memref_squeeze %dma_wait3A_61 : memref<1x40x128xi32, #tpu.memory_space<hbm>> -> memref<40x128xi32, #tpu.memory_space<hbm>>
        %dma_wait3A_63 = arith.constant 40 : i32
        %dma_wait3A_64 = arith.constant 0 : i32
        %dma_wait3A_65 = tpu.memref_slice %arg3[%arg1, %dma_wait3A_63, %dma_wait3A_64] : memref<16x80x128xi32, #tpu.memory_space<hbm>> -> memref<1x40x128xi32, #tpu.memory_space<hbm>>
        %dma_wait3A_66 = tpu.memref_squeeze %dma_wait3A_65 : memref<1x40x128xi32, #tpu.memory_space<hbm>> -> memref<40x128xi32, #tpu.memory_space<hbm>>
        tpu.wait_dma2 semaphore(%run_scoped3A : memref<!tpu.dma_semaphore, #tpu.memory_space<semaphore_mem>>) src(%dma_wait3A_66 : memref<40x128xi32, #tpu.memory_space<hbm>>) dst(%arg10 : memref<40x128xi32, #tpu.memory_space<vmem>>)
        tpu.yield
      }) : () -> ()
      %dma_start3A_26 = arith.constant 0 : i32
      %dma_start3A_27 = arith.constant 0 : i32
      %dma_start3A_28 = tpu.memref_slice %arg9[%dma_start3A_26, %dma_start3A_27] : memref<40x128xi32, #tpu.memory_space<vmem>> -> memref<1x128xi32, #tpu.memory_space<vmem>>
      %dma_start3A_29 = tpu.memref_squeeze %dma_start3A_28 : memref<1x128xi32, #tpu.memory_space<vmem>> -> memref<128xi32, #tpu.memory_space<vmem>>
      %dma_start3A_30 = arith.constant 0 : i32
      %dma_start3A_31 = arith.constant 0 : i32
      %dma_start3A_32 = tpu.memref_slice %arg5[%dma_start3A_30, %dma_start3A_31] : memref<10496x128xf32, #tpu.memory_space<hbm>> -> memref<10496x128xf32, #tpu.memory_space<hbm>>
      tpu.enqueue_indirect_dma source(%dma_start3A_32 : memref<10496x128xf32, #tpu.memory_space<hbm>>) target(%arg11 : memref<128x128xf32, #tpu.memory_space<vmem>>) offsets(%dma_start3A_29 : memref<128xi32, #tpu.memory_space<vmem>>) semaphore(%arg14 : memref<!tpu.dma_semaphore, #tpu.memory_space<semaphore_mem>>)
      %scan3A_33 = arith.constant 0 : i32
      %scan3A_34 = arith.constant 20 : i32
      %scan3A_35 = arith.addi %scan3A_33, %scan3A_34 : i32
      %scan3A_36 = arith.constant 1 : i32
      scf.for %scan3A_51 = %scan3A_33 to %scan3A_35 step %scan3A_36  : i32 {
        %mul3A_52 = arith.constant 1 : i32
        %mul3A_53 = arith.muli %scan3A_51, %mul3A_52 : i32
        %add3A = arith.constant 0 : i32
        %add3A_54 = arith.addi %add3A, %mul3A_53 : i32
        %mul3A_55 = arith.constant 2 : i32
        %mul3A_56 = arith.muli %mul3A_55, %add3A_54 : i32
        %dma_wait3A_57 = arith.constant 0 : i32
        %dma_wait3A_58 = tpu.memref_slice %arg9[%mul3A_56, %dma_wait3A_57] : memref<40x128xi32, #tpu.memory_space<vmem>> -> memref<1x128xi32, #tpu.memory_space<vmem>>
        %dma_wait3A_59 = tpu.memref_squeeze %dma_wait3A_58 : memref<1x128xi32, #tpu.memory_space<vmem>> -> memref<128xi32, #tpu.memory_space<vmem>>
        %dma_wait3A_60 = arith.constant 0 : i32
        %dma_wait3A_61 = arith.constant 0 : i32
        %dma_wait3A_62 = tpu.memref_slice %arg5[%dma_wait3A_60, %dma_wait3A_61] : memref<10496x128xf32, #tpu.memory_space<hbm>> -> memref<10496x128xf32, #tpu.memory_space<hbm>>
        tpu.wait_indirect_dma semaphore(%arg14 : memref<!tpu.dma_semaphore, #tpu.memory_space<semaphore_mem>>) src(%dma_wait3A_62 : memref<10496x128xf32, #tpu.memory_space<hbm>>) dst(%arg11 : memref<128x128xf32, #tpu.memory_space<vmem>>)
        %dma_start3A_63 = arith.constant 0 : i32
        %dma_start3A_64 = tpu.memref_slice %arg10[%mul3A_56, %dma_start3A_63] : memref<40x128xi32, #tpu.memory_space<vmem>> -> memref<1x128xi32, #tpu.memory_space<vmem>>
        %dma_start3A_65 = tpu.memref_squeeze %dma_start3A_64 : memref<1x128xi32, #tpu.memory_space<vmem>> -> memref<128xi32, #tpu.memory_space<vmem>>
        %dma_start3A_66 = arith.constant 0 : i32
        %dma_start3A_67 = arith.constant 0 : i32
        %dma_start3A_68 = tpu.memref_slice %arg13[%dma_start3A_66, %dma_start3A_67] : memref<10496x128xf32, #tpu.memory_space<vmem_shared>> -> memref<10496x128xf32, #tpu.memory_space<vmem_shared>>
        tpu.enqueue_indirect_dma source(%arg11 : memref<128x128xf32, #tpu.memory_space<vmem>>) target(%dma_start3A_68 : memref<10496x128xf32, #tpu.memory_space<vmem_shared>>) offsets(%dma_start3A_65 : memref<128xi32, #tpu.memory_space<vmem>>) semaphore(%arg16 : memref<!tpu.dma_semaphore, #tpu.memory_space<semaphore_mem>>) {add = true}
        %gt3A = arith.constant 0 : i32
        %gt3A_69 = arith.cmpi sgt, %add3A_54, %gt3A : i32
        %convert_element_type3A_70 = arith.extui %gt3A_69 : i1 to i32
        %cond3A_71 = arith.constant 0 : i32
        %cond3A_72 = arith.cmpi ne, %convert_element_type3A_70, %cond3A_71 : i32
        scf.if %cond3A_72 {
          %sub3A = arith.constant 1 : i32
          %sub3A_109 = arith.subi %mul3A_56, %sub3A : i32
          %dma_wait3A_110 = arith.constant 0 : i32
          %dma_wait3A_111 = tpu.memref_slice %arg10[%sub3A_109, %dma_wait3A_110] : memref<40x128xi32, #tpu.memory_space<vmem>> -> memref<1x128xi32, #tpu.memory_space<vmem>>
          %dma_wait3A_112 = tpu.memref_squeeze %dma_wait3A_111 : memref<1x128xi32, #tpu.memory_space<vmem>> -> memref<128xi32, #tpu.memory_space<vmem>>
          %dma_wait3A_113 = arith.constant 0 : i32
          %dma_wait3A_114 = arith.constant 0 : i32
          %dma_wait3A_115 = tpu.memref_slice %arg13[%dma_wait3A_113, %dma_wait3A_114] : memref<10496x128xf32, #tpu.memory_space<vmem_shared>> -> memref<10496x128xf32, #tpu.memory_space<vmem_shared>>
          tpu.wait_indirect_dma semaphore(%arg17 : memref<!tpu.dma_semaphore, #tpu.memory_space<semaphore_mem>>) src(%arg12 : memref<128x128xf32, #tpu.memory_space<vmem>>) dst(%dma_wait3A_115 : memref<10496x128xf32, #tpu.memory_space<vmem_shared>>)
        } else {
        }
        %add3A_73 = arith.constant 1 : i32
        %add3A_74 = arith.addi %mul3A_56, %add3A_73 : i32
        %dma_start3A_75 = arith.constant 0 : i32
        %dma_start3A_76 = tpu.memref_slice %arg9[%add3A_74, %dma_start3A_75] : memref<40x128xi32, #tpu.memory_space<vmem>> -> memref<1x128xi32, #tpu.memory_space<vmem>>
        %dma_start3A_77 = tpu.memref_squeeze %dma_start3A_76 : memref<1x128xi32, #tpu.memory_space<vmem>> -> memref<128xi32, #tpu.memory_space<vmem>>
        %dma_start3A_78 = arith.constant 0 : i32
        %dma_start3A_79 = arith.constant 0 : i32
        %dma_start3A_80 = tpu.memref_slice %arg5[%dma_start3A_78, %dma_start3A_79] : memref<10496x128xf32, #tpu.memory_space<hbm>> -> memref<10496x128xf32, #tpu.memory_space<hbm>>
        tpu.enqueue_indirect_dma source(%dma_start3A_80 : memref<10496x128xf32, #tpu.memory_space<hbm>>) target(%arg12 : memref<128x128xf32, #tpu.memory_space<vmem>>) offsets(%dma_start3A_77 : memref<128xi32, #tpu.memory_space<vmem>>) semaphore(%arg15 : memref<!tpu.dma_semaphore, #tpu.memory_space<semaphore_mem>>)
        %add3A_81 = arith.constant 1 : i32
        %add3A_82 = arith.addi %mul3A_56, %add3A_81 : i32
        %dma_wait3A_83 = arith.constant 0 : i32
        %dma_wait3A_84 = tpu.memref_slice %arg9[%add3A_82, %dma_wait3A_83] : memref<40x128xi32, #tpu.memory_space<vmem>> -> memref<1x128xi32, #tpu.memory_space<vmem>>
        %dma_wait3A_85 = tpu.memref_squeeze %dma_wait3A_84 : memref<1x128xi32, #tpu.memory_space<vmem>> -> memref<128xi32, #tpu.memory_space<vmem>>
        %dma_wait3A_86 = arith.constant 0 : i32
        %dma_wait3A_87 = arith.constant 0 : i32
        %dma_wait3A_88 = tpu.memref_slice %arg5[%dma_wait3A_86, %dma_wait3A_87] : memref<10496x128xf32, #tpu.memory_space<hbm>> -> memref<10496x128xf32, #tpu.memory_space<hbm>>
        tpu.wait_indirect_dma semaphore(%arg15 : memref<!tpu.dma_semaphore, #tpu.memory_space<semaphore_mem>>) src(%dma_wait3A_88 : memref<10496x128xf32, #tpu.memory_space<hbm>>) dst(%arg12 : memref<128x128xf32, #tpu.memory_space<vmem>>)
        %add3A_89 = arith.constant 1 : i32
        %add3A_90 = arith.addi %mul3A_56, %add3A_89 : i32
        %dma_start3A_91 = arith.constant 0 : i32
        %dma_start3A_92 = tpu.memref_slice %arg10[%add3A_90, %dma_start3A_91] : memref<40x128xi32, #tpu.memory_space<vmem>> -> memref<1x128xi32, #tpu.memory_space<vmem>>
        %dma_start3A_93 = tpu.memref_squeeze %dma_start3A_92 : memref<1x128xi32, #tpu.memory_space<vmem>> -> memref<128xi32, #tpu.memory_space<vmem>>
        %dma_start3A_94 = arith.constant 0 : i32
        %dma_start3A_95 = arith.constant 0 : i32
        %dma_start3A_96 = tpu.memref_slice %arg13[%dma_start3A_94, %dma_start3A_95] : memref<10496x128xf32, #tpu.memory_space<vmem_shared>> -> memref<10496x128xf32, #tpu.memory_space<vmem_shared>>
        tpu.enqueue_indirect_dma source(%arg12 : memref<128x128xf32, #tpu.memory_space<vmem>>) target(%dma_start3A_96 : memref<10496x128xf32, #tpu.memory_space<vmem_shared>>) offsets(%dma_start3A_93 : memref<128xi32, #tpu.memory_space<vmem>>) semaphore(%arg17 : memref<!tpu.dma_semaphore, #tpu.memory_space<semaphore_mem>>) {add = true}
        %dma_wait3A_97 = arith.constant 0 : i32
        %dma_wait3A_98 = tpu.memref_slice %arg10[%mul3A_56, %dma_wait3A_97] : memref<40x128xi32, #tpu.memory_space<vmem>> -> memref<1x128xi32, #tpu.memory_space<vmem>>
        %dma_wait3A_99 = tpu.memref_squeeze %dma_wait3A_98 : memref<1x128xi32, #tpu.memory_space<vmem>> -> memref<128xi32, #tpu.memory_space<vmem>>
        %dma_wait3A_100 = arith.constant 0 : i32
        %dma_wait3A_101 = arith.constant 0 : i32
        %dma_wait3A_102 = tpu.memref_slice %arg13[%dma_wait3A_100, %dma_wait3A_101] : memref<10496x128xf32, #tpu.memory_space<vmem_shared>> -> memref<10496x128xf32, #tpu.memory_space<vmem_shared>>
        tpu.wait_indirect_dma semaphore(%arg16 : memref<!tpu.dma_semaphore, #tpu.memory_space<semaphore_mem>>) src(%arg11 : memref<128x128xf32, #tpu.memory_space<vmem>>) dst(%dma_wait3A_102 : memref<10496x128xf32, #tpu.memory_space<vmem_shared>>)
        %add3A_103 = arith.constant 2 : i32
        %add3A_104 = arith.addi %mul3A_56, %add3A_103 : i32
        %lt3A = arith.constant 40 : i32
        %lt3A_105 = arith.cmpi slt, %add3A_104, %lt3A : i32
        %convert_element_type3A_106 = arith.extui %lt3A_105 : i1 to i32
        %cond3A_107 = arith.constant 0 : i32
        %cond3A_108 = arith.cmpi ne, %convert_element_type3A_106, %cond3A_107 : i32
        scf.if %cond3A_108 {
          %add3A_109 = arith.constant 2 : i32
          %add3A_110 = arith.addi %mul3A_56, %add3A_109 : i32
          %dma_start3A_111 = arith.constant 0 : i32
          %dma_start3A_112 = tpu.memref_slice %arg9[%add3A_110, %dma_start3A_111] : memref<40x128xi32, #tpu.memory_space<vmem>> -> memref<1x128xi32, #tpu.memory_space<vmem>>
          %dma_start3A_113 = tpu.memref_squeeze %dma_start3A_112 : memref<1x128xi32, #tpu.memory_space<vmem>> -> memref<128xi32, #tpu.memory_space<vmem>>
          %dma_start3A_114 = arith.constant 0 : i32
          %dma_start3A_115 = arith.constant 0 : i32
          %dma_start3A_116 = tpu.memref_slice %arg5[%dma_start3A_114, %dma_start3A_115] : memref<10496x128xf32, #tpu.memory_space<hbm>> -> memref<10496x128xf32, #tpu.memory_space<hbm>>
          tpu.enqueue_indirect_dma source(%dma_start3A_116 : memref<10496x128xf32, #tpu.memory_space<hbm>>) target(%arg11 : memref<128x128xf32, #tpu.memory_space<vmem>>) offsets(%dma_start3A_113 : memref<128xi32, #tpu.memory_space<vmem>>) semaphore(%arg14 : memref<!tpu.dma_semaphore, #tpu.memory_space<semaphore_mem>>)
        } else {
        }
      }
      %scan3A_37 = arith.constant 20 : i32
      %dma_wait3A_38 = arith.constant 39 : i32
      %dma_wait3A_39 = arith.constant 0 : i32
      %dma_wait3A_40 = tpu.memref_slice %arg10[%dma_wait3A_38, %dma_wait3A_39] : memref<40x128xi32, #tpu.memory_space<vmem>> -> memref<1x128xi32, #tpu.memory_space<vmem>>
      %dma_wait3A_41 = tpu.memref_squeeze %dma_wait3A_40 : memref<1x128xi32, #tpu.memory_space<vmem>> -> memref<128xi32, #tpu.memory_space<vmem>>
      %dma_wait3A_42 = arith.constant 0 : i32
      %dma_wait3A_43 = arith.constant 0 : i32
      %dma_wait3A_44 = tpu.memref_slice %arg13[%dma_wait3A_42, %dma_wait3A_43] : memref<10496x128xf32, #tpu.memory_space<vmem_shared>> -> memref<10496x128xf32, #tpu.memory_space<vmem_shared>>
      tpu.wait_indirect_dma semaphore(%arg17 : memref<!tpu.dma_semaphore, #tpu.memory_space<semaphore_mem>>) src(%arg12 : memref<128x128xf32, #tpu.memory_space<vmem>>) dst(%dma_wait3A_44 : memref<10496x128xf32, #tpu.memory_space<vmem_shared>>)
      %barrier3A_45 = arith.constant 0 : index
      tpu.barrier barrier_id(%barrier3A_45)
      %mul3A_46 = arith.constant 656 : i32
      %mul3A_47 = arith.muli %arg1, %mul3A_46 : i32
      %mul3A_48 = arith.constant 656 : i32
      %mul3A_49 = arith.muli %arg1, %mul3A_48 : i32
      "tpu.region"() ({
        %run_scoped3A = tpu.sem_alloc : memref<!tpu.dma_semaphore, #tpu.memory_space<semaphore_mem>>
        %dma_start3A_51 = arith.constant 0 : i32
        %dma_start3A_52 = tpu.memref_slice %arg8[%mul3A_49, %dma_start3A_51] : memref<10496x128xf32, #tpu.memory_space<hbm>> -> memref<656x128xf32, #tpu.memory_space<hbm>>
        %dma_start3A_53 = arith.constant 0 : i32
        %dma_start3A_54 = tpu.memref_slice %arg13[%mul3A_47, %dma_start3A_53] : memref<10496x128xf32, #tpu.memory_space<vmem_shared>> -> memref<656x128xf32, #tpu.memory_space<vmem_shared>>
        tpu.enqueue_dma source(%dma_start3A_54 : memref<656x128xf32, #tpu.memory_space<vmem_shared>>) target(%dma_start3A_52 : memref<656x128xf32, #tpu.memory_space<hbm>>) target_semaphore(%run_scoped3A : memref<!tpu.dma_semaphore, #tpu.memory_space<semaphore_mem>>)
        %dma_wait3A_55 = arith.constant 0 : i32
        %dma_wait3A_56 = tpu.memref_slice %arg8[%mul3A_49, %dma_wait3A_55] : memref<10496x128xf32, #tpu.memory_space<hbm>> -> memref<656x128xf32, #tpu.memory_space<hbm>>
        %dma_wait3A_57 = arith.constant 0 : i32
        %dma_wait3A_58 = tpu.memref_slice %arg13[%mul3A_47, %dma_wait3A_57] : memref<10496x128xf32, #tpu.memory_space<vmem_shared>> -> memref<656x128xf32, #tpu.memory_space<vmem_shared>>
        tpu.wait_dma2 semaphore(%run_scoped3A : memref<!tpu.dma_semaphore, #tpu.memory_space<semaphore_mem>>) src(%dma_wait3A_58 : memref<656x128xf32, #tpu.memory_space<vmem_shared>>) dst(%dma_wait3A_56 : memref<656x128xf32, #tpu.memory_space<hbm>>)
        tpu.yield
      }) : () -> ()
      %barrier3A_50 = arith.constant 0 : index
      tpu.barrier barrier_id(%barrier3A_50)
    } else {
    }
    return
  }
}

#map = affine_map<(d0, d1) -> (0)>
module attributes {stable_mosaic.version = 14 : i64} {
  func.func @_sc_deg2(%arg0: i32, %arg1: i32, %arg2: memref<163840xi32, #tpu.memory_space<hbm>>, %arg3: memref<10496xf32, #tpu.memory_space<hbm>>, %arg4: memref<335872xf32, #tpu.memory_space<hbm>>, %arg5: memref<5120xi32, #tpu.memory_space<vmem>>, %arg6: memref<10496xf32, #tpu.memory_space<vmem>>) attributes {dimension_semantics = [#tpu.dimension_semantics<core_parallel>, #tpu.dimension_semantics<subcore_parallel>], iteration_bounds = array<i64: 2, 16>, scalar_prefetch = 0 : i64, scratch_operands = 2 : i64, tpu.core_type = #tpu.core_type<sc_vector_subcore>, window_params = [{transform_indices = #map}, {transform_indices = #map}, {transform_indices = #map}]} {
    %mul3A = arith.constant 16 : i32
    %mul3A_0 = arith.muli %arg0, %mul3A : i32
    %add3A = arith.addi %mul3A_0, %arg1 : i32
    %mul3A_1 = arith.constant 5120 : i32
    %mul3A_2 = arith.muli %add3A, %mul3A_1 : i32
    "tpu.region"() ({
      %run_scoped3A = tpu.sem_alloc : memref<!tpu.dma_semaphore, #tpu.memory_space<semaphore_mem>>
      %dma_start3A = tpu.memref_slice %arg2[%mul3A_2] : memref<163840xi32, #tpu.memory_space<hbm>> -> memref<5120xi32, #tpu.memory_space<hbm>>
      %dma_start3A_10 = tpu.memref_slice %arg2[%mul3A_2] : memref<163840xi32, #tpu.memory_space<hbm>> -> memref<5120xi32, #tpu.memory_space<hbm>>
      tpu.enqueue_dma source(%dma_start3A_10 : memref<5120xi32, #tpu.memory_space<hbm>>) target(%arg5 : memref<5120xi32, #tpu.memory_space<vmem>>) target_semaphore(%run_scoped3A : memref<!tpu.dma_semaphore, #tpu.memory_space<semaphore_mem>>)
      %dma_wait3A = tpu.memref_slice %arg2[%mul3A_2] : memref<163840xi32, #tpu.memory_space<hbm>> -> memref<5120xi32, #tpu.memory_space<hbm>>
      %dma_wait3A_11 = tpu.memref_slice %arg2[%mul3A_2] : memref<163840xi32, #tpu.memory_space<hbm>> -> memref<5120xi32, #tpu.memory_space<hbm>>
      tpu.wait_dma2 semaphore(%run_scoped3A : memref<!tpu.dma_semaphore, #tpu.memory_space<semaphore_mem>>) src(%dma_wait3A_11 : memref<5120xi32, #tpu.memory_space<hbm>>) dst(%arg5 : memref<5120xi32, #tpu.memory_space<vmem>>)
      tpu.yield
    }) : () -> ()
    "tpu.region"() ({
      %run_scoped3A = tpu.sem_alloc : memref<!tpu.dma_semaphore, #tpu.memory_space<semaphore_mem>>
      tpu.enqueue_dma source(%arg3 : memref<10496xf32, #tpu.memory_space<hbm>>) target(%arg6 : memref<10496xf32, #tpu.memory_space<vmem>>) target_semaphore(%run_scoped3A : memref<!tpu.dma_semaphore, #tpu.memory_space<semaphore_mem>>)
      tpu.wait_dma2 semaphore(%run_scoped3A : memref<!tpu.dma_semaphore, #tpu.memory_space<semaphore_mem>>) src(%arg3 : memref<10496xf32, #tpu.memory_space<hbm>>) dst(%arg6 : memref<10496xf32, #tpu.memory_space<vmem>>)
      tpu.yield
    }) : () -> ()
    %broadcast_in_dim3A = arith.constant 1.000000e+00 : f32
    %broadcast_in_dim3A_3 = vector.broadcast %broadcast_in_dim3A : f32 to vector<16xf32>
    %scan3A = arith.constant 0 : i32
    %scan3A_4 = arith.constant 320 : i32
    %scan3A_5 = arith.addi %scan3A, %scan3A_4 : i32
    %scan3A_6 = arith.constant 1 : i32
    scf.for %scan3A_10 = %scan3A to %scan3A_5 step %scan3A_6  : i32 {
      %mul3A_11 = arith.constant 1 : i32
      %mul3A_12 = arith.muli %scan3A_10, %mul3A_11 : i32
      %add3A_13 = arith.constant 0 : i32
      %add3A_14 = arith.addi %add3A_13, %mul3A_12 : i32
      %mul3A_15 = arith.constant 16 : i32
      %mul3A_16 = arith.muli %add3A_14, %mul3A_15 : i32
      %get3A = arith.index_cast %mul3A_16 : i32 to index
      %get3A_17 = tpu.vector_load %arg5[%get3A] {strides = array<i32>} : memref<5120xi32, #tpu.memory_space<vmem>>, vector<16xi32>,
      tpu.vector_store_idx %arg6[%get3A_17], %broadcast_in_dim3A_3 {add = true} : memref<10496xf32, #tpu.memory_space<vmem>>[vector<16xi32>], vector<16xf32>,
    }
    %scan3A_7 = arith.constant 320 : i32
    %mul3A_8 = arith.constant 10496 : i32
    %mul3A_9 = arith.muli %add3A, %mul3A_8 : i32
    "tpu.region"() ({
      %run_scoped3A = tpu.sem_alloc : memref<!tpu.dma_semaphore, #tpu.memory_space<semaphore_mem>>
      %dma_start3A = tpu.memref_slice %arg4[%mul3A_9] : memref<335872xf32, #tpu.memory_space<hbm>> -> memref<10496xf32, #tpu.memory_space<hbm>>
      %dma_start3A_10 = tpu.memref_slice %arg4[%mul3A_9] : memref<335872xf32, #tpu.memory_space<hbm>> -> memref<10496xf32, #tpu.memory_space<hbm>>
      tpu.enqueue_dma source(%arg6 : memref<10496xf32, #tpu.memory_space<vmem>>) target(%dma_start3A_10 : memref<10496xf32, #tpu.memory_space<hbm>>) target_semaphore(%run_scoped3A : memref<!tpu.dma_semaphore, #tpu.memory_space<semaphore_mem>>)
      %dma_wait3A = tpu.memref_slice %arg4[%mul3A_9] : memref<335872xf32, #tpu.memory_space<hbm>> -> memref<10496xf32, #tpu.memory_space<hbm>>
      %dma_wait3A_11 = tpu.memref_slice %arg4[%mul3A_9] : memref<335872xf32, #tpu.memory_space<hbm>> -> memref<10496xf32, #tpu.memory_space<hbm>>
      tpu.wait_dma2 semaphore(%run_scoped3A : memref<!tpu.dma_semaphore, #tpu.memory_space<semaphore_mem>>) src(%arg6 : memref<10496xf32, #tpu.memory_space<vmem>>) dst(%dma_wait3A_11 : memref<10496xf32, #tpu.memory_space<hbm>>)
      tpu.yield
    }) : () -> ()
    return
  }
}

module attributes {stable_mosaic.version = 14 : i64} {
  func.func @_tc_mats_body(%arg0: i32, %arg1: memref<400x256xf32, #tpu.memory_space<vmem>>, %arg2: memref<256x256xf32, #tpu.memory_space<vmem>>, %arg3: memref<1x256xf32, #tpu.memory_space<vmem>>, %arg4: memref<256x256xf32, #tpu.memory_space<vmem>>, %arg5: memref<1x256xf32, #tpu.memory_space<vmem>>, %arg6: memref<400x32xf32, #tpu.memory_space<vmem>>, %arg7: memref<400x128xf32, #tpu.memory_space<vmem>>, %arg8: memref<400x128xf32, #tpu.memory_space<vmem>>, %arg9: memref<400x128xf32, #tpu.memory_space<vmem>>, %arg10: memref<400x128xf32, #tpu.memory_space<vmem>>) attributes {dimension_semantics = [#tpu.dimension_semantics<arbitrary>], iteration_bounds = array<i64: 25>, scalar_prefetch = 0 : i64, scratch_operands = 0 : i64, tpu.core_type = #tpu.core_type<tc>, window_params = [{transform_indices = @transform_0, window_bounds = array<i64: 400, 256>}, {pipeline_mode = #tpu.pipeline_mode<synchronous>, transform_indices = @transform_1, window_bounds = array<i64: 256, 256>}, {pipeline_mode = #tpu.pipeline_mode<synchronous>, transform_indices = @transform_2, window_bounds = array<i64: 1, 256>}, {pipeline_mode = #tpu.pipeline_mode<synchronous>, transform_indices = @transform_3, window_bounds = array<i64: 256, 256>}, {pipeline_mode = #tpu.pipeline_mode<synchronous>, transform_indices = @transform_4, window_bounds = array<i64: 1, 256>}, {transform_indices = @transform_5, window_bounds = array<i64: 400, 32>}, {transform_indices = @transform_6, window_bounds = array<i64: 400, 128>}, {transform_indices = @transform_7, window_bounds = array<i64: 400, 128>}, {transform_indices = @transform_8, window_bounds = array<i64: 400, 128>}, {transform_indices = @transform_9, window_bounds = array<i64: 400, 128>}]} {
    %get3A = arith.constant 0 : index
    %get3A_0 = arith.constant 0 : index
    %get3A_1 = vector.load %arg6[%get3A, %get3A_0] : memref<400x32xf32, #tpu.memory_space<vmem>>, vector<400x32xf32>
    %reduce_sum3A = arith.constant dense<0.000000e+00> : vector<400xf32>
    %reduce_sum3A_2 = vector.multi_reduction <add>, %get3A_1, %reduce_sum3A [1] : vector<400x32xf32> to vector<400xf32>
    %broadcast_in_dim3A = vector.shape_cast %reduce_sum3A_2 : vector<400xf32> to vector<400x1xf32>
    %add3A = arith.constant 1.000000e+00 : f32
    %add3A_3 = vector.broadcast %add3A : f32 to vector<400x1xf32>
    %add3A_4 = arith.addf %add3A_3, %broadcast_in_dim3A : vector<400x1xf32>
    %rsqrt3A = math.rsqrt %add3A_4 : vector<400x1xf32>
    %get3A_5 = arith.constant 0 : index
    %get3A_6 = arith.constant 0 : index
    %get3A_7 = vector.load %arg1[%get3A_5, %get3A_6] : memref<400x256xf32, #tpu.memory_space<vmem>>, vector<400x256xf32>
    %get3A_8 = arith.constant 0 : index
    %get3A_9 = arith.constant 0 : index
    %get3A_10 = vector.load %arg2[%get3A_8, %get3A_9] : memref<256x256xf32, #tpu.memory_space<vmem>>, vector<256x256xf32>
    %dot_general3A = arith.constant dense<0.000000e+00> : vector<400x256xf32>
    %dot_general3A_11 = tpu.matmul %get3A_7, %get3A_10, %dot_general3A {dimension_numbers = #tpu.dot_dimension_numbers<[1], [1], [0], [0], [0, 0, 1, 0], [], []>, transpose_lhs_hint = false} : vector<400x256xf32>, vector<256x256xf32>, vector<400x256xf32> -> vector<400x256xf32>
    %get3A_12 = arith.constant 0 : index
    %get3A_13 = arith.constant 0 : index
    %get3A_14 = vector.load %arg3[%get3A_12, %get3A_13] : memref<1x256xf32, #tpu.memory_space<vmem>>, vector<1x256xf32>
    %add3A_15 = vector.broadcast %get3A_14 : vector<1x256xf32> to vector<400x256xf32>
    %add3A_16 = arith.addf %dot_general3A_11, %add3A_15 : vector<400x256xf32>
    %mul3A = vector.broadcast %rsqrt3A : vector<400x1xf32> to vector<400x256xf32>
    %mul3A_17 = arith.mulf %mul3A, %add3A_16 : vector<400x256xf32>
    %get3A_18 = arith.constant 0 : index
    %get3A_19 = arith.constant 0 : index
    %get3A_20 = vector.load %arg1[%get3A_18, %get3A_19] : memref<400x256xf32, #tpu.memory_space<vmem>>, vector<400x256xf32>
    %get3A_21 = arith.constant 0 : index
    %get3A_22 = arith.constant 0 : index
    %get3A_23 = vector.load %arg4[%get3A_21, %get3A_22] : memref<256x256xf32, #tpu.memory_space<vmem>>, vector<256x256xf32>
    %dot_general3A_24 = arith.constant dense<0.000000e+00> : vector<400x256xf32>
    %dot_general3A_25 = tpu.matmul %get3A_20, %get3A_23, %dot_general3A_24 {dimension_numbers = #tpu.dot_dimension_numbers<[1], [1], [0], [0], [0, 0, 1, 0], [], []>, transpose_lhs_hint = false} : vector<400x256xf32>, vector<256x256xf32>, vector<400x256xf32> -> vector<400x256xf32>
    %get3A_26 = arith.constant 0 : index
    %get3A_27 = arith.constant 0 : index
    %get3A_28 = vector.load %arg5[%get3A_26, %get3A_27] : memref<1x256xf32, #tpu.memory_space<vmem>>, vector<1x256xf32>
    %add3A_29 = vector.broadcast %get3A_28 : vector<1x256xf32> to vector<400x256xf32>
    %add3A_30 = arith.addf %dot_general3A_25, %add3A_29 : vector<400x256xf32>
    %mul3A_31 = arith.mulf %add3A_30, %add3A_30 : vector<400x256xf32>
    %reduce_sum3A_32 = arith.constant dense<0.000000e+00> : vector<400xf32>
    %reduce_sum3A_33 = vector.multi_reduction <add>, %mul3A_31, %reduce_sum3A_32 [1] : vector<400x256xf32> to vector<400xf32>
    %broadcast_in_dim3A_34 = vector.shape_cast %reduce_sum3A_33 : vector<400xf32> to vector<400x1xf32>
    %sqrt3A = math.sqrt %broadcast_in_dim3A_34 : vector<400x1xf32>
    %max3A = arith.constant 9.99999996E-13 : f32
    %max3A_35 = vector.broadcast %max3A : f32 to vector<400x1xf32>
    %max3A_36 = arith.maximumf %sqrt3A, %max3A_35 : vector<400x1xf32>
    %div3A = arith.constant 1.800000e+00 : f32
    %div3A_37 = vector.broadcast %div3A : f32 to vector<400x1xf32>
    %div3A_38 = arith.divf %div3A_37, %max3A_36 : vector<400x1xf32>
    %mul3A_39 = arith.mulf %rsqrt3A, %div3A_38 : vector<400x1xf32>
    %mul3A_40 = vector.broadcast %mul3A_39 : vector<400x1xf32> to vector<400x256xf32>
    %mul3A_41 = arith.mulf %mul3A_40, %add3A_30 : vector<400x256xf32>
    %slice3A = vector.extract_strided_slice %mul3A_17 {offsets = [0, 0], sizes = [400, 128], strides = [1, 1]} : vector<400x256xf32> to vector<400x128xf32>
    %swap3A = arith.constant 0 : index
    %swap3A_42 = arith.constant 0 : index
    %swap3A_43 = vector.load %arg7[%swap3A, %swap3A_42] : memref<400x128xf32, #tpu.memory_space<vmem>>, vector<400x128xf32>
    tpu.vector_store %arg7[%swap3A, %swap3A_42], %slice3A {strides = array<i32>} : memref<400x128xf32, #tpu.memory_space<vmem>>, vector<400x128xf32>,
    %slice3A_44 = vector.extract_strided_slice %mul3A_17 {offsets = [0, 128], sizes = [400, 128], strides = [1, 1]} : vector<400x256xf32> to vector<400x128xf32>
    %swap3A_45 = arith.constant 0 : index
    %swap3A_46 = arith.constant 0 : index
    %swap3A_47 = vector.load %arg8[%swap3A_45, %swap3A_46] : memref<400x128xf32, #tpu.memory_space<vmem>>, vector<400x128xf32>
    tpu.vector_store %arg8[%swap3A_45, %swap3A_46], %slice3A_44 {strides = array<i32>} : memref<400x128xf32, #tpu.memory_space<vmem>>, vector<400x128xf32>,
    %slice3A_48 = vector.extract_strided_slice %mul3A_41 {offsets = [0, 0], sizes = [400, 128], strides = [1, 1]} : vector<400x256xf32> to vector<400x128xf32>
    %swap3A_49 = arith.constant 0 : index
    %swap3A_50 = arith.constant 0 : index
    %swap3A_51 = vector.load %arg9[%swap3A_49, %swap3A_50] : memref<400x128xf32, #tpu.memory_space<vmem>>, vector<400x128xf32>
    tpu.vector_store %arg9[%swap3A_49, %swap3A_50], %slice3A_48 {strides = array<i32>} : memref<400x128xf32, #tpu.memory_space<vmem>>, vector<400x128xf32>,
    %slice3A_52 = vector.extract_strided_slice %mul3A_41 {offsets = [0, 128], sizes = [400, 128], strides = [1, 1]} : vector<400x256xf32> to vector<400x128xf32>
    %swap3A_53 = arith.constant 0 : index
    %swap3A_54 = arith.constant 0 : index
    %swap3A_55 = vector.load %arg10[%swap3A_53, %swap3A_54] : memref<400x128xf32, #tpu.memory_space<vmem>>, vector<400x128xf32>
    tpu.vector_store %arg10[%swap3A_53, %swap3A_54], %slice3A_52 {strides = array<i32>} : memref<400x128xf32, #tpu.memory_space<vmem>>, vector<400x128xf32>,
    return
  }
  func.func @transform_0(%arg0: i32) -> (i32, i32) {
    %c0_i32 = arith.constant 0 : i32
    %c0_i32_0 = arith.constant 0 : i32
    return %arg0, %c0_i32 : i32, i32
  }
  func.func @transform_1(%arg0: i32) -> (i32, i32) {
    %c0_i32 = arith.constant 0 : i32
    %c0_i32_0 = arith.constant 0 : i32
    %c0_i32_1 = arith.constant 0 : i32
    return %c0_i32, %c0_i32_0 : i32, i32
  }
  func.func @transform_2(%arg0: i32) -> (i32, i32) {
    %c0_i32 = arith.constant 0 : i32
    %c0_i32_0 = arith.constant 0 : i32
    %c0_i32_1 = arith.constant 0 : i32
    return %c0_i32, %c0_i32_0 : i32, i32
  }
  func.func @transform_3(%arg0: i32) -> (i32, i32) {
    %c0_i32 = arith.constant 0 : i32
    %c0_i32_0 = arith.constant 0 : i32
    %c0_i32_1 = arith.constant 0 : i32
    return %c0_i32, %c0_i32_0 : i32, i32
  }
  func.func @transform_4(%arg0: i32) -> (i32, i32) {
    %c0_i32 = arith.constant 0 : i32
    %c0_i32_0 = arith.constant 0 : i32
    %c0_i32_1 = arith.constant 0 : i32
    return %c0_i32, %c0_i32_0 : i32, i32
  }
  func.func @transform_5(%arg0: i32) -> (i32, i32) {
    %c0_i32 = arith.constant 0 : i32
    %c0_i32_0 = arith.constant 0 : i32
    return %arg0, %c0_i32 : i32, i32
  }
  func.func @transform_6(%arg0: i32) -> (i32, i32) {
    %c0_i32 = arith.constant 0 : i32
    %c0_i32_0 = arith.constant 0 : i32
    return %arg0, %c0_i32 : i32, i32
  }
  func.func @transform_7(%arg0: i32) -> (i32, i32) {
    %c0_i32 = arith.constant 0 : i32
    %c0_i32_0 = arith.constant 0 : i32
    return %arg0, %c0_i32 : i32, i32
  }
  func.func @transform_8(%arg0: i32) -> (i32, i32) {
    %c0_i32 = arith.constant 0 : i32
    %c0_i32_0 = arith.constant 0 : i32
    return %arg0, %c0_i32 : i32, i32
  }
  func.func @transform_9(%arg0: i32) -> (i32, i32) {
    %c0_i32 = arith.constant 0 : i32
    %c0_i32_0 = arith.constant 0 : i32
    return %arg0, %c0_i32 : i32, i32
  }
}

module attributes {stable_mosaic.version = 14 : i64} {
  func.func @_tc_fin_body(%arg0: i32, %arg1: memref<400x32xf32, #tpu.memory_space<vmem>>, %arg2: memref<400x128xf32, #tpu.memory_space<vmem>>, %arg3: memref<400x128xf32, #tpu.memory_space<vmem>>, %arg4: memref<400x128xf32, #tpu.memory_space<vmem>>, %arg5: memref<400x128xf32, #tpu.memory_space<vmem>>, %arg6: memref<400x256xf32, #tpu.memory_space<vmem>>) attributes {dimension_semantics = [#tpu.dimension_semantics<arbitrary>], iteration_bounds = array<i64: 25>, scalar_prefetch = 0 : i64, scratch_operands = 0 : i64, tpu.core_type = #tpu.core_type<tc>, window_params = [{transform_indices = @transform_0, window_bounds = array<i64: 400, 32>}, {transform_indices = @transform_1, window_bounds = array<i64: 400, 128>}, {transform_indices = @transform_2, window_bounds = array<i64: 400, 128>}, {transform_indices = @transform_3, window_bounds = array<i64: 400, 128>}, {transform_indices = @transform_4, window_bounds = array<i64: 400, 128>}, {transform_indices = @transform_5, window_bounds = array<i64: 400, 256>}]} {
    %get3A = arith.constant 0 : index
    %get3A_0 = arith.constant 0 : index
    %get3A_1 = vector.load %arg1[%get3A, %get3A_0] : memref<400x32xf32, #tpu.memory_space<vmem>>, vector<400x32xf32>
    %reduce_sum3A = arith.constant dense<0.000000e+00> : vector<400xf32>
    %reduce_sum3A_2 = vector.multi_reduction <add>, %get3A_1, %reduce_sum3A [1] : vector<400x32xf32> to vector<400xf32>
    %broadcast_in_dim3A = vector.shape_cast %reduce_sum3A_2 : vector<400xf32> to vector<400x1xf32>
    %add3A = arith.constant 1.000000e+00 : f32
    %add3A_3 = vector.broadcast %add3A : f32 to vector<400x1xf32>
    %add3A_4 = arith.addf %add3A_3, %broadcast_in_dim3A : vector<400x1xf32>
    %rsqrt3A = math.rsqrt %add3A_4 : vector<400x1xf32>
    %get3A_5 = arith.constant 0 : index
    %get3A_6 = arith.constant 0 : index
    %get3A_7 = vector.load %arg4[%get3A_5, %get3A_6] : memref<400x128xf32, #tpu.memory_space<vmem>>, vector<400x128xf32>
    %get3A_8 = arith.constant 0 : index
    %get3A_9 = arith.constant 0 : index
    %get3A_10 = vector.load %arg2[%get3A_8, %get3A_9] : memref<400x128xf32, #tpu.memory_space<vmem>>, vector<400x128xf32>
    %add3A_11 = arith.addf %get3A_7, %get3A_10 : vector<400x128xf32>
    %get3A_12 = arith.constant 0 : index
    %get3A_13 = arith.constant 0 : index
    %get3A_14 = vector.load %arg5[%get3A_12, %get3A_13] : memref<400x128xf32, #tpu.memory_space<vmem>>, vector<400x128xf32>
    %get3A_15 = arith.constant 0 : index
    %get3A_16 = arith.constant 0 : index
    %get3A_17 = vector.load %arg3[%get3A_15, %get3A_16] : memref<400x128xf32, #tpu.memory_space<vmem>>, vector<400x128xf32>
    %add3A_18 = arith.addf %get3A_14, %get3A_17 : vector<400x128xf32>
    %concatenate3A = tpu.concatenate %add3A_11, %add3A_18 in 1 : vector<400x128xf32>, vector<400x128xf32> -> vector<400x256xf32>
    %mul3A = vector.broadcast %rsqrt3A : vector<400x1xf32> to vector<400x256xf32>
    %mul3A_19 = arith.mulf %mul3A, %concatenate3A : vector<400x256xf32>
    %swap3A = arith.constant 0 : index
    %swap3A_20 = arith.constant 0 : index
    %swap3A_21 = vector.load %arg6[%swap3A, %swap3A_20] : memref<400x256xf32, #tpu.memory_space<vmem>>, vector<400x256xf32>
    tpu.vector_store %arg6[%swap3A, %swap3A_20], %mul3A_19 {strides = array<i32>} : memref<400x256xf32, #tpu.memory_space<vmem>>, vector<400x256xf32>,
    return
  }
  func.func @transform_0(%arg0: i32) -> (i32, i32) {
    %c0_i32 = arith.constant 0 : i32
    %c0_i32_0 = arith.constant 0 : i32
    return %arg0, %c0_i32 : i32, i32
  }
  func.func @transform_1(%arg0: i32) -> (i32, i32) {
    %c0_i32 = arith.constant 0 : i32
    %c0_i32_0 = arith.constant 0 : i32
    return %arg0, %c0_i32 : i32, i32
  }
  func.func @transform_2(%arg0: i32) -> (i32, i32) {
    %c0_i32 = arith.constant 0 : i32
    %c0_i32_0 = arith.constant 0 : i32
    return %arg0, %c0_i32 : i32, i32
  }
  func.func @transform_3(%arg0: i32) -> (i32, i32) {
    %c0_i32 = arith.constant 0 : i32
    %c0_i32_0 = arith.constant 0 : i32
    return %arg0, %c0_i32 : i32, i32
  }
  func.func @transform_4(%arg0: i32) -> (i32, i32) {
    %c0_i32 = arith.constant 0 : i32
    %c0_i32_0 = arith.constant 0 : i32
    return %arg0, %c0_i32 : i32, i32
  }
  func.func @transform_5(%arg0: i32) -> (i32, i32) {
    %c0_i32 = arith.constant 0 : i32
    %c0_i32_0 = arith.constant 0 : i32
    return %arg0, %c0_i32 : i32, i32
  }
}

</mosaic_0001>

<sc_bundles>
// kernel: kernel.11.cloned.1.call-start
scs
__scs_entry_jumppad:
0x0: {  	(pc) =	sbr.rel $0x88, $3  }
0x1: {  	(tag) =	ssettag $0x0;
	lr =	simm.s32 $0x1  }
0x2: {  	[smem:$0x3F9B] =	sst lr;
	_ =	strace $0xD0000000  }
0x3: {  	_ = 	snop  }
0x4: {  	_ = 	snop  }
0x5: {  	_ = 	snop  }
0x6: {  	_ = 	snop  }
0x7: {  	_ = 	snop  }
__scs_overlays_trampoline_lowered:
0x8: {  	[smem:$0x3FAA] =	sst s0  }
0x9: {  	[smem:$0x3FAB] =	sst s1  }
0xa: {  	[smem:$0x3FAC] =	sst s2  }
0xb: {  	[smem:$0x3FAD] =	sst s3  }
0xc: {  	[smem:$0x3FAE] =	sst s4  }
0xd: {  	[smem:$0x3FAF] =	sst s5  }
0xe: {  	[smem:$0x3FB0] =	sst s6  }
0xf: {  	[smem:$0x3FB1] =	sst s7  }
0x10: {  	[smem:$0x3FB2] =	sst s8  }
0x11: {  	[smem:$0x3FB3] =	sst s9;
	s0 =	simm.s32 @!p0 $0x0  }
0x12: {  	s1 =	sld [smem:$0x3F99];
	s0 =	simm.s32 @p0 $0x1  }
0x13: {  	[smem:$0x3FB4] =	sst s0;
	s0 =	simm.s32 @!p1 $0x0  }
0x14: {  	s2 =	sld [smem:$0x3F98];
	s0 =	simm.s32 @p1 $0x1  }
0x15: {  	[smem:$0x3FB5] =	sst s0;
	s0 =	simm.s32 @!p2 $0x0  }
0x16: {  	s3 =	sld [smem:$0x3FDB];
	s0 =	simm.s32 @p2 $0x1  }
0x17: {  	s4 =	simm.s32 $0x1BF5;
	[smem:$0x3FB7] =	sst s0  }
0x18: {  	s0 =	sld [smem:$0x3F9A];
	_ =	swait.ge [sflag:s4], $0x0  }
0x19: {  	s7 =	sld [smem:$0x3F9B]  }
0x1a: {  	s8 =	sadd.s32 $0xFFFFE003, lr  }
0x1b: {  	s9 =	sadd.s32 $0xFFFFFEF7, lr;
	s5 =	simm.s32 $0xFFFFFFFF;
	p2 =	slt.u32 s8, $0xFFFFF086  }
0x1c: {  	p1 =	slt.u32 s9, $0xF7A;
	s5 =	simm.s32 @!p2 $0x0  }
0x1d: {  	s5 =	simm.s32 @p1 $0x1;
	p0 =	seq.s32 s7, s2  }
0x1e: {  	s7 =	smul.u32 @!p0 $0xF7A, s2;
	p2 =	seq.s32 @!p0 s5, $0x0  }
0x1f: {  	s9 =	smul.u32 $0xF7A, s1;
	s8 =	simm.s32 @!p0 $0x1BF5;
	p2 =	por !p2, p0  }
0x20: {  	[sflag:s8] =	ssyncset.s32 @!p0 $0xFFFFF086;
	s6 =	sadd.s32 @!p0 s3, s7;
	s7 =	simm.s32 @!p0 $0x108  }
0x21: {  	s3 =	sadd.s32 s3, s9;
	s6 =	sadd.s32 @!p0 $0x88, s6;
	s7 =	simm.s32 @p2 $0x1082  }
0x22: {  	[simem:s7], [sflag:s8] =	dma.local @!p0 [hbm:s6], $0xF7A  }
0x23: {  	s9 =	sor.u32 $0xD0000000, s2;
	s6 =	simm.s32 $0x108;
	_ =	swait.ge @!p0 [sflag:s8], $0x0  }
0x24: {  	s3 =	sadd.s32 $0x88, s3;
	s6 =	simm.s32 @!p1 $0x1082;
	[sflag:s4] =	ssyncset.s32 $0xFFFFF086  }
0x25: {  	[simem:s6], [sflag:s4] =	dma.local [hbm:s3], $0xF7A  }
0x26: {  	[smem:$0x3F9B] =	sst s1;
	(tag) =	ssettag s2;
	_ =	strace s9  }
0x27: {  	s1 =	sld [smem:$0x3FAB]  }
0x28: {  	s2 =	sld [smem:$0x3FAC]  }
0x29: {  	s4 =	sld [smem:$0x3FAE]  }
0x2a: {  	p0 =	seq.s32 s5, $0x0;
	s5 =	sld [smem:$0x3FAF]  }
0x2b: {  	s6 =	sld [smem:$0x3FB0]  }
0x2c: {  	s7 =	sld [smem:$0x3FB1]  }
0x2d: {  	s3 =	simm.s32 $0x108;
	s8 =	sld [smem:$0x3FB2]  }
0x2e: {  	s3 =	simm.s32 @!p0 $0x1082;
	s9 =	sld [smem:$0x3FB3]  }
0x2f: {  	lr =	sadd.s32 s0, s3;
	s0 =	sld [smem:$0x3FAA]  }
0x30: {  	s3 =	sld [smem:$0x3FAD]  }
0x31: {  	[smem:$0x3FB6] =	sst s10  }
0x32: {  	s10 =	sld [smem:$0x3FB4];
	_ =	sdelay $0x3  }
0x33: {  	p0 =	seq.s32 s10, $0x1;
	s10 =	sld [smem:$0x3FB6];
	_ =	sdelay $0x3  }
0x34: {  	[smem:$0x3FB6] =	sst s10  }
0x35: {  	s10 =	sld [smem:$0x3FB5];
	_ =	sdelay $0x3  }
0x36: {  	p1 =	seq.s32 s10, $0x1;
	s10 =	sld [smem:$0x3FB6];
	_ =	sdelay $0x3  }
0x37: {  	[smem:$0x3FB6] =	sst s10  }
0x38: {  	s10 =	sld [smem:$0x3FB7]  }
0x39: {  	_ = 	snop;
	(pc) =	sbr.ind lr, $3  }
0x3a: {  	_ = 	snop  }
0x3b: {  	_ = 	snop  }
0x3c: {  	p2 =	seq.s32 s10, $0x1;
	s10 =	sld [smem:$0x3FB6]  }
0x3d: {  	_ =	shalt  }
0x3e: {  	_ =	shalt  }
0x3f: {  	_ =	shalt  }
0x40: {  	_ =	shalt  }
0x41: {  	_ =	shalt  }
0x42: {  	_ =	shalt  }
0x43: {  	_ =	shalt  }
0x44: {  	_ =	shalt  }
0x45: {  	_ =	shalt  }
0x46: {  	_ =	shalt  }
0x47: {  	_ =	shalt  }
0x48: {  	_ =	shalt  }
0x49: {  	_ =	shalt  }
0x4a: {  	_ =	shalt  }
0x4b: {  	_ =	shalt  }
0x4c: {  	_ =	shalt  }
0x4d: {  	_ =	shalt  }
0x4e: {  	_ =	shalt  }
0x4f: {  	_ =	shalt  }
0x50: {  	_ =	shalt  }
0x51: {  	_ =	shalt  }
0x52: {  	_ =	shalt  }
0x53: {  	_ =	shalt  }
0x54: {  	_ =	shalt  }
0x55: {  	_ =	shalt  }
0x56: {  	_ =	shalt  }
0x57: {  	_ =	shalt  }
0x58: {  	_ =	shalt  }
0x59: {  	_ =	shalt  }
0x5a: {  	_ =	shalt  }
0x5b: {  	_ =	shalt  }
0x5c: {  	_ =	shalt  }
0x5d: {  	_ =	shalt  }
0x5e: {  	_ =	shalt  }
0x5f: {  	_ =	shalt  }
0x60: {  	_ =	shalt  }
0x61: {  	_ =	shalt  }
0x62: {  	_ =	shalt  }
0x63: {  	_ =	shalt  }
0x64: {  	_ =	shalt  }
0x65: {  	_ =	shalt  }
0x66: {  	_ =	shalt  }
0x67: {  	_ =	shalt  }
0x68: {  	_ =	shalt  }
0x69: {  	_ =	shalt  }
0x6a: {  	_ =	shalt  }
0x6b: {  	_ =	shalt  }
0x6c: {  	_ =	shalt  }
0x6d: {  	_ =	shalt  }
0x6e: {  	_ =	shalt  }
0x6f: {  	_ =	shalt  }
0x70: {  	_ =	shalt  }
0x71: {  	_ =	shalt  }
0x72: {  	_ =	shalt  }
0x73: {  	_ =	shalt  }
0x74: {  	_ =	shalt  }
0x75: {  	_ =	shalt  }
0x76: {  	_ =	shalt  }
0x77: {  	_ =	shalt  }
0x78: {  	_ =	shalt  }
0x79: {  	_ =	shalt  }
0x7a: {  	_ =	shalt  }
0x7b: {  	_ =	shalt  }
0x7c: {  	_ =	shalt  }
0x7d: {  	_ =	shalt  }
0x7e: {  	_ =	shalt  }
0x7f: {  	_ =	shalt  }
0x80: {  	_ =	shalt  }
0x81: {  	_ =	shalt  }
0x82: {  	_ =	shalt  }
0x83: {  	_ =	shalt  }
0x84: {  	_ =	shalt  }
0x85: {  	_ =	shalt  }
0x86: {  	_ =	shalt  }
0x87: {  	_ =	shalt  }
.Lfunc_end0:
.L_simem_size_0:
called_computation.1_lowered:
.L_overlay_start_0:
0x88: {  	s2 =	sld [smem:$0x3FD9]  }
0x89: {  	s3 =	sld [smem:$0x3FFE];
	_ =	sdelay $0x1  }
0x8a: {  	s1 =	srdreg.scid  }
0x8b: {  	s0 =	sand.u32 $0x1, s1  }
0x8c: {  	s17 =	sshll.u32 s0, $0xA;
	s2 =	sadd.s32 s3, s2  }
0x8d: {  	s2 =	sadd.s32 s2, s17  }
0x8e: {  	[smem:$0x3FC2] =	sst s2  }
0x8f: {  	_ = 	snop  }
0x90: {  	(tm) =	ssettm $0x1  }
0x91: {  	s18 =	sld [smem:$0x3FFB];
	_ =	sdelay $0x3  }
0x92: {  	_ =	strace s18  }
0x93: {  	s2 =	sld [smem:$0x3FFC];
	_ =	sdelay $0x3  }
0x94: {  	_ =	strace s2  }
0x95: {  	s2 =	sld [smem:$0x3FFD];
	_ =	sdelay $0x3  }
0x96: {  	_ =	strace s2  }
0x97: {  	_ =	strace $0x8FFFFFFF  }
0x98: {  	s19 =	sld [smem:$0x3FDB];
	_ =	sdelay $0x1  }
0x99: {  	s20 =	simm.s32 $_scs_section_size  }
0x9a: {  	s4 =	simm.s32 $_size__tile_overlayer_lowered;
	s5 =	simm.s32 $_tile_overlayer_lowered  }
0x9b: {  	s6 =	simm.s32 $0x1BFF;
	s21 =	sshll.u32 s5, $0x1;
	s3 =	sadd.s32 s20, s19  }
0x9c: {  	s22 =	simm.s32 $0x0;
	s4 =	sshll.u32 s4, $0x1;
	s5 =	sadd.s32 s21, s3  }
0x9d: {  	[timem:s22], [sflag:s6] =	dma.local [hbm:s5], s4  }
0x9e: {  	_ =	swait.ge [sflag:s6], s4  }
0x9f: {  	s4 =	ssub.s32 $0x0, s4;
	[sflag:s6] =	ssyncset.done $0x0  }
0xa0: {  	[sflag:s6] =	ssyncadd.s32 s4;
	_ =	sdelay $0x1  }
0xa1: {  	s23 =	simm.s32 $0x1B8B  }
0xa2: {  	_ =	swait.ge [sflag:s23], $0x1  }
0xa3: {  	[sflag:s23] =	ssyncset.done $0x0  }
0xa4: {  	[sflag:s23] =	ssyncadd.s32 $0xFFFFFFFF  }
0xa5: {  	s4 =	sld [smem:$0x0]  }
0xa6: {  	s5 =	sand.u32 $0xFFFFFFFE, s1  }
0xa7: {  	p0 =	sne.s32 s1, s5  }
0xa8: {  	s5 =	sshll.u32 @p0 s5, $0xE  }
0xa9: {  	s5 =	sadd.s32 @p0 $0x11B8D, s5;
	s6 =	sshll.u32 @p0 s4, $0x11  }
0xaa: {  	s5 =	sor.u32 @p0 s6, s5  }
0xab: {  	[sflag:s5] =	ssyncadd.remote.s32 @p0 $0x1;
	_ =	sdelay $0x1  }
0xac: {  	s5 =	simm.s32 @p0 $0x1B8D  }
0xad: {  	_ =	swait.eq @p0 [sflag:s5], $0x1  }
0xae: {  	[sflag:s5] =	ssyncadd.s32 @p0 $0xFFFFFFFF  }
0xaf: {  	s6 =	sshll.u32 @!p0 s1, $0xE  }
0xb0: {  	s6 =	sor.u32 @!p0 $0x4000, s6;
	s5 =	simm.s32 @!p0 $0x1B8D  }
0xb1: {  	s4 =	sshll.u32 @!p0 s4, $0x11;
	s6 =	sadd.s32 @!p0 $0x11B8D, s6;
	_ =	swait.eq @!p0 [sflag:s5], $0x1  }
0xb2: {  	s4 =	sor.u32 @!p0 s4, s6;
	[sflag:s5] =	ssyncadd.s32 @!p0 $0xFFFFFFFF  }
0xb3: {  	s25 =	simm.s32 $0x1B8E;
	s24 =	sld [smem:$0x3FFE];
	[sflag:s4] =	ssyncadd.remote.s32 @!p0 $0x1  }
0xb4: {  	s26 =	simm.s32 $execute0_lowered;
	[smem:$0x3FD2] =	sst s25  }
0xb5: {  	s5 =	sshll.u32 s26, $0x1;
	_ =	strace $0x8000004C;
	[dreg:$0x1] =	wrdreg $0xFFFFFFFF  }
0xb6: {  	s28 =	simm.s32 $_size_execute0_lowered;
	s3 =	sadd.s32 s3, s5;
	[dreg:$0x0] =	wrdreg $0x0  }
0xb7: {  	s5 =	sshll.u32 s28, $0x1;
	[dreg:$0x2] =	wrdreg s3  }
0xb8: {  	[dreg:$0x3] =	wrdreg s5  }
0xb9: {  	[dreg:$0x4] =	wrdreg $0xC0  }
0xba: {  	_ =	task [dreg:s22], $0x5FFFF  }
0xbb: {  	[dreg:$0x1] =	wrdreg $0xFFFFFFFF  }
0xbc: {  	[dreg:$0x0] =	wrdreg $0x60  }
0xbd: {  	[dreg:$0x2] =	wrdreg s24  }
0xbe: {  	[dreg:$0x3] =	wrdreg $0xA8000  }
0xbf: {  	[dreg:$0x4] =	wrdreg $0x9  }
0xc0: {  	_ =	task.clear_ibuf [dreg:s22], $0x5FFFF;
	_ =	strace $0x9000004C  }
0xc1: {  	s29 =	simm.s32 $0x9;
	_ =	strace $0x8000004E  }
0xc2: {  	_ =	swait.ge [sflag:s29], $0x1  }
0xc3: {  	[sflag:s29] =	ssyncadd.s32 $0xFFFFFFFF  }
0xc4: {  	_ =	strace $0x9000004E  }
0xc5: {  	_ =	sfence  }
0xc6: {  	s30 =	sld [smem:$0x0];
	_ =	sdelay $0x2  }
0xc7: {  	s31 =	sshll.u32 s1, $0xD;
	s1 =	sshrl.u32 s1, $0x2  }
0xc8: {  	s4 =	sand.u32 $0x4000, s31;
	s1 =	sadd.s32 s1, s30  }
0xc9: {  	s0 =	sor.u32 s4, s0;
	s1 =	sshll.u32 s1, $0x11  }
0xca: {  	s0 =	sor.u32 s1, s0  }
0xcb: {  	s0 =	sadd.s32 $0x8F2B, s0  }
0xcc: {  	[sflag:s0] =	ssyncadd.remote.s32 $0x1  }
0xcd: {  	_ =	sfence.sel $0xFFFF  }
0xce: {  	[dreg:$0x0] =	wrdreg $0xFFFFFFFF;
	(pc) =	sbr.abs _section_cstart, $3  }
0xcf: {  	[dreg:$0x1] =	wrdreg $0xFFFFFFFF  }
0xd0: {  	_ =	task.clear_ibuf [dreg:s22], $0x2FFFF;
	_ =	strace $0x9FFFFFFF  }
0xd1: {  	(tm) =	ssettm $0x7FFFFFFF  }
tec
execute0_lowered:
.L_overlay_start_1:
0x0: {  	(tag) =	ssettag $0x1  }
0x1: {  	s8 =	rddreg [dreg:$0x0]  }
0x2: {  	s2 =	rddreg [dreg:$0x1];
	s3 =	simm.s32 $0x0  }
0x3: {  	s1 =	stileid.u32;
	s7 =	srdreg.scid;
	s18 =	simm.s32 $0x1400  }
0x4: {  	s19 =	simm.s32 $0x80;
	s20 =	simm.s32 $0x2800;
	s21 =	simm.s32 $0x1  }
0x5: {  	s22 =	simm.s32 $0x6800;
	s23 =	simm.s32 $0x2;
	s24 =	simm.s32 $0x1480  }
0x6: {  	s25 =	simm.s32 $0x3;
	s28 =	simm.s32 $0x4;
	s29 =	simm.s32 $0x0  }
0x7: {  	[smem:$0x7FF] =	sst s3;
	s12 =	sadd.s32 $0x3400, s8;
	s4 =	smul.u32 $0x2900, s1  }
0x8: {  	s13 =	sadd.s32 $0x8400, s8;
	s5 =	sadd.s32 $0x36400, s8;
	s6 =	sadd.s32 $0x5F400, s8  }
0x9: {  	s10 =	sand.u32 $0x1, s7;
	s7 =	sadd.s32 $0x103400, s8;
	s14 =	smul.u32 $0x52000, s1  }
0xa: {  	s16 =	smul.u32 $0x2800, s1;
	s31 =	sshll.u32 s1, $0x6;
	_ =	strace $0x8000004D  }
0xb: {  	s11 =	ssub.s32 $0x2, s10;
	p0 =	seq.s32 s10, $0x1;
	s9 =	sadd.s32 s4, s8  }
0xc: {  	s8 =	sadd.s32 $0x12C400, s8;
	s15 =	sshrl.u32 s11, $0x1;
	s26 =	sshrl.u32 s14, $0x2  }
.Ltmp0:
0xd: {  	s30 =	sshrl.u32 s16, $0x3;
	s15 =	ssub.s32 s11, s15;
	(pc) =	sbr.rel .LBB2_1-.Ltmp0, $4  }
0xe: {  	s17 =	sadd.s32 s26, s2;
	s9 =	sadd.s32 $0x88400, s9;
	s10 =	sadd.s32 s12, s30  }
0xf: {  	s11 =	sadd.s32 s13, s30;
	s14 =	sadd.s32 $0x280, s30;
	s26 =	simm.s32 $0x100  }
0x10: {  	s12 =	sadd.s32 s12, s14;
	s13 =	sadd.s32 s13, s14;
	s14 =	smax.u32 s15, $0x1  }
0x11: {  	s15 =	sor.u32 $0x1C05, s31;
	s16 =	sshrl.u32 s17, $0x3;
	s17 =	simm.s32 $0x5  }
.LBB2_14:
0x12: {  	s30 =	smov.u32 s8  }
.LBB2_15:
0x13: {  	_ =	swait.ge [sflag:s28], $0x4000  }
0x14: {  	[sflag:s28] =	ssyncset.done $0x0  }
0x15: {  	s29 =	sadd.s32 $0x1, s29;
	[sflag:s28] =	ssyncadd.s32 $0xFFFFC000  }
0x16: {  	s0 =	sadd.s32 s30, s4;
	p1 =	sne.s32 s29, s14;
	[bflag:$0x0] =	sbarrier.arrive $0xFFFF  }
0x17: {  	[hbm:s0], [sflag:s15] =	dma.local [spmem:s16], $0x2900  }
.Ltmp1:
0x18: {  	_ =	swait.ge [sflag:s17], $0x2900;
	(pc) =	sbr.rel @!p1 .LBB2_16-.Ltmp1, $3  }
0x19: {  	[sflag:s17] =	ssyncset.done $0x0  }
0x1a: {  	[sflag:s17] =	ssyncadd.s32 $0xFFFFD700  }
0x1b: {  	[bflag:$0x0] =	sbarrier.arrive $0xFFFF;
	_ =	sdelay $0x1  }
.LBB2_1:
0x1c: {  	[spmem:s16], [sflag:s15] =	dma.local [hbm:s9], $0x2900  }
0x1d: {  	_ =	swait.ge [sflag:s17], $0x2900  }
0x1e: {  	[sflag:s17] =	ssyncset.done $0x0  }
0x1f: {  	[sflag:s17] =	ssyncadd.s32 $0xFFFFD700  }
0x20: {  	[bflag:$0x0] =	sbarrier.arrive $0xFFFF  }
0x21: {  	[tilespmem:s3], [sflag:$0x5] =	stream.linear.gather [hbm4b:s10+s3], $0x1400, $0x38;
	[tilespmem:$0x1F000] =	vst v63  }
0x22: {  	_ =	swait.ge [sflag:s17], $0x1400  }
0x23: {  	[sflag:s17] =	ssyncset.done $0x0  }
.Ltmp2:
0x24: {  	[sflag:s17] =	ssyncadd.s32 $0xFFFFEC00;
	(pc) =	sbr.rel @!p0 .LBB2_2-.Ltmp2, $4  }
0x25: {  	[tilespmem:s18], [sflag:$0x5] =	stream.linear.gather [hbm4b:s11+s3], $0x1400, $0x38;
	[tilespmem:$0x1F000] =	vst v63  }
0x26: {  	_ =	swait.ge [sflag:s17], $0x1400  }
0x27: {  	[sflag:s17] =	ssyncset.done $0x0  }
0x28: {  	[sflag:s17] =	ssyncadd.s32 $0xFFFFEC00  }
0x29: {  	[tilespmem:s20], [sflag:$0x1] =	stream.indirect.gather [hbm4b:s6+s19], $0x80, s3, s19, $0xb8;
	[tilespmem:$0x1F000] =	vst v63  }
0x2a: {  	_ =	swait.ge [sflag:s21], $0x4000  }
0x2b: {  	[sflag:s21] =	ssyncset.done $0x0  }
0x2c: {  	[sflag:s21] =	ssyncadd.s32 $0xFFFFC000  }
0x2d: {  	[spmem:s2] =	stream.indirect.scatter.add.f32 [tilespmem:s20], [sflag:$0x3], $0x80, s18, s19, $0xb8;
	[tilespmem:$0x1F000] =	vst v63  }
0x2e: {  	_ = 	snop  }
0x2f: {  	[tilespmem:s22], [sflag:$0x2] =	stream.indirect.gather [hbm4b:s6+s19], $0x80, s19, s19, $0xb8;
	[tilespmem:$0x1F000] =	vst v63  }
0x30: {  	_ =	swait.ge [sflag:s23], $0x4000  }
0x31: {  	[sflag:s23] =	ssyncset.done $0x0  }
0x32: {  	[sflag:s23] =	ssyncadd.s32 $0xFFFFC000  }
0x33: {  	[spmem:s2] =	stream.indirect.scatter.add.f32 [tilespmem:s22], [sflag:$0x4], $0x80, s24, s19, $0xb8;
	[tilespmem:$0x1F000] =	vst v63  }
0x34: {  	_ =	swait.ge [sflag:s25], $0x4000  }
0x35: {  	[sflag:s25] =	ssyncset.done $0x0  }
0x36: {  	s30 =	simm.s32 $0xFFFFB800;
	[sflag:s25] =	ssyncadd.s32 $0xFFFFC000  }
0x37: {  	[tilespmem:s20], [sflag:$0x1] =	stream.indirect.gather [hbm4b:s6+s19], $0x80, s26, s19, $0xb8;
	[tilespmem:$0x1F000] =	vst v63  }
.LBB2_10:
0x38: {  	_ =	swait.ge [sflag:s21], $0x4000  }
0x39: {  	s31 =	sshra.s32 s30, $0x2;
	[sflag:s21] =	ssyncset.done $0x0  }
0x3a: {  	s0 =	sadd.s32 $0x2700, s31;
	[sflag:s21] =	ssyncadd.s32 $0xFFFFC000  }
0x3b: {  	[spmem:s2] =	stream.indirect.scatter.add.f32 [tilespmem:s20], [sflag:$0x3], $0x80, s0, s19, $0xb8;
	[tilespmem:$0x1F000] =	vst v63  }
0x3c: {  	_ =	swait.ge [sflag:s28], $0x4000  }
0x3d: {  	[sflag:s28] =	ssyncset.done $0x0  }
0x3e: {  	s0 =	sadd.s32 $0x1380, s31;
	[sflag:s28] =	ssyncadd.s32 $0xFFFFC000  }
0x3f: {  	[tilespmem:s22], [sflag:$0x2] =	stream.indirect.gather [hbm4b:s6+s19], $0x80, s0, s19, $0xb8;
	[tilespmem:$0x1F000] =	vst v63  }
0x40: {  	_ =	swait.ge [sflag:s23], $0x4000  }
0x41: {  	p1 =	seq.s32 s30, $0x0;
	[sflag:s23] =	ssyncset.done $0x0  }
.Ltmp3:
0x42: {  	s0 =	sadd.s32 $0x2780, s31;
	[sflag:s23] =	ssyncadd.s32 $0xFFFFC000;
	(pc) =	sbr.rel @p1 .LBB2_12-.Ltmp3, $4  }
0x43: {  	[spmem:s2] =	stream.indirect.scatter.add.f32 [tilespmem:s22], [sflag:$0x4], $0x80, s0, s19, $0xb8;
	[tilespmem:$0x1F000] =	vst v63  }
0x44: {  	_ =	swait.ge [sflag:s25], $0x4000  }
0x45: {  	[sflag:s25] =	ssyncset.done $0x0  }
0x46: {  	[sflag:s25] =	ssyncadd.s32 $0xFFFFC000  }
.Ltmp4:
0x47: {  	(pc) =	sbr.rel .LBB2_10-.Ltmp4, $3  }
0x48: {  	_ =	sdelay $0x1  }
0x49: {  	s0 =	sadd.s32 $0x1400, s31;
	s30 =	sadd.s32 $0x400, s30  }
0x4a: {  	[tilespmem:s20], [sflag:$0x1] =	stream.indirect.gather [hbm4b:s6+s19], $0x80, s0, s19, $0xb8;
	[tilespmem:$0x1F000] =	vst v63  }
.LBB2_2:
0x4b: {  	[tilespmem:s20], [sflag:$0x1] =	stream.indirect.gather [hbm4b:s5+s19], $0x80, s3, s19, $0xb8;
	[tilespmem:$0x1F000] =	vst v63  }
0x4c: {  	_ =	swait.ge [sflag:s21], $0x4000  }
0x4d: {  	[sflag:s21] =	ssyncset.done $0x0  }
0x4e: {  	[sflag:s21] =	ssyncadd.s32 $0xFFFFC000  }
0x4f: {  	[spmem:s2] =	stream.indirect.scatter.add.f32 [tilespmem:s20], [sflag:$0x3], $0x80, s18, s19, $0xb8;
	[tilespmem:$0x1F000] =	vst v63  }
0x50: {  	_ = 	snop  }
0x51: {  	[tilespmem:s22], [sflag:$0x2] =	stream.indirect.gather [hbm4b:s5+s19], $0x80, s19, s19, $0xb8;
	[tilespmem:$0x1F000] =	vst v63  }
0x52: {  	_ =	swait.ge [sflag:s23], $0x4000  }
0x53: {  	[sflag:s23] =	ssyncset.done $0x0  }
0x54: {  	[sflag:s23] =	ssyncadd.s32 $0xFFFFC000  }
0x55: {  	[spmem:s2] =	stream.indirect.scatter.add.f32 [tilespmem:s22], [sflag:$0x4], $0x80, s24, s19, $0xb8;
	[tilespmem:$0x1F000] =	vst v63  }
0x56: {  	_ =	swait.ge [sflag:s25], $0x4000  }
0x57: {  	[sflag:s25] =	ssyncset.done $0x0  }
0x58: {  	s30 =	simm.s32 $0xFFFFB800;
	[sflag:s25] =	ssyncadd.s32 $0xFFFFC000  }
0x59: {  	[tilespmem:s20], [sflag:$0x1] =	stream.indirect.gather [hbm4b:s5+s19], $0x80, s26, s19, $0xb8;
	[tilespmem:$0x1F000] =	vst v63  }
.LBB2_3:
0x5a: {  	_ =	swait.ge [sflag:s21], $0x4000  }
0x5b: {  	s31 =	sshra.s32 s30, $0x2;
	[sflag:s21] =	ssyncset.done $0x0  }
0x5c: {  	s0 =	sadd.s32 $0x2700, s31;
	[sflag:s21] =	ssyncadd.s32 $0xFFFFC000  }
0x5d: {  	[spmem:s2] =	stream.indirect.scatter.add.f32 [tilespmem:s20], [sflag:$0x3], $0x80, s0, s19, $0xb8;
	[tilespmem:$0x1F000] =	vst v63  }
0x5e: {  	_ =	swait.ge [sflag:s28], $0x4000  }
0x5f: {  	[sflag:s28] =	ssyncset.done $0x0  }
0x60: {  	s0 =	sadd.s32 $0x1380, s31;
	[sflag:s28] =	ssyncadd.s32 $0xFFFFC000  }
0x61: {  	[tilespmem:s22], [sflag:$0x2] =	stream.indirect.gather [hbm4b:s5+s19], $0x80, s0, s19, $0xb8;
	[tilespmem:$0x1F000] =	vst v63  }
0x62: {  	_ =	swait.ge [sflag:s23], $0x4000  }
0x63: {  	p1 =	seq.s32 s30, $0x0;
	[sflag:s23] =	ssyncset.done $0x0  }
.Ltmp5:
0x64: {  	s0 =	sadd.s32 $0x2780, s31;
	[sflag:s23] =	ssyncadd.s32 $0xFFFFC000;
	(pc) =	sbr.rel @p1 .LBB2_5-.Ltmp5, $4  }
0x65: {  	[spmem:s2] =	stream.indirect.scatter.add.f32 [tilespmem:s22], [sflag:$0x4], $0x80, s0, s19, $0xb8;
	[tilespmem:$0x1F000] =	vst v63  }
0x66: {  	_ =	swait.ge [sflag:s25], $0x4000  }
0x67: {  	[sflag:s25] =	ssyncset.done $0x0  }
0x68: {  	[sflag:s25] =	ssyncadd.s32 $0xFFFFC000  }
.Ltmp6:
0x69: {  	(pc) =	sbr.rel .LBB2_3-.Ltmp6, $3  }
0x6a: {  	_ =	sdelay $0x1  }
0x6b: {  	s0 =	sadd.s32 $0x1400, s31;
	s30 =	sadd.s32 $0x400, s30  }
0x6c: {  	[tilespmem:s20], [sflag:$0x1] =	stream.indirect.gather [hbm4b:s5+s19], $0x80, s0, s19, $0xb8;
	[tilespmem:$0x1F000] =	vst v63  }
.LBB2_12:
0x6d: {  	_ =	swait.ge [sflag:s28], $0x4000  }
0x6e: {  	[sflag:s28] =	ssyncset.done $0x0  }
0x6f: {  	[sflag:s28] =	ssyncadd.s32 $0xFFFFC000  }
0x70: {  	[tilespmem:s3], [sflag:$0x5] =	stream.linear.gather [hbm4b:s12+s3], $0x1400, $0x38;
	[tilespmem:$0x1F000] =	vst v63  }
0x71: {  	_ =	swait.ge [sflag:s17], $0x1400  }
0x72: {  	[sflag:s17] =	ssyncset.done $0x0  }
0x73: {  	[sflag:s17] =	ssyncadd.s32 $0xFFFFEC00  }
0x74: {  	[tilespmem:s18], [sflag:$0x5] =	stream.linear.gather [hbm4b:s13+s3], $0x1400, $0x38;
	[tilespmem:$0x1F000] =	vst v63  }
0x75: {  	_ =	swait.ge [sflag:s17], $0x1400  }
0x76: {  	[sflag:s17] =	ssyncset.done $0x0  }
0x77: {  	[sflag:s17] =	ssyncadd.s32 $0xFFFFEC00  }
0x78: {  	[tilespmem:s20], [sflag:$0x1] =	stream.indirect.gather [hbm4b:s6+s19], $0x80, s3, s19, $0xb8;
	[tilespmem:$0x1F000] =	vst v63  }
0x79: {  	_ =	swait.ge [sflag:s21], $0x4000  }
0x7a: {  	[sflag:s21] =	ssyncset.done $0x0  }
0x7b: {  	[sflag:s21] =	ssyncadd.s32 $0xFFFFC000  }
0x7c: {  	[spmem:s2] =	stream.indirect.scatter.add.f32 [tilespmem:s20], [sflag:$0x3], $0x80, s18, s19, $0xb8;
	[tilespmem:$0x1F000] =	vst v63  }
0x7d: {  	_ = 	snop  }
0x7e: {  	[tilespmem:s22], [sflag:$0x2] =	stream.indirect.gather [hbm4b:s6+s19], $0x80, s19, s19, $0xb8;
	[tilespmem:$0x1F000] =	vst v63  }
0x7f: {  	_ =	swait.ge [sflag:s23], $0x4000  }
0x80: {  	[sflag:s23] =	ssyncset.done $0x0  }
0x81: {  	[sflag:s23] =	ssyncadd.s32 $0xFFFFC000  }
0x82: {  	[spmem:s2] =	stream.indirect.scatter.add.f32 [tilespmem:s22], [sflag:$0x4], $0x80, s24, s19, $0xb8;
	[tilespmem:$0x1F000] =	vst v63  }
0x83: {  	_ =	swait.ge [sflag:s25], $0x4000  }
0x84: {  	[sflag:s25] =	ssyncset.done $0x0  }
0x85: {  	s30 =	simm.s32 $0xFFFFB800;
	[sflag:s25] =	ssyncadd.s32 $0xFFFFC000  }
0x86: {  	[tilespmem:s20], [sflag:$0x1] =	stream.indirect.gather [hbm4b:s6+s19], $0x80, s26, s19, $0xb8;
	[tilespmem:$0x1F000] =	vst v63  }
.LBB2_13:
0x87: {  	_ =	swait.ge [sflag:s21], $0x4000  }
0x88: {  	s31 =	sshra.s32 s30, $0x2;
	[sflag:s21] =	ssyncset.done $0x0  }
0x89: {  	s0 =	sadd.s32 $0x2700, s31;
	[sflag:s21] =	ssyncadd.s32 $0xFFFFC000  }
0x8a: {  	[spmem:s2] =	stream.indirect.scatter.add.f32 [tilespmem:s20], [sflag:$0x3], $0x80, s0, s19, $0xb8;
	[tilespmem:$0x1F000] =	vst v63  }
0x8b: {  	_ =	swait.ge [sflag:s28], $0x4000  }
0x8c: {  	[sflag:s28] =	ssyncset.done $0x0  }
0x8d: {  	s0 =	sadd.s32 $0x1380, s31;
	[sflag:s28] =	ssyncadd.s32 $0xFFFFC000  }
0x8e: {  	[tilespmem:s22], [sflag:$0x2] =	stream.indirect.gather [hbm4b:s6+s19], $0x80, s0, s19, $0xb8;
	[tilespmem:$0x1F000] =	vst v63  }
0x8f: {  	_ =	swait.ge [sflag:s23], $0x4000  }
0x90: {  	p1 =	seq.s32 s30, $0x0;
	[sflag:s23] =	ssyncset.done $0x0  }
.Ltmp7:
0x91: {  	s0 =	sadd.s32 $0x2780, s31;
	[sflag:s23] =	ssyncadd.s32 $0xFFFFC000;
	(pc) =	sbr.rel @p1 .LBB2_14-.Ltmp7, $4  }
0x92: {  	[spmem:s2] =	stream.indirect.scatter.add.f32 [tilespmem:s22], [sflag:$0x4], $0x80, s0, s19, $0xb8;
	[tilespmem:$0x1F000] =	vst v63  }
0x93: {  	_ =	swait.ge [sflag:s25], $0x4000  }
0x94: {  	[sflag:s25] =	ssyncset.done $0x0  }
0x95: {  	[sflag:s25] =	ssyncadd.s32 $0xFFFFC000  }
.Ltmp8:
0x96: {  	(pc) =	sbr.rel .LBB2_13-.Ltmp8, $3  }
0x97: {  	_ =	sdelay $0x1  }
0x98: {  	s0 =	sadd.s32 $0x1400, s31;
	s30 =	sadd.s32 $0x400, s30  }
0x99: {  	[tilespmem:s20], [sflag:$0x1] =	stream.indirect.gather [hbm4b:s6+s19], $0x80, s0, s19, $0xb8;
	[tilespmem:$0x1F000] =	vst v63  }
.LBB2_5:
0x9a: {  	_ =	swait.ge [sflag:s28], $0x4000  }
0x9b: {  	[sflag:s28] =	ssyncset.done $0x0  }
0x9c: {  	[sflag:s28] =	ssyncadd.s32 $0xFFFFC000  }
0x9d: {  	[tilespmem:s3], [sflag:$0x5] =	stream.linear.gather [hbm4b:s12+s3], $0x1400, $0x38;
	[tilespmem:$0x1F000] =	vst v63  }
0x9e: {  	_ =	swait.ge [sflag:s17], $0x1400  }
0x9f: {  	[sflag:s17] =	ssyncset.done $0x0  }
0xa0: {  	[sflag:s17] =	ssyncadd.s32 $0xFFFFEC00  }
0xa1: {  	[tilespmem:s18], [sflag:$0x5] =	stream.linear.gather [hbm4b:s13+s3], $0x1400, $0x38;
	[tilespmem:$0x1F000] =	vst v63  }
0xa2: {  	_ =	swait.ge [sflag:s17], $0x1400  }
0xa3: {  	[sflag:s17] =	ssyncset.done $0x0  }
0xa4: {  	[sflag:s17] =	ssyncadd.s32 $0xFFFFEC00  }
0xa5: {  	[tilespmem:s20], [sflag:$0x1] =	stream.indirect.gather [hbm4b:s5+s19], $0x80, s3, s19, $0xb8;
	[tilespmem:$0x1F000] =	vst v63  }
0xa6: {  	_ =	swait.ge [sflag:s21], $0x4000  }
0xa7: {  	[sflag:s21] =	ssyncset.done $0x0  }
0xa8: {  	[sflag:s21] =	ssyncadd.s32 $0xFFFFC000  }
0xa9: {  	[spmem:s2] =	stream.indirect.scatter.add.f32 [tilespmem:s20], [sflag:$0x3], $0x80, s18, s19, $0xb8;
	[tilespmem:$0x1F000] =	vst v63  }
0xaa: {  	_ = 	snop  }
0xab: {  	[tilespmem:s22], [sflag:$0x2] =	stream.indirect.gather [hbm4b:s5+s19], $0x80, s19, s19, $0xb8;
	[tilespmem:$0x1F000] =	vst v63  }
0xac: {  	_ =	swait.ge [sflag:s23], $0x4000  }
0xad: {  	[sflag:s23] =	ssyncset.done $0x0  }
0xae: {  	[sflag:s23] =	ssyncadd.s32 $0xFFFFC000  }
0xaf: {  	[spmem:s2] =	stream.indirect.scatter.add.f32 [tilespmem:s22], [sflag:$0x4], $0x80, s24, s19, $0xb8;
	[tilespmem:$0x1F000] =	vst v63  }
0xb0: {  	_ =	swait.ge [sflag:s25], $0x4000  }
0xb1: {  	[sflag:s25] =	ssyncset.done $0x0  }
0xb2: {  	s30 =	simm.s32 $0xFFFFB800;
	[sflag:s25] =	ssyncadd.s32 $0xFFFFC000  }
0xb3: {  	[tilespmem:s20], [sflag:$0x1] =	stream.indirect.gather [hbm4b:s5+s19], $0x80, s26, s19, $0xb8;
	[tilespmem:$0x1F000] =	vst v63  }
.LBB2_6:
0xb4: {  	_ =	swait.ge [sflag:s21], $0x4000  }
0xb5: {  	s31 =	sshra.s32 s30, $0x2;
	[sflag:s21] =	ssyncset.done $0x0  }
0xb6: {  	s0 =	sadd.s32 $0x2700, s31;
	[sflag:s21] =	ssyncadd.s32 $0xFFFFC000  }
0xb7: {  	[spmem:s2] =	stream.indirect.scatter.add.f32 [tilespmem:s20], [sflag:$0x3], $0x80, s0, s19, $0xb8;
	[tilespmem:$0x1F000] =	vst v63  }
0xb8: {  	_ =	swait.ge [sflag:s28], $0x4000  }
0xb9: {  	[sflag:s28] =	ssyncset.done $0x0  }
0xba: {  	s0 =	sadd.s32 $0x1380, s31;
	[sflag:s28] =	ssyncadd.s32 $0xFFFFC000  }
0xbb: {  	[tilespmem:s22], [sflag:$0x2] =	stream.indirect.gather [hbm4b:s5+s19], $0x80, s0, s19, $0xb8;
	[tilespmem:$0x1F000] =	vst v63  }
0xbc: {  	_ =	swait.ge [sflag:s23], $0x4000  }
0xbd: {  	p1 =	seq.s32 s30, $0x0;
	[sflag:s23] =	ssyncset.done $0x0  }
.Ltmp9:
0xbe: {  	s0 =	sadd.s32 $0x2780, s31;
	[sflag:s23] =	ssyncadd.s32 $0xFFFFC000;
	(pc) =	sbr.rel @p1 .LBB2_7-.Ltmp9, $4  }
0xbf: {  	[spmem:s2] =	stream.indirect.scatter.add.f32 [tilespmem:s22], [sflag:$0x4], $0x80, s0, s19, $0xb8;
	[tilespmem:$0x1F000] =	vst v63  }
0xc0: {  	_ =	swait.ge [sflag:s25], $0x4000  }
0xc1: {  	[sflag:s25] =	ssyncset.done $0x0  }
0xc2: {  	[sflag:s25] =	ssyncadd.s32 $0xFFFFC000  }
.Ltmp10:
0xc3: {  	(pc) =	sbr.rel .LBB2_6-.Ltmp10, $3  }
0xc4: {  	_ =	sdelay $0x1  }
0xc5: {  	s0 =	sadd.s32 $0x1400, s31;
	s30 =	sadd.s32 $0x400, s30  }
0xc6: {  	[tilespmem:s20], [sflag:$0x1] =	stream.indirect.gather [hbm4b:s5+s19], $0x80, s0, s19, $0xb8;
	[tilespmem:$0x1F000] =	vst v63  }
.LBB2_7:
.Ltmp11:
0xc7: {  	(pc) =	sbr.rel .LBB2_15-.Ltmp11, $2  }
0xc8: {  	_ =	sdelay $0x2  }
0xc9: {  	s30 =	smov.u32 s7  }
.LBB2_16:
0xca: {  	_ =	sfence.sel $0x180000  }
0xcb: {  	[bflag:$0x0] =	sbarrier.arrive $0xFFFF  }
0xcc: {  	_ =	strace $0x9000004D  }
0xcd: {  	[bflag:$0x2] =	sbarrier.arrive $0xFFFF  }
0xce: {  	p0 =	sne.s32 s1, $0x0;
	s0 =	rddreg [dreg:$0x2]  }
0xcf: {  	s0 =	sadd.s32 @!p0 $0x100000, s0  }
0xd0: {  	[sflag:s0] =	ssyncadd.tile.s32 @!p0 $0x1;
	_ =	shalt  }
.Lfunc_end2:
_tile_overlayer_lowered:
.L_overlay_start_2:
0xd1: {  	(tag) =	ssettag $0x2  }
0xd2: {  	s0 =	rddreg [dreg:$0x0];
	s2 =	stileid.u32  }
0xd3: {  	s1 =	rddreg [dreg:$0x1];
	p0 =	sne.s32 s2, $0x0  }
0xd4: {  	s3 =	rddreg [dreg:$0x2];
	[bflag:$0x3] =	sbarrier.arrive $0xFFFF;
	s2 =	simm.s32 @!p0 $0x1C05  }
0xd5: {  	[timem:s3], [sflag:s2] =	dma.local @!p0 [hbm:s0], s1  }
0xd6: {  	s0 =	simm.s32 @!p0 $0x5  }
0xd7: {  	_ =	swait.ge @!p0 [sflag:s0], s1  }
0xd8: {  	s1 =	ssub.s32 @!p0 $0x0, s1;
	[sflag:s0] =	ssyncset.done @!p0 $0x0  }
0xd9: {  	[sflag:s0] =	ssyncadd.s32 @!p0 s1  }
0xda: {  	[bflag:$0x3] =	sbarrier.arrive $0xFFFF  }
0xdb: {  	_ =	shalt  }

// kernel: kernel.14.cloned.1.call-start
scs
__scs_entry_jumppad:
0x0: {  	(pc) =	sbr.rel $0x88, $3  }
0x1: {  	(tag) =	ssettag $0x0;
	lr =	simm.s32 $0x1  }
0x2: {  	[smem:$0x3F9B] =	sst lr;
	_ =	strace $0xD0000000  }
0x3: {  	_ = 	snop  }
0x4: {  	_ = 	snop  }
0x5: {  	_ = 	snop  }
0x6: {  	_ = 	snop  }
0x7: {  	_ = 	snop  }
__scs_overlays_trampoline_lowered:
0x8: {  	[smem:$0x3FAA] =	sst s0  }
0x9: {  	[smem:$0x3FAB] =	sst s1  }
0xa: {  	[smem:$0x3FAC] =	sst s2  }
0xb: {  	[smem:$0x3FAD] =	sst s3  }
0xc: {  	[smem:$0x3FAE] =	sst s4  }
0xd: {  	[smem:$0x3FAF] =	sst s5  }
0xe: {  	[smem:$0x3FB0] =	sst s6  }
0xf: {  	[smem:$0x3FB1] =	sst s7  }
0x10: {  	[smem:$0x3FB2] =	sst s8  }
0x11: {  	[smem:$0x3FB3] =	sst s9;
	s0 =	simm.s32 @!p0 $0x0  }
0x12: {  	s1 =	sld [smem:$0x3F99];
	s0 =	simm.s32 @p0 $0x1  }
0x13: {  	[smem:$0x3FB4] =	sst s0;
	s0 =	simm.s32 @!p1 $0x0  }
0x14: {  	s2 =	sld [smem:$0x3F98];
	s0 =	simm.s32 @p1 $0x1  }
0x15: {  	[smem:$0x3FB5] =	sst s0;
	s0 =	simm.s32 @!p2 $0x0  }
0x16: {  	s3 =	sld [smem:$0x3FDB];
	s0 =	simm.s32 @p2 $0x1  }
0x17: {  	s4 =	simm.s32 $0x1BF5;
	[smem:$0x3FB7] =	sst s0  }
0x18: {  	s0 =	sld [smem:$0x3F9A];
	_ =	swait.ge [sflag:s4], $0x0  }
0x19: {  	s7 =	sld [smem:$0x3F9B]  }
0x1a: {  	s8 =	sadd.s32 $0xFFFFE003, lr  }
0x1b: {  	s9 =	sadd.s32 $0xFFFFFEF7, lr;
	s5 =	simm.s32 $0xFFFFFFFF;
	p2 =	slt.u32 s8, $0xFFFFF086  }
0x1c: {  	p1 =	slt.u32 s9, $0xF7A;
	s5 =	simm.s32 @!p2 $0x0  }
0x1d: {  	s5 =	simm.s32 @p1 $0x1;
	p0 =	seq.s32 s7, s2  }
0x1e: {  	s7 =	smul.u32 @!p0 $0xF7A, s2;
	p2 =	seq.s32 @!p0 s5, $0x0  }
0x1f: {  	s9 =	smul.u32 $0xF7A, s1;
	s8 =	simm.s32 @!p0 $0x1BF5;
	p2 =	por !p2, p0  }
0x20: {  	[sflag:s8] =	ssyncset.s32 @!p0 $0xFFFFF086;
	s6 =	sadd.s32 @!p0 s3, s7;
	s7 =	simm.s32 @!p0 $0x108  }
0x21: {  	s3 =	sadd.s32 s3, s9;
	s6 =	sadd.s32 @!p0 $0x88, s6;
	s7 =	simm.s32 @p2 $0x1082  }
0x22: {  	[simem:s7], [sflag:s8] =	dma.local @!p0 [hbm:s6], $0xF7A  }
0x23: {  	s9 =	sor.u32 $0xD0000000, s2;
	s6 =	simm.s32 $0x108;
	_ =	swait.ge @!p0 [sflag:s8], $0x0  }
0x24: {  	s3 =	sadd.s32 $0x88, s3;
	s6 =	simm.s32 @!p1 $0x1082;
	[sflag:s4] =	ssyncset.s32 $0xFFFFF086  }
0x25: {  	[simem:s6], [sflag:s4] =	dma.local [hbm:s3], $0xF7A  }
0x26: {  	[smem:$0x3F9B] =	sst s1;
	(tag) =	ssettag s2;
	_ =	strace s9  }
0x27: {  	s1 =	sld [smem:$0x3FAB]  }
0x28: {  	s2 =	sld [smem:$0x3FAC]  }
0x29: {  	s4 =	sld [smem:$0x3FAE]  }
0x2a: {  	p0 =	seq.s32 s5, $0x0;
	s5 =	sld [smem:$0x3FAF]  }
0x2b: {  	s6 =	sld [smem:$0x3FB0]  }
0x2c: {  	s7 =	sld [smem:$0x3FB1]  }
0x2d: {  	s3 =	simm.s32 $0x108;
	s8 =	sld [smem:$0x3FB2]  }
0x2e: {  	s3 =	simm.s32 @!p0 $0x1082;
	s9 =	sld [smem:$0x3FB3]  }
0x2f: {  	lr =	sadd.s32 s0, s3;
	s0 =	sld [smem:$0x3FAA]  }
0x30: {  	s3 =	sld [smem:$0x3FAD]  }
0x31: {  	[smem:$0x3FB6] =	sst s10  }
0x32: {  	s10 =	sld [smem:$0x3FB4];
	_ =	sdelay $0x3  }
0x33: {  	p0 =	seq.s32 s10, $0x1;
	s10 =	sld [smem:$0x3FB6];
	_ =	sdelay $0x3  }
0x34: {  	[smem:$0x3FB6] =	sst s10  }
0x35: {  	s10 =	sld [smem:$0x3FB5];
	_ =	sdelay $0x3  }
0x36: {  	p1 =	seq.s32 s10, $0x1;
	s10 =	sld [smem:$0x3FB6];
	_ =	sdelay $0x3  }
0x37: {  	[smem:$0x3FB6] =	sst s10  }
0x38: {  	s10 =	sld [smem:$0x3FB7]  }
0x39: {  	_ = 	snop;
	(pc) =	sbr.ind lr, $3  }
0x3a: {  	_ = 	snop  }
0x3b: {  	_ = 	snop  }
0x3c: {  	p2 =	seq.s32 s10, $0x1;
	s10 =	sld [smem:$0x3FB6]  }
0x3d: {  	_ =	shalt  }
0x3e: {  	_ =	shalt  }
0x3f: {  	_ =	shalt  }
0x40: {  	_ =	shalt  }
0x41: {  	_ =	shalt  }
0x42: {  	_ =	shalt  }
0x43: {  	_ =	shalt  }
0x44: {  	_ =	shalt  }
0x45: {  	_ =	shalt  }
0x46: {  	_ =	shalt  }
0x47: {  	_ =	shalt  }
0x48: {  	_ =	shalt  }
0x49: {  	_ =	shalt  }
0x4a: {  	_ =	shalt  }
0x4b: {  	_ =	shalt  }
0x4c: {  	_ =	shalt  }
0x4d: {  	_ =	shalt  }
0x4e: {  	_ =	shalt  }
0x4f: {  	_ =	shalt  }
0x50: {  	_ =	shalt  }
0x51: {  	_ =	shalt  }
0x52: {  	_ =	shalt  }
0x53: {  	_ =	shalt  }
0x54: {  	_ =	shalt  }
0x55: {  	_ =	shalt  }
0x56: {  	_ =	shalt  }
0x57: {  	_ =	shalt  }
0x58: {  	_ =	shalt  }
0x59: {  	_ =	shalt  }
0x5a: {  	_ =	shalt  }
0x5b: {  	_ =	shalt  }
0x5c: {  	_ =	shalt  }
0x5d: {  	_ =	shalt  }
0x5e: {  	_ =	shalt  }
0x5f: {  	_ =	shalt  }
0x60: {  	_ =	shalt  }
0x61: {  	_ =	shalt  }
0x62: {  	_ =	shalt  }
0x63: {  	_ =	shalt  }
0x64: {  	_ =	shalt  }
0x65: {  	_ =	shalt  }
0x66: {  	_ =	shalt  }
0x67: {  	_ =	shalt  }
0x68: {  	_ =	shalt  }
0x69: {  	_ =	shalt  }
0x6a: {  	_ =	shalt  }
0x6b: {  	_ =	shalt  }
0x6c: {  	_ =	shalt  }
0x6d: {  	_ =	shalt  }
0x6e: {  	_ =	shalt  }
0x6f: {  	_ =	shalt  }
0x70: {  	_ =	shalt  }
0x71: {  	_ =	shalt  }
0x72: {  	_ =	shalt  }
0x73: {  	_ =	shalt  }
0x74: {  	_ =	shalt  }
0x75: {  	_ =	shalt  }
0x76: {  	_ =	shalt  }
0x77: {  	_ =	shalt  }
0x78: {  	_ =	shalt  }
0x79: {  	_ =	shalt  }
0x7a: {  	_ =	shalt  }
0x7b: {  	_ =	shalt  }
0x7c: {  	_ =	shalt  }
0x7d: {  	_ =	shalt  }
0x7e: {  	_ =	shalt  }
0x7f: {  	_ =	shalt  }
0x80: {  	_ =	shalt  }
0x81: {  	_ =	shalt  }
0x82: {  	_ =	shalt  }
0x83: {  	_ =	shalt  }
0x84: {  	_ =	shalt  }
0x85: {  	_ =	shalt  }
0x86: {  	_ =	shalt  }
0x87: {  	_ =	shalt  }
.Lfunc_end0:
.L_simem_size_0:
called_computation.2_lowered:
.L_overlay_start_0:
0x88: {  	s2 =	sld [smem:$0x3FD9]  }
0x89: {  	s3 =	sld [smem:$0x3FFE];
	_ =	sdelay $0x1  }
0x8a: {  	s1 =	srdreg.scid  }
0x8b: {  	s0 =	sand.u32 $0x1, s1  }
0x8c: {  	s14 =	sshll.u32 s0, $0xA;
	s2 =	sadd.s32 s3, s2  }
0x8d: {  	s2 =	sadd.s32 s2, s14  }
0x8e: {  	[smem:$0x3FC2] =	sst s2  }
0x8f: {  	_ = 	snop  }
0x90: {  	s2 =	sld [smem:$0x3FD0];
	_ =	sdelay $0x2  }
0x91: {  	s15 =	simm.s32 $0xB;
	s4 =	simm.s32 $0x10  }
0x92: {  	[smem:s4], [sflag:s15] =	dma.local [hbm:s2], $0x1  }
0x93: {  	_ =	swait.eq [sflag:s15], $0x1  }
0x94: {  	[sflag:s15] =	ssyncset.done $0x0  }
0x95: {  	[sflag:s15] =	ssyncadd.s32 $0xFFFFFFFF  }
0x96: {  	s16 =	sld [smem:$0x10];
	(tm) =	ssettm $0x1  }
0x97: {  	s17 =	sld [smem:$0x3FFB];
	_ =	sdelay $0x3  }
0x98: {  	_ =	strace s17  }
0x99: {  	s3 =	sld [smem:$0x3FFC];
	_ =	sdelay $0x3  }
0x9a: {  	_ =	strace s3  }
0x9b: {  	s3 =	sld [smem:$0x3FFD];
	_ =	sdelay $0x3  }
0x9c: {  	_ =	strace s3  }
0x9d: {  	_ =	strace $0x8FFFFFFF  }
0x9e: {  	s18 =	sld [smem:$0x3FDB];
	_ =	sdelay $0x1  }
0x9f: {  	s19 =	simm.s32 $_scs_section_size  }
0xa0: {  	s5 =	simm.s32 $_size__tile_overlayer_lowered;
	s6 =	simm.s32 $_tile_overlayer_lowered  }
0xa1: {  	s22 =	simm.s32 $0x1BFF;
	s21 =	sshll.u32 s6, $0x1;
	s3 =	sadd.s32 s19, s18  }
0xa2: {  	s7 =	simm.s32 $0x0;
	s20 =	sshll.u32 s5, $0x1;
	s5 =	sadd.s32 s21, s3  }
0xa3: {  	[timem:s7], [sflag:s22] =	dma.local [hbm:s5], s20  }
0xa4: {  	_ =	swait.ge [sflag:s22], s20  }
0xa5: {  	s4 =	ssub.s32 $0x0, s20;
	[sflag:s22] =	ssyncset.done $0x0  }
0xa6: {  	[sflag:s22] =	ssyncadd.s32 s4;
	_ =	sdelay $0x1  }
0xa7: {  	s23 =	simm.s32 $0x1B8B  }
0xa8: {  	_ =	swait.ge [sflag:s23], $0x1  }
0xa9: {  	[sflag:s23] =	ssyncset.done $0x0  }
0xaa: {  	s25 =	simm.s32 $0x1B8E;
	s24 =	sld [smem:$0x3FFE];
	[sflag:s23] =	ssyncadd.s32 $0xFFFFFFFF  }
0xab: {  	s26 =	simm.s32 $execute0_lowered;
	[smem:$0x3FD2] =	sst s25  }
0xac: {  	s5 =	sshll.u32 s26, $0x1;
	_ =	strace $0x80000049;
	[dreg:$0x1] =	wrdreg $0xFFFFFFFF  }
0xad: {  	s28 =	simm.s32 $_size_execute0_lowered;
	s3 =	sadd.s32 s3, s5;
	[dreg:$0x0] =	wrdreg $0x0  }
0xae: {  	s5 =	sshll.u32 s28, $0x1;
	[dreg:$0x2] =	wrdreg s3  }
0xaf: {  	[dreg:$0x3] =	wrdreg s5  }
0xb0: {  	[dreg:$0x4] =	wrdreg $0xC0  }
0xb1: {  	_ =	task [dreg:s7], $0x5FFFF  }
0xb2: {  	[dreg:$0x1] =	wrdreg $0xFFFFFFFF  }
0xb3: {  	[dreg:$0x0] =	wrdreg $0x60  }
0xb4: {  	[dreg:$0x2] =	wrdreg s24  }
0xb5: {  	[dreg:$0x3] =	wrdreg s16  }
0xb6: {  	[dreg:$0x4] =	wrdreg $0xA8000  }
0xb7: {  	[dreg:$0x5] =	wrdreg $0xA  }
0xb8: {  	_ =	task.clear_ibuf [dreg:s7], $0x6FFFF;
	_ =	strace $0x90000049  }
0xb9: {  	s29 =	simm.s32 $0xA;
	_ =	strace $0x8000004B  }
0xba: {  	_ =	swait.ge [sflag:s29], $0x1  }
0xbb: {  	[sflag:s29] =	ssyncadd.s32 $0xFFFFFFFF  }
0xbc: {  	_ =	strace $0x9000004B  }
0xbd: {  	_ =	sfence  }
0xbe: {  	s30 =	sld [smem:$0x0];
	_ =	sdelay $0x2  }
0xbf: {  	s31 =	sshll.u32 s1, $0xD;
	s1 =	sshrl.u32 s1, $0x2  }
0xc0: {  	s3 =	sand.u32 $0x4000, s31;
	s1 =	sadd.s32 s1, s30  }
0xc1: {  	s0 =	sor.u32 s3, s0;
	s1 =	sshll.u32 s1, $0x11  }
0xc2: {  	s0 =	sor.u32 s1, s0  }
0xc3: {  	s0 =	sadd.s32 $0x8F2B, s0  }
0xc4: {  	[sflag:s0] =	ssyncadd.remote.s32 $0x1  }
0xc5: {  	_ =	sfence.sel $0xFFFF  }
0xc6: {  	[dreg:$0x0] =	wrdreg $0xFFFFFFFF;
	(pc) =	sbr.abs _section_cstart, $3  }
0xc7: {  	[dreg:$0x1] =	wrdreg $0xFFFFFFFF  }
0xc8: {  	_ =	task.clear_ibuf [dreg:s7], $0x2FFFF;
	_ =	strace $0x9FFFFFFF  }
0xc9: {  	(tm) =	ssettm $0x7FFFFFFF  }
tec
execute0_lowered:
.L_overlay_start_1:
0x0: {  	(tag) =	ssettag $0x1  }
0x1: {  	s8 =	rddreg [dreg:$0x0]  }
0x2: {  	s1 =	rddreg [dreg:$0x1]  }
0x3: {  	s3 =	rddreg [dreg:$0x2]  }
0x4: {  	s4 =	simm.s32 $0x0;
	s2 =	stileid.u32;
	s7 =	srdreg.scid  }
0x5: {  	s18 =	simm.s32 $0x1400;
	s19 =	simm.s32 $0x80;
	s20 =	simm.s32 $0x2800  }
0x6: {  	s21 =	simm.s32 $0x1;
	s22 =	simm.s32 $0x6800;
	s23 =	simm.s32 $0x2  }
0x7: {  	s24 =	simm.s32 $0x1480;
	s25 =	simm.s32 $0x3;
	s28 =	simm.s32 $0x4  }
0x8: {  	s29 =	simm.s32 $0x0;
	[smem:$0x7FF] =	sst s4;
	s5 =	smul.u32 $0x2900, s2  }
0x9: {  	s12 =	sadd.s32 $0x3400, s8;
	s13 =	sadd.s32 $0x8400, s8;
	s6 =	sadd.s32 $0xD400, s8  }
0xa: {  	s10 =	sand.u32 $0x1, s7;
	s7 =	sadd.s32 $0xB1400, s8;
	s14 =	smul.u32 $0x52000, s2  }
0xb: {  	s16 =	smul.u32 $0x2800, s2;
	s31 =	sshll.u32 s2, $0x6;
	_ =	strace $0x8000004A  }
0xc: {  	s11 =	ssub.s32 $0x2, s10;
	p0 =	seq.s32 s10, $0x1;
	s9 =	sadd.s32 s5, s8  }
0xd: {  	s8 =	sadd.s32 $0xDA400, s8;
	s15 =	sshrl.u32 s11, $0x1;
	s26 =	sshrl.u32 s14, $0x2  }
.Ltmp0:
0xe: {  	s30 =	sshrl.u32 s16, $0x3;
	s15 =	ssub.s32 s11, s15;
	(pc) =	sbr.rel .LBB2_1-.Ltmp0, $4  }
0xf: {  	s17 =	sadd.s32 s26, s3;
	s9 =	sadd.s32 $0x88400, s9;
	s10 =	sadd.s32 s12, s30  }
0x10: {  	s11 =	sadd.s32 s13, s30;
	s14 =	sadd.s32 $0x280, s30;
	s26 =	simm.s32 $0x100  }
0x11: {  	s12 =	sadd.s32 s12, s14;
	s13 =	sadd.s32 s13, s14;
	s14 =	smax.u32 s15, $0x1  }
0x12: {  	s15 =	sor.u32 $0x1C05, s31;
	s16 =	sshrl.u32 s17, $0x3;
	s17 =	simm.s32 $0x5  }
.LBB2_14:
0x13: {  	s30 =	smov.u32 s8  }
.LBB2_15:
0x14: {  	_ =	swait.ge [sflag:s28], $0x4000  }
0x15: {  	[sflag:s28] =	ssyncset.done $0x0  }
0x16: {  	s29 =	sadd.s32 $0x1, s29;
	[sflag:s28] =	ssyncadd.s32 $0xFFFFC000  }
0x17: {  	s0 =	sadd.s32 s30, s5;
	p1 =	sne.s32 s29, s14;
	[bflag:$0x0] =	sbarrier.arrive $0xFFFF  }
0x18: {  	[hbm:s0], [sflag:s15] =	dma.local [spmem:s16], $0x2900  }
.Ltmp1:
0x19: {  	_ =	swait.ge [sflag:s17], $0x2900;
	(pc) =	sbr.rel @!p1 .LBB2_16-.Ltmp1, $3  }
0x1a: {  	[sflag:s17] =	ssyncset.done $0x0  }
0x1b: {  	[sflag:s17] =	ssyncadd.s32 $0xFFFFD700  }
0x1c: {  	[bflag:$0x0] =	sbarrier.arrive $0xFFFF;
	_ =	sdelay $0x1  }
.LBB2_1:
0x1d: {  	[spmem:s16], [sflag:s15] =	dma.local [hbm:s9], $0x2900  }
0x1e: {  	_ =	swait.ge [sflag:s17], $0x2900  }
0x1f: {  	[sflag:s17] =	ssyncset.done $0x0  }
0x20: {  	[sflag:s17] =	ssyncadd.s32 $0xFFFFD700  }
0x21: {  	[bflag:$0x0] =	sbarrier.arrive $0xFFFF  }
0x22: {  	[tilespmem:s4], [sflag:$0x5] =	stream.linear.gather [hbm4b:s10+s4], $0x1400, $0x38;
	[tilespmem:$0x1F000] =	vst v63  }
0x23: {  	_ =	swait.ge [sflag:s17], $0x1400  }
0x24: {  	[sflag:s17] =	ssyncset.done $0x0  }
.Ltmp2:
0x25: {  	[sflag:s17] =	ssyncadd.s32 $0xFFFFEC00;
	(pc) =	sbr.rel @!p0 .LBB2_2-.Ltmp2, $4  }
0x26: {  	[tilespmem:s18], [sflag:$0x5] =	stream.linear.gather [hbm4b:s11+s4], $0x1400, $0x38;
	[tilespmem:$0x1F000] =	vst v63  }
0x27: {  	_ =	swait.ge [sflag:s17], $0x1400  }
0x28: {  	[sflag:s17] =	ssyncset.done $0x0  }
0x29: {  	[sflag:s17] =	ssyncadd.s32 $0xFFFFEC00  }
0x2a: {  	[tilespmem:s20], [sflag:$0x1] =	stream.indirect.gather [hbm4b:s6+s19], $0x80, s4, s19, $0xb8;
	[tilespmem:$0x1F000] =	vst v63  }
0x2b: {  	_ =	swait.ge [sflag:s21], $0x4000  }
0x2c: {  	[sflag:s21] =	ssyncset.done $0x0  }
0x2d: {  	[sflag:s21] =	ssyncadd.s32 $0xFFFFC000  }
0x2e: {  	[spmem:s3] =	stream.indirect.scatter.add.f32 [tilespmem:s20], [sflag:$0x3], $0x80, s18, s19, $0xb8;
	[tilespmem:$0x1F000] =	vst v63  }
0x2f: {  	_ = 	snop  }
0x30: {  	[tilespmem:s22], [sflag:$0x2] =	stream.indirect.gather [hbm4b:s6+s19], $0x80, s19, s19, $0xb8;
	[tilespmem:$0x1F000] =	vst v63  }
0x31: {  	_ =	swait.ge [sflag:s23], $0x4000  }
0x32: {  	[sflag:s23] =	ssyncset.done $0x0  }
0x33: {  	[sflag:s23] =	ssyncadd.s32 $0xFFFFC000  }
0x34: {  	[spmem:s3] =	stream.indirect.scatter.add.f32 [tilespmem:s22], [sflag:$0x4], $0x80, s24, s19, $0xb8;
	[tilespmem:$0x1F000] =	vst v63  }
0x35: {  	_ =	swait.ge [sflag:s25], $0x4000  }
0x36: {  	[sflag:s25] =	ssyncset.done $0x0  }
0x37: {  	s30 =	simm.s32 $0xFFFFB800;
	[sflag:s25] =	ssyncadd.s32 $0xFFFFC000  }
0x38: {  	[tilespmem:s20], [sflag:$0x1] =	stream.indirect.gather [hbm4b:s6+s19], $0x80, s26, s19, $0xb8;
	[tilespmem:$0x1F000] =	vst v63  }
.LBB2_10:
0x39: {  	_ =	swait.ge [sflag:s21], $0x4000  }
0x3a: {  	s31 =	sshra.s32 s30, $0x2;
	[sflag:s21] =	ssyncset.done $0x0  }
0x3b: {  	s0 =	sadd.s32 $0x2700, s31;
	[sflag:s21] =	ssyncadd.s32 $0xFFFFC000  }
0x3c: {  	[spmem:s3] =	stream.indirect.scatter.add.f32 [tilespmem:s20], [sflag:$0x3], $0x80, s0, s19, $0xb8;
	[tilespmem:$0x1F000] =	vst v63  }
0x3d: {  	_ =	swait.ge [sflag:s28], $0x4000  }
0x3e: {  	[sflag:s28] =	ssyncset.done $0x0  }
0x3f: {  	s0 =	sadd.s32 $0x1380, s31;
	[sflag:s28] =	ssyncadd.s32 $0xFFFFC000  }
0x40: {  	[tilespmem:s22], [sflag:$0x2] =	stream.indirect.gather [hbm4b:s6+s19], $0x80, s0, s19, $0xb8;
	[tilespmem:$0x1F000] =	vst v63  }
0x41: {  	_ =	swait.ge [sflag:s23], $0x4000  }
0x42: {  	p1 =	seq.s32 s30, $0x0;
	[sflag:s23] =	ssyncset.done $0x0  }
.Ltmp3:
0x43: {  	s0 =	sadd.s32 $0x2780, s31;
	[sflag:s23] =	ssyncadd.s32 $0xFFFFC000;
	(pc) =	sbr.rel @p1 .LBB2_12-.Ltmp3, $4  }
0x44: {  	[spmem:s3] =	stream.indirect.scatter.add.f32 [tilespmem:s22], [sflag:$0x4], $0x80, s0, s19, $0xb8;
	[tilespmem:$0x1F000] =	vst v63  }
0x45: {  	_ =	swait.ge [sflag:s25], $0x4000  }
0x46: {  	[sflag:s25] =	ssyncset.done $0x0  }
0x47: {  	[sflag:s25] =	ssyncadd.s32 $0xFFFFC000  }
.Ltmp4:
0x48: {  	(pc) =	sbr.rel .LBB2_10-.Ltmp4, $3  }
0x49: {  	_ =	sdelay $0x1  }
0x4a: {  	s0 =	sadd.s32 $0x1400, s31;
	s30 =	sadd.s32 $0x400, s30  }
0x4b: {  	[tilespmem:s20], [sflag:$0x1] =	stream.indirect.gather [hbm4b:s6+s19], $0x80, s0, s19, $0xb8;
	[tilespmem:$0x1F000] =	vst v63  }
.LBB2_2:
0x4c: {  	[tilespmem:s20], [sflag:$0x1] =	stream.indirect.gather [hbm4b:s1+s19], $0x80, s4, s19, $0xb8;
	[tilespmem:$0x1F000] =	vst v63  }
0x4d: {  	_ =	swait.ge [sflag:s21], $0x4000  }
0x4e: {  	[sflag:s21] =	ssyncset.done $0x0  }
0x4f: {  	[sflag:s21] =	ssyncadd.s32 $0xFFFFC000  }
0x50: {  	[spmem:s3] =	stream.indirect.scatter.add.f32 [tilespmem:s20], [sflag:$0x3], $0x80, s18, s19, $0xb8;
	[tilespmem:$0x1F000] =	vst v63  }
0x51: {  	_ = 	snop  }
0x52: {  	[tilespmem:s22], [sflag:$0x2] =	stream.indirect.gather [hbm4b:s1+s19], $0x80, s19, s19, $0xb8;
	[tilespmem:$0x1F000] =	vst v63  }
0x53: {  	_ =	swait.ge [sflag:s23], $0x4000  }
0x54: {  	[sflag:s23] =	ssyncset.done $0x0  }
0x55: {  	[sflag:s23] =	ssyncadd.s32 $0xFFFFC000  }
0x56: {  	[spmem:s3] =	stream.indirect.scatter.add.f32 [tilespmem:s22], [sflag:$0x4], $0x80, s24, s19, $0xb8;
	[tilespmem:$0x1F000] =	vst v63  }
0x57: {  	_ =	swait.ge [sflag:s25], $0x4000  }
0x58: {  	[sflag:s25] =	ssyncset.done $0x0  }
0x59: {  	s30 =	simm.s32 $0xFFFFB800;
	[sflag:s25] =	ssyncadd.s32 $0xFFFFC000  }
0x5a: {  	[tilespmem:s20], [sflag:$0x1] =	stream.indirect.gather [hbm4b:s1+s19], $0x80, s26, s19, $0xb8;
	[tilespmem:$0x1F000] =	vst v63  }
.LBB2_3:
0x5b: {  	_ =	swait.ge [sflag:s21], $0x4000  }
0x5c: {  	s31 =	sshra.s32 s30, $0x2;
	[sflag:s21] =	ssyncset.done $0x0  }
0x5d: {  	s0 =	sadd.s32 $0x2700, s31;
	[sflag:s21] =	ssyncadd.s32 $0xFFFFC000  }
0x5e: {  	[spmem:s3] =	stream.indirect.scatter.add.f32 [tilespmem:s20], [sflag:$0x3], $0x80, s0, s19, $0xb8;
	[tilespmem:$0x1F000] =	vst v63  }
0x5f: {  	_ =	swait.ge [sflag:s28], $0x4000  }
0x60: {  	[sflag:s28] =	ssyncset.done $0x0  }
0x61: {  	s0 =	sadd.s32 $0x1380, s31;
	[sflag:s28] =	ssyncadd.s32 $0xFFFFC000  }
0x62: {  	[tilespmem:s22], [sflag:$0x2] =	stream.indirect.gather [hbm4b:s1+s19], $0x80, s0, s19, $0xb8;
	[tilespmem:$0x1F000] =	vst v63  }
0x63: {  	_ =	swait.ge [sflag:s23], $0x4000  }
0x64: {  	p1 =	seq.s32 s30, $0x0;
	[sflag:s23] =	ssyncset.done $0x0  }
.Ltmp5:
0x65: {  	s0 =	sadd.s32 $0x2780, s31;
	[sflag:s23] =	ssyncadd.s32 $0xFFFFC000;
	(pc) =	sbr.rel @p1 .LBB2_5-.Ltmp5, $4  }
0x66: {  	[spmem:s3] =	stream.indirect.scatter.add.f32 [tilespmem:s22], [sflag:$0x4], $0x80, s0, s19, $0xb8;
	[tilespmem:$0x1F000] =	vst v63  }
0x67: {  	_ =	swait.ge [sflag:s25], $0x4000  }
0x68: {  	[sflag:s25] =	ssyncset.done $0x0  }
0x69: {  	[sflag:s25] =	ssyncadd.s32 $0xFFFFC000  }
.Ltmp6:
0x6a: {  	(pc) =	sbr.rel .LBB2_3-.Ltmp6, $3  }
0x6b: {  	_ =	sdelay $0x1  }
0x6c: {  	s0 =	sadd.s32 $0x1400, s31;
	s30 =	sadd.s32 $0x400, s30  }
0x6d: {  	[tilespmem:s20], [sflag:$0x1] =	stream.indirect.gather [hbm4b:s1+s19], $0x80, s0, s19, $0xb8;
	[tilespmem:$0x1F000] =	vst v63  }
.LBB2_12:
0x6e: {  	_ =	swait.ge [sflag:s28], $0x4000  }
0x6f: {  	[sflag:s28] =	ssyncset.done $0x0  }
0x70: {  	[sflag:s28] =	ssyncadd.s32 $0xFFFFC000  }
0x71: {  	[tilespmem:s4], [sflag:$0x5] =	stream.linear.gather [hbm4b:s12+s4], $0x1400, $0x38;
	[tilespmem:$0x1F000] =	vst v63  }
0x72: {  	_ =	swait.ge [sflag:s17], $0x1400  }
0x73: {  	[sflag:s17] =	ssyncset.done $0x0  }
0x74: {  	[sflag:s17] =	ssyncadd.s32 $0xFFFFEC00  }
0x75: {  	[tilespmem:s18], [sflag:$0x5] =	stream.linear.gather [hbm4b:s13+s4], $0x1400, $0x38;
	[tilespmem:$0x1F000] =	vst v63  }
0x76: {  	_ =	swait.ge [sflag:s17], $0x1400  }
0x77: {  	[sflag:s17] =	ssyncset.done $0x0  }
0x78: {  	[sflag:s17] =	ssyncadd.s32 $0xFFFFEC00  }
0x79: {  	[tilespmem:s20], [sflag:$0x1] =	stream.indirect.gather [hbm4b:s6+s19], $0x80, s4, s19, $0xb8;
	[tilespmem:$0x1F000] =	vst v63  }
0x7a: {  	_ =	swait.ge [sflag:s21], $0x4000  }
0x7b: {  	[sflag:s21] =	ssyncset.done $0x0  }
0x7c: {  	[sflag:s21] =	ssyncadd.s32 $0xFFFFC000  }
0x7d: {  	[spmem:s3] =	stream.indirect.scatter.add.f32 [tilespmem:s20], [sflag:$0x3], $0x80, s18, s19, $0xb8;
	[tilespmem:$0x1F000] =	vst v63  }
0x7e: {  	_ = 	snop  }
0x7f: {  	[tilespmem:s22], [sflag:$0x2] =	stream.indirect.gather [hbm4b:s6+s19], $0x80, s19, s19, $0xb8;
	[tilespmem:$0x1F000] =	vst v63  }
0x80: {  	_ =	swait.ge [sflag:s23], $0x4000  }
0x81: {  	[sflag:s23] =	ssyncset.done $0x0  }
0x82: {  	[sflag:s23] =	ssyncadd.s32 $0xFFFFC000  }
0x83: {  	[spmem:s3] =	stream.indirect.scatter.add.f32 [tilespmem:s22], [sflag:$0x4], $0x80, s24, s19, $0xb8;
	[tilespmem:$0x1F000] =	vst v63  }
0x84: {  	_ =	swait.ge [sflag:s25], $0x4000  }
0x85: {  	[sflag:s25] =	ssyncset.done $0x0  }
0x86: {  	s30 =	simm.s32 $0xFFFFB800;
	[sflag:s25] =	ssyncadd.s32 $0xFFFFC000  }
0x87: {  	[tilespmem:s20], [sflag:$0x1] =	stream.indirect.gather [hbm4b:s6+s19], $0x80, s26, s19, $0xb8;
	[tilespmem:$0x1F000] =	vst v63  }
.LBB2_13:
0x88: {  	_ =	swait.ge [sflag:s21], $0x4000  }
0x89: {  	s31 =	sshra.s32 s30, $0x2;
	[sflag:s21] =	ssyncset.done $0x0  }
0x8a: {  	s0 =	sadd.s32 $0x2700, s31;
	[sflag:s21] =	ssyncadd.s32 $0xFFFFC000  }
0x8b: {  	[spmem:s3] =	stream.indirect.scatter.add.f32 [tilespmem:s20], [sflag:$0x3], $0x80, s0, s19, $0xb8;
	[tilespmem:$0x1F000] =	vst v63  }
0x8c: {  	_ =	swait.ge [sflag:s28], $0x4000  }
0x8d: {  	[sflag:s28] =	ssyncset.done $0x0  }
0x8e: {  	s0 =	sadd.s32 $0x1380, s31;
	[sflag:s28] =	ssyncadd.s32 $0xFFFFC000  }
0x8f: {  	[tilespmem:s22], [sflag:$0x2] =	stream.indirect.gather [hbm4b:s6+s19], $0x80, s0, s19, $0xb8;
	[tilespmem:$0x1F000] =	vst v63  }
0x90: {  	_ =	swait.ge [sflag:s23], $0x4000  }
0x91: {  	p1 =	seq.s32 s30, $0x0;
	[sflag:s23] =	ssyncset.done $0x0  }
.Ltmp7:
0x92: {  	s0 =	sadd.s32 $0x2780, s31;
	[sflag:s23] =	ssyncadd.s32 $0xFFFFC000;
	(pc) =	sbr.rel @p1 .LBB2_14-.Ltmp7, $4  }
0x93: {  	[spmem:s3] =	stream.indirect.scatter.add.f32 [tilespmem:s22], [sflag:$0x4], $0x80, s0, s19, $0xb8;
	[tilespmem:$0x1F000] =	vst v63  }
0x94: {  	_ =	swait.ge [sflag:s25], $0x4000  }
0x95: {  	[sflag:s25] =	ssyncset.done $0x0  }
0x96: {  	[sflag:s25] =	ssyncadd.s32 $0xFFFFC000  }
.Ltmp8:
0x97: {  	(pc) =	sbr.rel .LBB2_13-.Ltmp8, $3  }
0x98: {  	_ =	sdelay $0x1  }
0x99: {  	s0 =	sadd.s32 $0x1400, s31;
	s30 =	sadd.s32 $0x400, s30  }
0x9a: {  	[tilespmem:s20], [sflag:$0x1] =	stream.indirect.gather [hbm4b:s6+s19], $0x80, s0, s19, $0xb8;
	[tilespmem:$0x1F000] =	vst v63  }
.LBB2_5:
0x9b: {  	_ =	swait.ge [sflag:s28], $0x4000  }
0x9c: {  	[sflag:s28] =	ssyncset.done $0x0  }
0x9d: {  	[sflag:s28] =	ssyncadd.s32 $0xFFFFC000  }
0x9e: {  	[tilespmem:s4], [sflag:$0x5] =	stream.linear.gather [hbm4b:s12+s4], $0x1400, $0x38;
	[tilespmem:$0x1F000] =	vst v63  }
0x9f: {  	_ =	swait.ge [sflag:s17], $0x1400  }
0xa0: {  	[sflag:s17] =	ssyncset.done $0x0  }
0xa1: {  	[sflag:s17] =	ssyncadd.s32 $0xFFFFEC00  }
0xa2: {  	[tilespmem:s18], [sflag:$0x5] =	stream.linear.gather [hbm4b:s13+s4], $0x1400, $0x38;
	[tilespmem:$0x1F000] =	vst v63  }
0xa3: {  	_ =	swait.ge [sflag:s17], $0x1400  }
0xa4: {  	[sflag:s17] =	ssyncset.done $0x0  }
0xa5: {  	[sflag:s17] =	ssyncadd.s32 $0xFFFFEC00  }
0xa6: {  	[tilespmem:s20], [sflag:$0x1] =	stream.indirect.gather [hbm4b:s1+s19], $0x80, s4, s19, $0xb8;
	[tilespmem:$0x1F000] =	vst v63  }
0xa7: {  	_ =	swait.ge [sflag:s21], $0x4000  }
0xa8: {  	[sflag:s21] =	ssyncset.done $0x0  }
0xa9: {  	[sflag:s21] =	ssyncadd.s32 $0xFFFFC000  }
0xaa: {  	[spmem:s3] =	stream.indirect.scatter.add.f32 [tilespmem:s20], [sflag:$0x3], $0x80, s18, s19, $0xb8;
	[tilespmem:$0x1F000] =	vst v63  }
0xab: {  	_ = 	snop  }
0xac: {  	[tilespmem:s22], [sflag:$0x2] =	stream.indirect.gather [hbm4b:s1+s19], $0x80, s19, s19, $0xb8;
	[tilespmem:$0x1F000] =	vst v63  }
0xad: {  	_ =	swait.ge [sflag:s23], $0x4000  }
0xae: {  	[sflag:s23] =	ssyncset.done $0x0  }
0xaf: {  	[sflag:s23] =	ssyncadd.s32 $0xFFFFC000  }
0xb0: {  	[spmem:s3] =	stream.indirect.scatter.add.f32 [tilespmem:s22], [sflag:$0x4], $0x80, s24, s19, $0xb8;
	[tilespmem:$0x1F000] =	vst v63  }
0xb1: {  	_ =	swait.ge [sflag:s25], $0x4000  }
0xb2: {  	[sflag:s25] =	ssyncset.done $0x0  }
0xb3: {  	s30 =	simm.s32 $0xFFFFB800;
	[sflag:s25] =	ssyncadd.s32 $0xFFFFC000  }
0xb4: {  	[tilespmem:s20], [sflag:$0x1] =	stream.indirect.gather [hbm4b:s1+s19], $0x80, s26, s19, $0xb8;
	[tilespmem:$0x1F000] =	vst v63  }
.LBB2_6:
0xb5: {  	_ =	swait.ge [sflag:s21], $0x4000  }
0xb6: {  	s31 =	sshra.s32 s30, $0x2;
	[sflag:s21] =	ssyncset.done $0x0  }
0xb7: {  	s0 =	sadd.s32 $0x2700, s31;
	[sflag:s21] =	ssyncadd.s32 $0xFFFFC000  }
0xb8: {  	[spmem:s3] =	stream.indirect.scatter.add.f32 [tilespmem:s20], [sflag:$0x3], $0x80, s0, s19, $0xb8;
	[tilespmem:$0x1F000] =	vst v63  }
0xb9: {  	_ =	swait.ge [sflag:s28], $0x4000  }
0xba: {  	[sflag:s28] =	ssyncset.done $0x0  }
0xbb: {  	s0 =	sadd.s32 $0x1380, s31;
	[sflag:s28] =	ssyncadd.s32 $0xFFFFC000  }
0xbc: {  	[tilespmem:s22], [sflag:$0x2] =	stream.indirect.gather [hbm4b:s1+s19], $0x80, s0, s19, $0xb8;
	[tilespmem:$0x1F000] =	vst v63  }
0xbd: {  	_ =	swait.ge [sflag:s23], $0x4000  }
0xbe: {  	p1 =	seq.s32 s30, $0x0;
	[sflag:s23] =	ssyncset.done $0x0  }
.Ltmp9:
0xbf: {  	s0 =	sadd.s32 $0x2780, s31;
	[sflag:s23] =	ssyncadd.s32 $0xFFFFC000;
	(pc) =	sbr.rel @p1 .LBB2_7-.Ltmp9, $4  }
0xc0: {  	[spmem:s3] =	stream.indirect.scatter.add.f32 [tilespmem:s22], [sflag:$0x4], $0x80, s0, s19, $0xb8;
	[tilespmem:$0x1F000] =	vst v63  }
0xc1: {  	_ =	swait.ge [sflag:s25], $0x4000  }
0xc2: {  	[sflag:s25] =	ssyncset.done $0x0  }
0xc3: {  	[sflag:s25] =	ssyncadd.s32 $0xFFFFC000  }
.Ltmp10:
0xc4: {  	(pc) =	sbr.rel .LBB2_6-.Ltmp10, $3  }
0xc5: {  	_ =	sdelay $0x1  }
0xc6: {  	s0 =	sadd.s32 $0x1400, s31;
	s30 =	sadd.s32 $0x400, s30  }
0xc7: {  	[tilespmem:s20], [sflag:$0x1] =	stream.indirect.gather [hbm4b:s1+s19], $0x80, s0, s19, $0xb8;
	[tilespmem:$0x1F000] =	vst v63  }
.LBB2_7:
.Ltmp11:
0xc8: {  	(pc) =	sbr.rel .LBB2_15-.Ltmp11, $2  }
0xc9: {  	_ =	sdelay $0x2  }
0xca: {  	s30 =	smov.u32 s7  }
.LBB2_16:
0xcb: {  	_ =	sfence.sel $0x180000  }
0xcc: {  	[bflag:$0x0] =	sbarrier.arrive $0xFFFF  }
0xcd: {  	_ =	strace $0x9000004A  }
0xce: {  	[bflag:$0x2] =	sbarrier.arrive $0xFFFF  }
0xcf: {  	p0 =	sne.s32 s2, $0x0;
	s0 =	rddreg [dreg:$0x3]  }
0xd0: {  	s0 =	sadd.s32 @!p0 $0x100000, s0  }
0xd1: {  	[sflag:s0] =	ssyncadd.tile.s32 @!p0 $0x1;
	_ =	shalt  }
.Lfunc_end2:
_tile_overlayer_lowered:
.L_overlay_start_2:
0xd2: {  	(tag) =	ssettag $0x2  }
0xd3: {  	s0 =	rddreg [dreg:$0x0];
	s2 =	stileid.u32  }
0xd4: {  	s1 =	rddreg [dreg:$0x1];
	p0 =	sne.s32 s2, $0x0  }
0xd5: {  	s3 =	rddreg [dreg:$0x2];
	[bflag:$0x3] =	sbarrier.arrive $0xFFFF;
	s2 =	simm.s32 @!p0 $0x1C05  }
0xd6: {  	[timem:s3], [sflag:s2] =	dma.local @!p0 [hbm:s0], s1  }
0xd7: {  	s0 =	simm.s32 @!p0 $0x5  }
0xd8: {  	_ =	swait.ge @!p0 [sflag:s0], s1  }
0xd9: {  	s1 =	ssub.s32 @!p0 $0x0, s1;
	[sflag:s0] =	ssyncset.done @!p0 $0x0  }
0xda: {  	[sflag:s0] =	ssyncadd.s32 @!p0 s1  }
0xdb: {  	[bflag:$0x3] =	sbarrier.arrive $0xFFFF  }
0xdc: {  	_ =	shalt  }

// kernel: kernel.8.cloned.1.call-start
scs
__scs_entry_jumppad:
0x0: {  	(pc) =	sbr.rel $0x88, $3  }
0x1: {  	(tag) =	ssettag $0x0;
	lr =	simm.s32 $0x1  }
0x2: {  	[smem:$0x3F9B] =	sst lr;
	_ =	strace $0xD0000000  }
0x3: {  	_ = 	snop  }
0x4: {  	_ = 	snop  }
0x5: {  	_ = 	snop  }
0x6: {  	_ = 	snop  }
0x7: {  	_ = 	snop  }
__scs_overlays_trampoline_lowered:
0x8: {  	[smem:$0x3FAA] =	sst s0  }
0x9: {  	[smem:$0x3FAB] =	sst s1  }
0xa: {  	[smem:$0x3FAC] =	sst s2  }
0xb: {  	[smem:$0x3FAD] =	sst s3  }
0xc: {  	[smem:$0x3FAE] =	sst s4  }
0xd: {  	[smem:$0x3FAF] =	sst s5  }
0xe: {  	[smem:$0x3FB0] =	sst s6  }
0xf: {  	[smem:$0x3FB1] =	sst s7  }
0x10: {  	[smem:$0x3FB2] =	sst s8  }
0x11: {  	[smem:$0x3FB3] =	sst s9;
	s0 =	simm.s32 @!p0 $0x0  }
0x12: {  	s1 =	sld [smem:$0x3F99];
	s0 =	simm.s32 @p0 $0x1  }
0x13: {  	[smem:$0x3FB4] =	sst s0;
	s0 =	simm.s32 @!p1 $0x0  }
0x14: {  	s2 =	sld [smem:$0x3F98];
	s0 =	simm.s32 @p1 $0x1  }
0x15: {  	[smem:$0x3FB5] =	sst s0;
	s0 =	simm.s32 @!p2 $0x0  }
0x16: {  	s3 =	sld [smem:$0x3FDB];
	s0 =	simm.s32 @p2 $0x1  }
0x17: {  	s4 =	simm.s32 $0x1BF5;
	[smem:$0x3FB7] =	sst s0  }
0x18: {  	s0 =	sld [smem:$0x3F9A];
	_ =	swait.ge [sflag:s4], $0x0  }
0x19: {  	s7 =	sld [smem:$0x3F9B]  }
0x1a: {  	s8 =	sadd.s32 $0xFFFFE003, lr  }
0x1b: {  	s9 =	sadd.s32 $0xFFFFFEF7, lr;
	s5 =	simm.s32 $0xFFFFFFFF;
	p2 =	slt.u32 s8, $0xFFFFF086  }
0x1c: {  	p1 =	slt.u32 s9, $0xF7A;
	s5 =	simm.s32 @!p2 $0x0  }
0x1d: {  	s5 =	simm.s32 @p1 $0x1;
	p0 =	seq.s32 s7, s2  }
0x1e: {  	s7 =	smul.u32 @!p0 $0xF7A, s2;
	p2 =	seq.s32 @!p0 s5, $0x0  }
0x1f: {  	s9 =	smul.u32 $0xF7A, s1;
	s8 =	simm.s32 @!p0 $0x1BF5;
	p2 =	por !p2, p0  }
0x20: {  	[sflag:s8] =	ssyncset.s32 @!p0 $0xFFFFF086;
	s6 =	sadd.s32 @!p0 s3, s7;
	s7 =	simm.s32 @!p0 $0x108  }
0x21: {  	s3 =	sadd.s32 s3, s9;
	s6 =	sadd.s32 @!p0 $0x88, s6;
	s7 =	simm.s32 @p2 $0x1082  }
0x22: {  	[simem:s7], [sflag:s8] =	dma.local @!p0 [hbm:s6], $0xF7A  }
0x23: {  	s9 =	sor.u32 $0xD0000000, s2;
	s6 =	simm.s32 $0x108;
	_ =	swait.ge @!p0 [sflag:s8], $0x0  }
0x24: {  	s3 =	sadd.s32 $0x88, s3;
	s6 =	simm.s32 @!p1 $0x1082;
	[sflag:s4] =	ssyncset.s32 $0xFFFFF086  }
0x25: {  	[simem:s6], [sflag:s4] =	dma.local [hbm:s3], $0xF7A  }
0x26: {  	[smem:$0x3F9B] =	sst s1;
	(tag) =	ssettag s2;
	_ =	strace s9  }
0x27: {  	s1 =	sld [smem:$0x3FAB]  }
0x28: {  	s2 =	sld [smem:$0x3FAC]  }
0x29: {  	s4 =	sld [smem:$0x3FAE]  }
0x2a: {  	p0 =	seq.s32 s5, $0x0;
	s5 =	sld [smem:$0x3FAF]  }
0x2b: {  	s6 =	sld [smem:$0x3FB0]  }
0x2c: {  	s7 =	sld [smem:$0x3FB1]  }
0x2d: {  	s3 =	simm.s32 $0x108;
	s8 =	sld [smem:$0x3FB2]  }
0x2e: {  	s3 =	simm.s32 @!p0 $0x1082;
	s9 =	sld [smem:$0x3FB3]  }
0x2f: {  	lr =	sadd.s32 s0, s3;
	s0 =	sld [smem:$0x3FAA]  }
0x30: {  	s3 =	sld [smem:$0x3FAD]  }
0x31: {  	[smem:$0x3FB6] =	sst s10  }
0x32: {  	s10 =	sld [smem:$0x3FB4];
	_ =	sdelay $0x3  }
0x33: {  	p0 =	seq.s32 s10, $0x1;
	s10 =	sld [smem:$0x3FB6];
	_ =	sdelay $0x3  }
0x34: {  	[smem:$0x3FB6] =	sst s10  }
0x35: {  	s10 =	sld [smem:$0x3FB5];
	_ =	sdelay $0x3  }
0x36: {  	p1 =	seq.s32 s10, $0x1;
	s10 =	sld [smem:$0x3FB6];
	_ =	sdelay $0x3  }
0x37: {  	[smem:$0x3FB6] =	sst s10  }
0x38: {  	s10 =	sld [smem:$0x3FB7]  }
0x39: {  	_ = 	snop;
	(pc) =	sbr.ind lr, $3  }
0x3a: {  	_ = 	snop  }
0x3b: {  	_ = 	snop  }
0x3c: {  	p2 =	seq.s32 s10, $0x1;
	s10 =	sld [smem:$0x3FB6]  }
0x3d: {  	_ =	shalt  }
0x3e: {  	_ =	shalt  }
0x3f: {  	_ =	shalt  }
0x40: {  	_ =	shalt  }
0x41: {  	_ =	shalt  }
0x42: {  	_ =	shalt  }
0x43: {  	_ =	shalt  }
0x44: {  	_ =	shalt  }
0x45: {  	_ =	shalt  }
0x46: {  	_ =	shalt  }
0x47: {  	_ =	shalt  }
0x48: {  	_ =	shalt  }
0x49: {  	_ =	shalt  }
0x4a: {  	_ =	shalt  }
0x4b: {  	_ =	shalt  }
0x4c: {  	_ =	shalt  }
0x4d: {  	_ =	shalt  }
0x4e: {  	_ =	shalt  }
0x4f: {  	_ =	shalt  }
0x50: {  	_ =	shalt  }
0x51: {  	_ =	shalt  }
0x52: {  	_ =	shalt  }
0x53: {  	_ =	shalt  }
0x54: {  	_ =	shalt  }
0x55: {  	_ =	shalt  }
0x56: {  	_ =	shalt  }
0x57: {  	_ =	shalt  }
0x58: {  	_ =	shalt  }
0x59: {  	_ =	shalt  }
0x5a: {  	_ =	shalt  }
0x5b: {  	_ =	shalt  }
0x5c: {  	_ =	shalt  }
0x5d: {  	_ =	shalt  }
0x5e: {  	_ =	shalt  }
0x5f: {  	_ =	shalt  }
0x60: {  	_ =	shalt  }
0x61: {  	_ =	shalt  }
0x62: {  	_ =	shalt  }
0x63: {  	_ =	shalt  }
0x64: {  	_ =	shalt  }
0x65: {  	_ =	shalt  }
0x66: {  	_ =	shalt  }
0x67: {  	_ =	shalt  }
0x68: {  	_ =	shalt  }
0x69: {  	_ =	shalt  }
0x6a: {  	_ =	shalt  }
0x6b: {  	_ =	shalt  }
0x6c: {  	_ =	shalt  }
0x6d: {  	_ =	shalt  }
0x6e: {  	_ =	shalt  }
0x6f: {  	_ =	shalt  }
0x70: {  	_ =	shalt  }
0x71: {  	_ =	shalt  }
0x72: {  	_ =	shalt  }
0x73: {  	_ =	shalt  }
0x74: {  	_ =	shalt  }
0x75: {  	_ =	shalt  }
0x76: {  	_ =	shalt  }
0x77: {  	_ =	shalt  }
0x78: {  	_ =	shalt  }
0x79: {  	_ =	shalt  }
0x7a: {  	_ =	shalt  }
0x7b: {  	_ =	shalt  }
0x7c: {  	_ =	shalt  }
0x7d: {  	_ =	shalt  }
0x7e: {  	_ =	shalt  }
0x7f: {  	_ =	shalt  }
0x80: {  	_ =	shalt  }
0x81: {  	_ =	shalt  }
0x82: {  	_ =	shalt  }
0x83: {  	_ =	shalt  }
0x84: {  	_ =	shalt  }
0x85: {  	_ =	shalt  }
0x86: {  	_ =	shalt  }
0x87: {  	_ =	shalt  }
.Lfunc_end0:
.L_simem_size_0:
called_computation_lowered:
.L_overlay_start_0:
0x88: {  	s2 =	sld [smem:$0x3FD9]  }
0x89: {  	s3 =	sld [smem:$0x3FFE];
	_ =	sdelay $0x1  }
0x8a: {  	s1 =	srdreg.scid  }
0x8b: {  	s0 =	sand.u32 $0x1, s1  }
0x8c: {  	s14 =	sshll.u32 s0, $0xA;
	s2 =	sadd.s32 s3, s2  }
0x8d: {  	s2 =	sadd.s32 s2, s14  }
0x8e: {  	[smem:$0x3FC2] =	sst s2  }
0x8f: {  	_ = 	snop  }
0x90: {  	s2 =	sld [smem:$0x3FD0];
	_ =	sdelay $0x2  }
0x91: {  	s15 =	simm.s32 $0xB;
	s4 =	simm.s32 $0x10  }
0x92: {  	[smem:s4], [sflag:s15] =	dma.local [hbm:s2], $0x1  }
0x93: {  	_ =	swait.eq [sflag:s15], $0x1  }
0x94: {  	[sflag:s15] =	ssyncset.done $0x0  }
0x95: {  	s16 =	sld [smem:$0x10];
	[sflag:s15] =	ssyncadd.s32 $0xFFFFFFFF  }
0x96: {  	s17 =	sld [smem:$0x11];
	(tm) =	ssettm $0x1  }
0x97: {  	s18 =	sld [smem:$0x3FFB];
	_ =	sdelay $0x3  }
0x98: {  	_ =	strace s18  }
0x99: {  	s4 =	sld [smem:$0x3FFC];
	_ =	sdelay $0x3  }
0x9a: {  	_ =	strace s4  }
0x9b: {  	s4 =	sld [smem:$0x3FFD];
	_ =	sdelay $0x3  }
0x9c: {  	_ =	strace s4  }
0x9d: {  	_ =	strace $0x8FFFFFFF  }
0x9e: {  	s19 =	sld [smem:$0x3FDB];
	_ =	sdelay $0x1  }
0x9f: {  	s5 =	simm.s32 $_scs_section_size  }
0xa0: {  	s6 =	simm.s32 $_size__tile_overlayer_lowered;
	s7 =	simm.s32 $_tile_overlayer_lowered  }
0xa1: {  	s22 =	simm.s32 $0x1BFF;
	s21 =	sshll.u32 s7, $0x1;
	s4 =	sadd.s32 s5, s19  }
0xa2: {  	s8 =	simm.s32 $0x0;
	s20 =	sshll.u32 s6, $0x1;
	s6 =	sadd.s32 s21, s4  }
0xa3: {  	[timem:s8], [sflag:s22] =	dma.local [hbm:s6], s20  }
0xa4: {  	_ =	swait.ge [sflag:s22], s20  }
0xa5: {  	s5 =	ssub.s32 $0x0, s20;
	[sflag:s22] =	ssyncset.done $0x0  }
0xa6: {  	[sflag:s22] =	ssyncadd.s32 s5;
	_ =	sdelay $0x1  }
0xa7: {  	s23 =	simm.s32 $0x1B8B  }
0xa8: {  	_ =	swait.ge [sflag:s23], $0x1  }
0xa9: {  	[sflag:s23] =	ssyncset.done $0x0  }
0xaa: {  	s25 =	simm.s32 $0x1B8E;
	s24 =	sld [smem:$0x3FFE];
	[sflag:s23] =	ssyncadd.s32 $0xFFFFFFFF  }
0xab: {  	s26 =	simm.s32 $execute0_lowered;
	[smem:$0x3FD2] =	sst s25  }
0xac: {  	s6 =	sshll.u32 s26, $0x1;
	_ =	strace $0x80000046;
	[dreg:$0x1] =	wrdreg $0xFFFFFFFF  }
0xad: {  	s28 =	simm.s32 $_size_execute0_lowered;
	s4 =	sadd.s32 s4, s6;
	[dreg:$0x0] =	wrdreg $0x0  }
0xae: {  	s6 =	sshll.u32 s28, $0x1;
	[dreg:$0x2] =	wrdreg s4  }
0xaf: {  	[dreg:$0x3] =	wrdreg s6  }
0xb0: {  	[dreg:$0x4] =	wrdreg $0xC0  }
0xb1: {  	_ =	task [dreg:s8], $0x5FFFF  }
0xb2: {  	[dreg:$0x1] =	wrdreg $0xFFFFFFFF  }
0xb3: {  	[dreg:$0x0] =	wrdreg $0x60  }
0xb4: {  	[dreg:$0x2] =	wrdreg s24  }
0xb5: {  	[dreg:$0x3] =	wrdreg s16  }
0xb6: {  	[dreg:$0x4] =	wrdreg s17  }
0xb7: {  	[dreg:$0x5] =	wrdreg $0x9  }
0xb8: {  	_ =	task.clear_ibuf [dreg:s8], $0x6FFFF;
	_ =	strace $0x90000046  }
0xb9: {  	s29 =	simm.s32 $0x9;
	_ =	strace $0x80000048  }
0xba: {  	_ =	swait.ge [sflag:s29], $0x1  }
0xbb: {  	[sflag:s29] =	ssyncadd.s32 $0xFFFFFFFF  }
0xbc: {  	_ =	strace $0x90000048  }
0xbd: {  	_ =	sfence  }
0xbe: {  	s30 =	sld [smem:$0x0];
	_ =	sdelay $0x2  }
0xbf: {  	s31 =	sshll.u32 s1, $0xD;
	s1 =	sshrl.u32 s1, $0x2  }
0xc0: {  	s3 =	sand.u32 $0x4000, s31;
	s1 =	sadd.s32 s1, s30  }
0xc1: {  	s0 =	sor.u32 s3, s0;
	s1 =	sshll.u32 s1, $0x11  }
0xc2: {  	s0 =	sor.u32 s1, s0  }
0xc3: {  	s0 =	sadd.s32 $0x8F2B, s0  }
0xc4: {  	[sflag:s0] =	ssyncadd.remote.s32 $0x1  }
0xc5: {  	_ =	sfence.sel $0xFFFF  }
0xc6: {  	[dreg:$0x0] =	wrdreg $0xFFFFFFFF;
	(pc) =	sbr.abs _section_cstart, $3  }
0xc7: {  	[dreg:$0x1] =	wrdreg $0xFFFFFFFF  }
0xc8: {  	_ =	task.clear_ibuf [dreg:s8], $0x2FFFF;
	_ =	strace $0x9FFFFFFF  }
0xc9: {  	(tm) =	ssettm $0x7FFFFFFF  }
tec
execute0_lowered:
.L_overlay_start_1:
0x0: {  	(tag) =	ssettag $0x1  }
0x1: {  	s4 =	rddreg [dreg:$0x0];
	s0 =	srdreg.scid  }
0x2: {  	s2 =	rddreg [dreg:$0x1];
	s5 =	sand.u32 $0x1, s0  }
0x3: {  	s6 =	rddreg [dreg:$0x2];
	s1 =	stileid.u32;
	s3 =	sshll.u32 s5, $0x4  }
0x4: {  	s0 =	rddreg [dreg:$0x3];
	s7 =	sor.u32 s1, s3  }
0x5: {  	s5 =	ssub.s32 $0x2, s5;
	s3 =	simm.s32 $0x0;
	s8 =	smul.u32 $0x280, s7  }
0x6: {  	s9 =	sshrl.u32 s5, $0x1;
	[smem:$0x7FF] =	sst s3;
	s7 =	smul.u32 $0x520, s7  }
0x7: {  	s31 =	ssub.s32 s5, s9;
	s9 =	simm.s32 $0x0;
	_ =	strace $0x80000047  }
0x8: {  	s4 =	sadd.s32 s8, s4;
	s5 =	sadd.s32 s6, s7;
	s6 =	smax.u32 s31, $0x1  }
0x9: {  	v0 =	vimm.f32 $1.000000000e+00;
	s7 =	simm.s32 $0x1;
	s8 =	simm.s32 $0x1400;
	s4 =	sadd.s32 $0x8400, s4  }
.LBB2_1:
0xa: {  	[tilespmem:s3], [sflag:$0x1] =	stream.linear.gather [hbm4b:s4+s3], $0x1400, $0x38;
	[tilespmem:$0x3D00] =	vst v63  }
0xb: {  	_ =	swait.ge [sflag:s7], $0x1400  }
0xc: {  	[sflag:s7] =	ssyncset.done $0x0  }
0xd: {  	[sflag:s7] =	ssyncadd.s32 $0xFFFFEC00  }
0xe: {  	[tilespmem:s8], [sflag:$0x1] =	stream.linear.gather [hbm4b:s2+s3], $0x2900, $0x38;
	[tilespmem:$0x3D00] =	vst v63  }
0xf: {  	_ =	swait.ge [sflag:s7], $0x2900  }
0x10: {  	[sflag:s7] =	ssyncset.done $0x0  }
0x11: {  	s11 =	simm.s32 $0x0;
	s10 =	simm.s32 $0x40;
	[sflag:s7] =	ssyncadd.s32 $0xFFFFD700  }
.LBB2_2:
0x12: {  	p0 =	sne.s32 s10, $0x4FC0;
	v1 =	vld [tilespmem:s11+$0x0];
	_ =	sdelay $0x3  }
.Ltmp0:
0x13: {  	(pc) =	sbr.rel @p0 .LBB2_2-.Ltmp0, $2  }
0x14: {  	_ =	sdelay $0x2  }
0x15: {  	s11 =	sshra.s32 s10, $0x2;
	s10 =	sadd.s32 $0x40, s10;
	[tilespmem:v1+s8+$0x0] =	vst.idx.add.f32.msk $0xffff, v0  }
0x16: {  	v1 =	vld [tilespmem:s11+$0x0];
	_ =	sdelay $0x5  }
0x17: {  	s9 =	sadd.s32 $0x1, s9  }
0x18: {  	p0 =	sne.s32 s9, s6  }
.Ltmp1:
0x19: {  	[tilespmem:v1+s8+$0x0] =	vst.idx.add.f32.msk $0xffff, v0;
	(pc) =	sbr.rel @p0 .LBB2_1-.Ltmp1, $4  }
0x1a: {  	[hbm4b:s5+s3] =	stream.linear.scatter [tilespmem:s8], [sflag:$0x1], $0x2900, $0x38;
	[tilespmem:$0x3D00] =	vst v63  }
0x1b: {  	_ =	swait.ge [sflag:s7], $0x2900  }
0x1c: {  	[sflag:s7] =	ssyncset.done $0x0  }
0x1d: {  	[sflag:s7] =	ssyncadd.s32 $0xFFFFD700  }
0x1e: {  	_ =	sfence.sel $0x180000  }
0x1f: {  	[bflag:$0x0] =	sbarrier.arrive $0xFFFF  }
0x20: {  	p0 =	sne.s32 s1, $0x0;
	_ =	strace $0x90000047  }
0x21: {  	s0 =	sadd.s32 @!p0 $0x100000, s0;
	[bflag:$0x2] =	sbarrier.arrive $0xFFFF  }
0x22: {  	[sflag:s0] =	ssyncadd.tile.s32 @!p0 $0x1;
	_ =	shalt  }
.Lfunc_end2:
_tile_overlayer_lowered:
.L_overlay_start_2:
0x23: {  	(tag) =	ssettag $0x2  }
0x24: {  	s0 =	rddreg [dreg:$0x0];
	s2 =	stileid.u32  }
0x25: {  	s1 =	rddreg [dreg:$0x1];
	p0 =	sne.s32 s2, $0x0  }
0x26: {  	s3 =	rddreg [dreg:$0x2];
	[bflag:$0x3] =	sbarrier.arrive $0xFFFF;
	s2 =	simm.s32 @!p0 $0x1C01  }
0x27: {  	[timem:s3], [sflag:s2] =	dma.local @!p0 [hbm:s0], s1  }
0x28: {  	s0 =	simm.s32 @!p0 $0x1  }
0x29: {  	_ =	swait.ge @!p0 [sflag:s0], s1  }
0x2a: {  	s1 =	ssub.s32 @!p0 $0x0, s1;
	[sflag:s0] =	ssyncset.done @!p0 $0x0  }
0x2b: {  	[sflag:s0] =	ssyncadd.s32 @!p0 s1  }
0x2c: {  	[bflag:$0x3] =	sbarrier.arrive $0xFFFF  }
0x2d: {  	_ =	shalt  }

</sc_bundles>
